<compile_context>
chip_gen: v7x
topology: tpu7x:2x2x1
jax: 0.10.2.dev20260603
libtpu: 0.0.44.dev20260713+nightly
codegen_flags: <defaults>
</compile_context>

<pallas_src>
import functools

import jax
import jax.numpy as jnp
from jax import lax
from jax.experimental import pallas as pl
from jax.experimental.pallas import tpu as pltpu
from jax.experimental.pallas import tpu_sc as plsc

NC = 2
NS = 16
LANES = 16
NW = NC * NS


def _rsqrt(x):
    i = plsc.bitcast(x, jnp.int32)
    i = jnp.int32(0x5F3759DF) - (i >> 1)
    y = plsc.bitcast(i, jnp.float32)
    for _ in range(3):
        y = y * (1.5 - 0.5 * x * y * y)
    return y


def _gather_normalize(table, idx2d, batch, seq):
    D = table.shape[1]
    NB = LANES
    CH = NB * seq
    SUB = 80
    n_sub = CH // SUB
    b_per_w = batch // NW
    n_chunks = b_per_w // NB
    n_pairs = n_chunks // 2

    mesh = plsc.VectorSubcoreMesh(core_axis_name="c", subcore_axis_name="s")

    @functools.partial(
        pl.kernel,
        out_type=jax.ShapeDtypeStruct((seq, D, batch), jnp.float32),
        mesh=mesh,
        compiler_params=pltpu.CompilerParams(
            needs_layout_passes=False, use_tc_tiling_on_sc=False),
        scratch_types=[
            pltpu.VMEM((n_sub, SUB), jnp.int32),
            pltpu.VMEM((n_sub, SUB), jnp.int32),
            pltpu.VMEM((CH, D), jnp.float32),
            pltpu.VMEM((CH, D), jnp.float32),
            pltpu.VMEM((seq, D, NB), jnp.float32),
            pltpu.VMEM((seq, D, NB), jnp.float32),
            pltpu.SemaphoreType.DMA,
            pltpu.SemaphoreType.DMA,
            pltpu.SemaphoreType.DMA,
            pltpu.SemaphoreType.DMA,
        ],
    )
    def k(table_hbm, idx_hbm, out_hbm,
          i0, i1, d0, d1, t0, t1, sga, sgb, so0, so1):
        wid = lax.axis_index("s") * NC + lax.axis_index("c")
        wb = wid * b_per_w
        wrow = wid * (b_per_w * seq // SUB)

        def fire(c, ibuf, dbuf, sem):
            pltpu.sync_copy(idx_hbm.at[pl.ds(wrow + c * n_sub, n_sub)], ibuf)
            for j in range(n_sub):
                pltpu.async_copy(
                    table_hbm.at[ibuf.at[j]],
                    dbuf.at[pl.ds(j * SUB, SUB)],
                    sem,
                )

        def drain_gathers(ibuf, dbuf, sem):
            for j in range(n_sub):
                pltpu.make_async_copy(
                    table_hbm.at[ibuf.at[j]],
                    dbuf.at[pl.ds(j * SUB, SUB)],
                    sem,
                ).wait()

        def normalize(dbuf, tbuf):
            @pl.loop(0, seq)
            def _step(s):
                lane = lax.iota(jnp.int32, LANES)
                rvec = s + seq * lane
                svec = jnp.full((LANES,), s, jnp.int32)
                diag = [(lane + e) & (D - 1) for e in range(D)]
                cols = []
                acc = jnp.zeros((LANES,), jnp.float32)
                for e in range(D):
                    v = plsc.load_gather(dbuf, [rvec, diag[e]])
                    cols.append(v)
                    acc = acc + v * v
                y = _rsqrt(acc)
                for e in range(D):
                    plsc.store_scatter(tbuf, [svec, diag[e], lane],
                                       cols[e] * y)

        def finish(c, ibuf, dbuf, tbuf, semg, semo):
            drain_gathers(ibuf, dbuf, semg)
            normalize(dbuf, tbuf)
            pltpu.async_copy(
                tbuf, out_hbm.at[:, :, pl.ds(wb + c * NB, NB)], semo)

        def drain_out(c, tbuf, semo):
            pltpu.make_async_copy(
                tbuf, out_hbm.at[:, :, pl.ds(wb + c * NB, NB)], semo).wait()

        fire(0, i0, d0, sga)

        @pl.loop(0, n_pairs)
        def _pair(p):
            c0 = 2 * p
            c1 = c0 + 1

            @pl.when(p > 0)
            def _():
                drain_out(c1 - 2, t1, so1)
            fire(c1, i1, d1, sgb)
            finish(c0, i0, d0, t0, sga, so0)

            @pl.when(p < n_pairs - 1)
            def _():
                drain_out(c0, t0, so0)
                fire(c0 + 2, i0, d0, sga)
            finish(c1, i1, d1, t1, sgb, so1)

        drain_out(n_chunks - 2, t0, so0)
        drain_out(n_chunks - 1, t1, so1)

    return k(table, idx2d)


def kernel(features, table):
    B, S = features.shape
    D = table.shape[1]
    idx2d = features.reshape(B * S // 80, 80)
    res = _gather_normalize(table, idx2d, B, S)
    return jnp.transpose(res, (2, 0, 1))

# --- scband reference (transcript-rebuilt; emitter-appended) ---
"""Pipeline reference for scband-embedding-59914793779499 (READ-ONLY COPY).

The authoritative reference and input builder live on the scoring server;
editing this copy changes nothing except your own understanding.
"""

import jax, jax.numpy as jnp
import numpy as np

VOCAB = 1000000
EMBED = 32
BATCH = 16384
SEQ = 50


def setup_inputs(seed: int = 0) -> dict:
    key = jax.random.key(seed)
    k1, k2 = jax.random.split(key)
    features = jax.random.randint(k1, (BATCH, SEQ), 0, VOCAB, dtype=jnp.int32)
    table = jax.random.normal(k2, (VOCAB, EMBED), dtype=jnp.float32)
    return {"features": features, "table": table}


def reference(features, table):
    # embedding lookup (gather)
    out = jnp.take(table, features, axis=0)  # [B, S, D]
    # L2-normalize along last dim (torch.norm(embed, 2, 2, keepdim=True))
    norm = jnp.sqrt(jnp.sum(out * out, axis=2, keepdims=True))
    out = out / norm
    return out

if __name__ == "__main__":
    import jax
    _d = setup_inputs()
    print(jax.jit(kernel)(*tuple(_d.values())))

</pallas_src>

<mosaic_0001>
#map = affine_map<(d0, d1) -> (0, 0)>
#map1 = affine_map<(d0, d1) -> (0, 0, 0)>
module attributes {stable_mosaic.version = 14 : i64} {
  func.func @k(%arg0: i32, %arg1: i32, %arg2: memref<1000000x32xf32, #tpu.memory_space<hbm>>, %arg3: memref<10240x80xi32, #tpu.memory_space<hbm>>, %arg4: memref<50x32x16384xf32, #tpu.memory_space<hbm>>, %arg5: memref<10x80xi32, #tpu.memory_space<vmem>>, %arg6: memref<10x80xi32, #tpu.memory_space<vmem>>, %arg7: memref<800x32xf32, #tpu.memory_space<vmem>>, %arg8: memref<800x32xf32, #tpu.memory_space<vmem>>, %arg9: memref<50x32x16xf32, #tpu.memory_space<vmem>>, %arg10: memref<50x32x16xf32, #tpu.memory_space<vmem>>, %arg11: memref<!tpu.dma_semaphore, #tpu.memory_space<semaphore_mem>>, %arg12: memref<!tpu.dma_semaphore, #tpu.memory_space<semaphore_mem>>, %arg13: memref<!tpu.dma_semaphore, #tpu.memory_space<semaphore_mem>>, %arg14: memref<!tpu.dma_semaphore, #tpu.memory_space<semaphore_mem>>) attributes {dimension_semantics = [#tpu.dimension_semantics<core_parallel>, #tpu.dimension_semantics<subcore_parallel>], iteration_bounds = array<i64: 2, 16>, scalar_prefetch = 0 : i64, scratch_operands = 10 : i64, tpu.core_type = #tpu.core_type<sc_vector_subcore>, window_params = [{transform_indices = #map}, {transform_indices = #map}, {transform_indices = #map1}]} {
    %mul3A = arith.constant 2 : i32
    %mul3A_0 = arith.muli %arg1, %mul3A : i32
    %add3A = arith.addi %mul3A_0, %arg0 : i32
    %mul3A_1 = arith.constant 512 : i32
    %mul3A_2 = arith.muli %add3A, %mul3A_1 : i32
    %mul3A_3 = arith.constant 320 : i32
    %mul3A_4 = arith.muli %add3A, %mul3A_3 : i32
    %add3A_5 = arith.constant 0 : i32
    %add3A_6 = arith.addi %mul3A_4, %add3A_5 : i32
    "tpu.region"() ({
      %run_scoped3A = tpu.sem_alloc : memref<!tpu.dma_semaphore, #tpu.memory_space<semaphore_mem>>
      %dma_start3A_125 = arith.constant 0 : i32
      %dma_start3A_126 = tpu.memref_slice %arg3[%add3A_6, %dma_start3A_125] : memref<10240x80xi32, #tpu.memory_space<hbm>> -> memref<10x80xi32, #tpu.memory_space<hbm>>
      %dma_start3A_127 = arith.constant 0 : i32
      %dma_start3A_128 = tpu.memref_slice %arg3[%add3A_6, %dma_start3A_127] : memref<10240x80xi32, #tpu.memory_space<hbm>> -> memref<10x80xi32, #tpu.memory_space<hbm>>
      tpu.enqueue_dma source(%dma_start3A_128 : memref<10x80xi32, #tpu.memory_space<hbm>>) target(%arg5 : memref<10x80xi32, #tpu.memory_space<vmem>>) target_semaphore(%run_scoped3A : memref<!tpu.dma_semaphore, #tpu.memory_space<semaphore_mem>>)
      %dma_wait3A_129 = arith.constant 0 : i32
      %dma_wait3A_130 = tpu.memref_slice %arg3[%add3A_6, %dma_wait3A_129] : memref<10240x80xi32, #tpu.memory_space<hbm>> -> memref<10x80xi32, #tpu.memory_space<hbm>>
      %dma_wait3A_131 = arith.constant 0 : i32
      %dma_wait3A_132 = tpu.memref_slice %arg3[%add3A_6, %dma_wait3A_131] : memref<10240x80xi32, #tpu.memory_space<hbm>> -> memref<10x80xi32, #tpu.memory_space<hbm>>
      tpu.wait_dma2 semaphore(%run_scoped3A : memref<!tpu.dma_semaphore, #tpu.memory_space<semaphore_mem>>) src(%dma_wait3A_132 : memref<10x80xi32, #tpu.memory_space<hbm>>) dst(%arg5 : memref<10x80xi32, #tpu.memory_space<vmem>>)
      tpu.yield
    }) : () -> ()
    %dma_start3A = arith.constant 0 : i32
    %dma_start3A_7 = arith.constant 0 : i32
    %dma_start3A_8 = arith.constant 0 : i32
    %dma_start3A_9 = tpu.memref_slice %arg7[%dma_start3A_7, %dma_start3A_8] : memref<800x32xf32, #tpu.memory_space<vmem>> -> memref<80x32xf32, #tpu.memory_space<vmem>>
    %dma_start3A_10 = arith.constant 0 : i32
    %dma_start3A_11 = tpu.memref_slice %arg5[%dma_start3A, %dma_start3A_10] : memref<10x80xi32, #tpu.memory_space<vmem>> -> memref<1x80xi32, #tpu.memory_space<vmem>>
    %dma_start3A_12 = tpu.memref_squeeze %dma_start3A_11 : memref<1x80xi32, #tpu.memory_space<vmem>> -> memref<80xi32, #tpu.memory_space<vmem>>
    %dma_start3A_13 = arith.constant 0 : i32
    %dma_start3A_14 = arith.constant 0 : i32
    %dma_start3A_15 = tpu.memref_slice %arg2[%dma_start3A_13, %dma_start3A_14] : memref<1000000x32xf32, #tpu.memory_space<hbm>> -> memref<1000000x32xf32, #tpu.memory_space<hbm>>
    tpu.enqueue_indirect_dma source(%dma_start3A_15 : memref<1000000x32xf32, #tpu.memory_space<hbm>>) target(%dma_start3A_9 : memref<80x32xf32, #tpu.memory_space<vmem>>) offsets(%dma_start3A_12 : memref<80xi32, #tpu.memory_space<vmem>>) semaphore(%arg11 : memref<!tpu.dma_semaphore, #tpu.memory_space<semaphore_mem>>)
    %dma_start3A_16 = arith.constant 1 : i32
    %dma_start3A_17 = arith.constant 80 : i32
    %dma_start3A_18 = arith.constant 0 : i32
    %dma_start3A_19 = tpu.memref_slice %arg7[%dma_start3A_17, %dma_start3A_18] : memref<800x32xf32, #tpu.memory_space<vmem>> -> memref<80x32xf32, #tpu.memory_space<vmem>>
    %dma_start3A_20 = arith.constant 0 : i32
    %dma_start3A_21 = tpu.memref_slice %arg5[%dma_start3A_16, %dma_start3A_20] : memref<10x80xi32, #tpu.memory_space<vmem>> -> memref<1x80xi32, #tpu.memory_space<vmem>>
    %dma_start3A_22 = tpu.memref_squeeze %dma_start3A_21 : memref<1x80xi32, #tpu.memory_space<vmem>> -> memref<80xi32, #tpu.memory_space<vmem>>
    %dma_start3A_23 = arith.constant 0 : i32
    %dma_start3A_24 = arith.constant 0 : i32
    %dma_start3A_25 = tpu.memref_slice %arg2[%dma_start3A_23, %dma_start3A_24] : memref<1000000x32xf32, #tpu.memory_space<hbm>> -> memref<1000000x32xf32, #tpu.memory_space<hbm>>
    tpu.enqueue_indirect_dma source(%dma_start3A_25 : memref<1000000x32xf32, #tpu.memory_space<hbm>>) target(%dma_start3A_19 : memref<80x32xf32, #tpu.memory_space<vmem>>) offsets(%dma_start3A_22 : memref<80xi32, #tpu.memory_space<vmem>>) semaphore(%arg11 : memref<!tpu.dma_semaphore, #tpu.memory_space<semaphore_mem>>)
    %dma_start3A_26 = arith.constant 2 : i32
    %dma_start3A_27 = arith.constant 160 : i32
    %dma_start3A_28 = arith.constant 0 : i32
    %dma_start3A_29 = tpu.memref_slice %arg7[%dma_start3A_27, %dma_start3A_28] : memref<800x32xf32, #tpu.memory_space<vmem>> -> memref<80x32xf32, #tpu.memory_space<vmem>>
    %dma_start3A_30 = arith.constant 0 : i32
    %dma_start3A_31 = tpu.memref_slice %arg5[%dma_start3A_26, %dma_start3A_30] : memref<10x80xi32, #tpu.memory_space<vmem>> -> memref<1x80xi32, #tpu.memory_space<vmem>>
    %dma_start3A_32 = tpu.memref_squeeze %dma_start3A_31 : memref<1x80xi32, #tpu.memory_space<vmem>> -> memref<80xi32, #tpu.memory_space<vmem>>
    %dma_start3A_33 = arith.constant 0 : i32
    %dma_start3A_34 = arith.constant 0 : i32
    %dma_start3A_35 = tpu.memref_slice %arg2[%dma_start3A_33, %dma_start3A_34] : memref<1000000x32xf32, #tpu.memory_space<hbm>> -> memref<1000000x32xf32, #tpu.memory_space<hbm>>
    tpu.enqueue_indirect_dma source(%dma_start3A_35 : memref<1000000x32xf32, #tpu.memory_space<hbm>>) target(%dma_start3A_29 : memref<80x32xf32, #tpu.memory_space<vmem>>) offsets(%dma_start3A_32 : memref<80xi32, #tpu.memory_space<vmem>>) semaphore(%arg11 : memref<!tpu.dma_semaphore, #tpu.memory_space<semaphore_mem>>)
    %dma_start3A_36 = arith.constant 3 : i32
    %dma_start3A_37 = arith.constant 240 : i32
    %dma_start3A_38 = arith.constant 0 : i32
    %dma_start3A_39 = tpu.memref_slice %arg7[%dma_start3A_37, %dma_start3A_38] : memref<800x32xf32, #tpu.memory_space<vmem>> -> memref<80x32xf32, #tpu.memory_space<vmem>>
    %dma_start3A_40 = arith.constant 0 : i32
    %dma_start3A_41 = tpu.memref_slice %arg5[%dma_start3A_36, %dma_start3A_40] : memref<10x80xi32, #tpu.memory_space<vmem>> -> memref<1x80xi32, #tpu.memory_space<vmem>>
    %dma_start3A_42 = tpu.memref_squeeze %dma_start3A_41 : memref<1x80xi32, #tpu.memory_space<vmem>> -> memref<80xi32, #tpu.memory_space<vmem>>
    %dma_start3A_43 = arith.constant 0 : i32
    %dma_start3A_44 = arith.constant 0 : i32
    %dma_start3A_45 = tpu.memref_slice %arg2[%dma_start3A_43, %dma_start3A_44] : memref<1000000x32xf32, #tpu.memory_space<hbm>> -> memref<1000000x32xf32, #tpu.memory_space<hbm>>
    tpu.enqueue_indirect_dma source(%dma_start3A_45 : memref<1000000x32xf32, #tpu.memory_space<hbm>>) target(%dma_start3A_39 : memref<80x32xf32, #tpu.memory_space<vmem>>) offsets(%dma_start3A_42 : memref<80xi32, #tpu.memory_space<vmem>>) semaphore(%arg11 : memref<!tpu.dma_semaphore, #tpu.memory_space<semaphore_mem>>)
    %dma_start3A_46 = arith.constant 4 : i32
    %dma_start3A_47 = arith.constant 320 : i32
    %dma_start3A_48 = arith.constant 0 : i32
    %dma_start3A_49 = tpu.memref_slice %arg7[%dma_start3A_47, %dma_start3A_48] : memref<800x32xf32, #tpu.memory_space<vmem>> -> memref<80x32xf32, #tpu.memory_space<vmem>>
    %dma_start3A_50 = arith.constant 0 : i32
    %dma_start3A_51 = tpu.memref_slice %arg5[%dma_start3A_46, %dma_start3A_50] : memref<10x80xi32, #tpu.memory_space<vmem>> -> memref<1x80xi32, #tpu.memory_space<vmem>>
    %dma_start3A_52 = tpu.memref_squeeze %dma_start3A_51 : memref<1x80xi32, #tpu.memory_space<vmem>> -> memref<80xi32, #tpu.memory_space<vmem>>
    %dma_start3A_53 = arith.constant 0 : i32
    %dma_start3A_54 = arith.constant 0 : i32
    %dma_start3A_55 = tpu.memref_slice %arg2[%dma_start3A_53, %dma_start3A_54] : memref<1000000x32xf32, #tpu.memory_space<hbm>> -> memref<1000000x32xf32, #tpu.memory_space<hbm>>
    tpu.enqueue_indirect_dma source(%dma_start3A_55 : memref<1000000x32xf32, #tpu.memory_space<hbm>>) target(%dma_start3A_49 : memref<80x32xf32, #tpu.memory_space<vmem>>) offsets(%dma_start3A_52 : memref<80xi32, #tpu.memory_space<vmem>>) semaphore(%arg11 : memref<!tpu.dma_semaphore, #tpu.memory_space<semaphore_mem>>)
    %dma_start3A_56 = arith.constant 5 : i32
    %dma_start3A_57 = arith.constant 400 : i32
    %dma_start3A_58 = arith.constant 0 : i32
    %dma_start3A_59 = tpu.memref_slice %arg7[%dma_start3A_57, %dma_start3A_58] : memref<800x32xf32, #tpu.memory_space<vmem>> -> memref<80x32xf32, #tpu.memory_space<vmem>>
    %dma_start3A_60 = arith.constant 0 : i32
    %dma_start3A_61 = tpu.memref_slice %arg5[%dma_start3A_56, %dma_start3A_60] : memref<10x80xi32, #tpu.memory_space<vmem>> -> memref<1x80xi32, #tpu.memory_space<vmem>>
    %dma_start3A_62 = tpu.memref_squeeze %dma_start3A_61 : memref<1x80xi32, #tpu.memory_space<vmem>> -> memref<80xi32, #tpu.memory_space<vmem>>
    %dma_start3A_63 = arith.constant 0 : i32
    %dma_start3A_64 = arith.constant 0 : i32
    %dma_start3A_65 = tpu.memref_slice %arg2[%dma_start3A_63, %dma_start3A_64] : memref<1000000x32xf32, #tpu.memory_space<hbm>> -> memref<1000000x32xf32, #tpu.memory_space<hbm>>
    tpu.enqueue_indirect_dma source(%dma_start3A_65 : memref<1000000x32xf32, #tpu.memory_space<hbm>>) target(%dma_start3A_59 : memref<80x32xf32, #tpu.memory_space<vmem>>) offsets(%dma_start3A_62 : memref<80xi32, #tpu.memory_space<vmem>>) semaphore(%arg11 : memref<!tpu.dma_semaphore, #tpu.memory_space<semaphore_mem>>)
    %dma_start3A_66 = arith.constant 6 : i32
    %dma_start3A_67 = arith.constant 480 : i32
    %dma_start3A_68 = arith.constant 0 : i32
    %dma_start3A_69 = tpu.memref_slice %arg7[%dma_start3A_67, %dma_start3A_68] : memref<800x32xf32, #tpu.memory_space<vmem>> -> memref<80x32xf32, #tpu.memory_space<vmem>>
    %dma_start3A_70 = arith.constant 0 : i32
    %dma_start3A_71 = tpu.memref_slice %arg5[%dma_start3A_66, %dma_start3A_70] : memref<10x80xi32, #tpu.memory_space<vmem>> -> memref<1x80xi32, #tpu.memory_space<vmem>>
    %dma_start3A_72 = tpu.memref_squeeze %dma_start3A_71 : memref<1x80xi32, #tpu.memory_space<vmem>> -> memref<80xi32, #tpu.memory_space<vmem>>
    %dma_start3A_73 = arith.constant 0 : i32
    %dma_start3A_74 = arith.constant 0 : i32
    %dma_start3A_75 = tpu.memref_slice %arg2[%dma_start3A_73, %dma_start3A_74] : memref<1000000x32xf32, #tpu.memory_space<hbm>> -> memref<1000000x32xf32, #tpu.memory_space<hbm>>
    tpu.enqueue_indirect_dma source(%dma_start3A_75 : memref<1000000x32xf32, #tpu.memory_space<hbm>>) target(%dma_start3A_69 : memref<80x32xf32, #tpu.memory_space<vmem>>) offsets(%dma_start3A_72 : memref<80xi32, #tpu.memory_space<vmem>>) semaphore(%arg11 : memref<!tpu.dma_semaphore, #tpu.memory_space<semaphore_mem>>)
    %dma_start3A_76 = arith.constant 7 : i32
    %dma_start3A_77 = arith.constant 560 : i32
    %dma_start3A_78 = arith.constant 0 : i32
    %dma_start3A_79 = tpu.memref_slice %arg7[%dma_start3A_77, %dma_start3A_78] : memref<800x32xf32, #tpu.memory_space<vmem>> -> memref<80x32xf32, #tpu.memory_space<vmem>>
    %dma_start3A_80 = arith.constant 0 : i32
    %dma_start3A_81 = tpu.memref_slice %arg5[%dma_start3A_76, %dma_start3A_80] : memref<10x80xi32, #tpu.memory_space<vmem>> -> memref<1x80xi32, #tpu.memory_space<vmem>>
    %dma_start3A_82 = tpu.memref_squeeze %dma_start3A_81 : memref<1x80xi32, #tpu.memory_space<vmem>> -> memref<80xi32, #tpu.memory_space<vmem>>
    %dma_start3A_83 = arith.constant 0 : i32
    %dma_start3A_84 = arith.constant 0 : i32
    %dma_start3A_85 = tpu.memref_slice %arg2[%dma_start3A_83, %dma_start3A_84] : memref<1000000x32xf32, #tpu.memory_space<hbm>> -> memref<1000000x32xf32, #tpu.memory_space<hbm>>
    tpu.enqueue_indirect_dma source(%dma_start3A_85 : memref<1000000x32xf32, #tpu.memory_space<hbm>>) target(%dma_start3A_79 : memref<80x32xf32, #tpu.memory_space<vmem>>) offsets(%dma_start3A_82 : memref<80xi32, #tpu.memory_space<vmem>>) semaphore(%arg11 : memref<!tpu.dma_semaphore, #tpu.memory_space<semaphore_mem>>)
    %dma_start3A_86 = arith.constant 8 : i32
    %dma_start3A_87 = arith.constant 640 : i32
    %dma_start3A_88 = arith.constant 0 : i32
    %dma_start3A_89 = tpu.memref_slice %arg7[%dma_start3A_87, %dma_start3A_88] : memref<800x32xf32, #tpu.memory_space<vmem>> -> memref<80x32xf32, #tpu.memory_space<vmem>>
    %dma_start3A_90 = arith.constant 0 : i32
    %dma_start3A_91 = tpu.memref_slice %arg5[%dma_start3A_86, %dma_start3A_90] : memref<10x80xi32, #tpu.memory_space<vmem>> -> memref<1x80xi32, #tpu.memory_space<vmem>>
    %dma_start3A_92 = tpu.memref_squeeze %dma_start3A_91 : memref<1x80xi32, #tpu.memory_space<vmem>> -> memref<80xi32, #tpu.memory_space<vmem>>
    %dma_start3A_93 = arith.constant 0 : i32
    %dma_start3A_94 = arith.constant 0 : i32
    %dma_start3A_95 = tpu.memref_slice %arg2[%dma_start3A_93, %dma_start3A_94] : memref<1000000x32xf32, #tpu.memory_space<hbm>> -> memref<1000000x32xf32, #tpu.memory_space<hbm>>
    tpu.enqueue_indirect_dma source(%dma_start3A_95 : memref<1000000x32xf32, #tpu.memory_space<hbm>>) target(%dma_start3A_89 : memref<80x32xf32, #tpu.memory_space<vmem>>) offsets(%dma_start3A_92 : memref<80xi32, #tpu.memory_space<vmem>>) semaphore(%arg11 : memref<!tpu.dma_semaphore, #tpu.memory_space<semaphore_mem>>)
    %dma_start3A_96 = arith.constant 9 : i32
    %dma_start3A_97 = arith.constant 720 : i32
    %dma_start3A_98 = arith.constant 0 : i32
    %dma_start3A_99 = tpu.memref_slice %arg7[%dma_start3A_97, %dma_start3A_98] : memref<800x32xf32, #tpu.memory_space<vmem>> -> memref<80x32xf32, #tpu.memory_space<vmem>>
    %dma_start3A_100 = arith.constant 0 : i32
    %dma_start3A_101 = tpu.memref_slice %arg5[%dma_start3A_96, %dma_start3A_100] : memref<10x80xi32, #tpu.memory_space<vmem>> -> memref<1x80xi32, #tpu.memory_space<vmem>>
    %dma_start3A_102 = tpu.memref_squeeze %dma_start3A_101 : memref<1x80xi32, #tpu.memory_space<vmem>> -> memref<80xi32, #tpu.memory_space<vmem>>
    %dma_start3A_103 = arith.constant 0 : i32
    %dma_start3A_104 = arith.constant 0 : i32
    %dma_start3A_105 = tpu.memref_slice %arg2[%dma_start3A_103, %dma_start3A_104] : memref<1000000x32xf32, #tpu.memory_space<hbm>> -> memref<1000000x32xf32, #tpu.memory_space<hbm>>
    tpu.enqueue_indirect_dma source(%dma_start3A_105 : memref<1000000x32xf32, #tpu.memory_space<hbm>>) target(%dma_start3A_99 : memref<80x32xf32, #tpu.memory_space<vmem>>) offsets(%dma_start3A_102 : memref<80xi32, #tpu.memory_space<vmem>>) semaphore(%arg11 : memref<!tpu.dma_semaphore, #tpu.memory_space<semaphore_mem>>)
    %scan3A = arith.constant 0 : i32
    %scan3A_106 = arith.constant 16 : i32
    %scan3A_107 = arith.addi %scan3A, %scan3A_106 : i32
    %scan3A_108 = arith.constant 1 : i32
    scf.for %scan3A_125 = %scan3A to %scan3A_107 step %scan3A_108  : i32 {
      %mul3A_126 = arith.constant 1 : i32
      %mul3A_127 = arith.muli %scan3A_125, %mul3A_126 : i32
      %add3A_128 = arith.constant 0 : i32
      %add3A_129 = arith.addi %add3A_128, %mul3A_127 : i32
      %mul3A_130 = arith.constant 2 : i32
      %mul3A_131 = arith.muli %mul3A_130, %add3A_129 : i32
      %add3A_132 = arith.constant 1 : i32
      %add3A_133 = arith.addi %mul3A_131, %add3A_132 : i32
      %gt3A = arith.constant 0 : i32
      %gt3A_134 = arith.cmpi sgt, %add3A_129, %gt3A : i32
      %convert_element_type3A = arith.extui %gt3A_134 : i1 to i32
      %cond3A = arith.constant 0 : i32
      %cond3A_135 = arith.cmpi ne, %convert_element_type3A, %cond3A : i32
      scf.if %cond3A_135 {
        %sub3A = arith.constant 2 : i32
        %sub3A_471 = arith.subi %add3A_133, %sub3A : i32
        %mul3A_472 = arith.constant 16 : i32
        %mul3A_473 = arith.muli %sub3A_471, %mul3A_472 : i32
        %add3A_474 = arith.addi %mul3A_2, %mul3A_473 : i32
        %dma_wait3A_475 = arith.constant 0 : i32
        %dma_wait3A_476 = arith.constant 0 : i32
        %dma_wait3A_477 = tpu.memref_slice %arg4[%dma_wait3A_475, %dma_wait3A_476, %add3A_474] : memref<50x32x16384xf32, #tpu.memory_space<hbm>> -> memref<50x32x16xf32, #tpu.memory_space<hbm>>
        %dma_wait3A_478 = arith.constant 0 : i32
        %dma_wait3A_479 = arith.constant 0 : i32
        %dma_wait3A_480 = tpu.memref_slice %arg4[%dma_wait3A_478, %dma_wait3A_479, %add3A_474] : memref<50x32x16384xf32, #tpu.memory_space<hbm>> -> memref<50x32x16xf32, #tpu.memory_space<hbm>>
        tpu.wait_dma2 semaphore(%arg14 : memref<!tpu.dma_semaphore, #tpu.memory_space<semaphore_mem>>) src(%arg10 : memref<50x32x16xf32, #tpu.memory_space<vmem>>) dst(%dma_wait3A_480 : memref<50x32x16xf32, #tpu.memory_space<hbm>>)
      } else {
      }
      %mul3A_136 = arith.constant 10 : i32
      %mul3A_137 = arith.muli %add3A_133, %mul3A_136 : i32
      %add3A_138 = arith.addi %mul3A_4, %mul3A_137 : i32
      "tpu.region"() ({
        %run_scoped3A = tpu.sem_alloc : memref<!tpu.dma_semaphore, #tpu.memory_space<semaphore_mem>>
        %dma_start3A_471 = arith.constant 0 : i32
        %dma_start3A_472 = tpu.memref_slice %arg3[%add3A_138, %dma_start3A_471] : memref<10240x80xi32, #tpu.memory_space<hbm>> -> memref<10x80xi32, #tpu.memory_space<hbm>>
        %dma_start3A_473 = arith.constant 0 : i32
        %dma_start3A_474 = tpu.memref_slice %arg3[%add3A_138, %dma_start3A_473] : memref<10240x80xi32, #tpu.memory_space<hbm>> -> memref<10x80xi32, #tpu.memory_space<hbm>>
        tpu.enqueue_dma source(%dma_start3A_474 : memref<10x80xi32, #tpu.memory_space<hbm>>) target(%arg6 : memref<10x80xi32, #tpu.memory_space<vmem>>) target_semaphore(%run_scoped3A : memref<!tpu.dma_semaphore, #tpu.memory_space<semaphore_mem>>)
        %dma_wait3A_475 = arith.constant 0 : i32
        %dma_wait3A_476 = tpu.memref_slice %arg3[%add3A_138, %dma_wait3A_475] : memref<10240x80xi32, #tpu.memory_space<hbm>> -> memref<10x80xi32, #tpu.memory_space<hbm>>
        %dma_wait3A_477 = arith.constant 0 : i32
        %dma_wait3A_478 = tpu.memref_slice %arg3[%add3A_138, %dma_wait3A_477] : memref<10240x80xi32, #tpu.memory_space<hbm>> -> memref<10x80xi32, #tpu.memory_space<hbm>>
        tpu.wait_dma2 semaphore(%run_scoped3A : memref<!tpu.dma_semaphore, #tpu.memory_space<semaphore_mem>>) src(%dma_wait3A_478 : memref<10x80xi32, #tpu.memory_space<hbm>>) dst(%arg6 : memref<10x80xi32, #tpu.memory_space<vmem>>)
        tpu.yield
      }) : () -> ()
      %dma_start3A_139 = arith.constant 0 : i32
      %dma_start3A_140 = arith.constant 0 : i32
      %dma_start3A_141 = arith.constant 0 : i32
      %dma_start3A_142 = tpu.memref_slice %arg8[%dma_start3A_140, %dma_start3A_141] : memref<800x32xf32, #tpu.memory_space<vmem>> -> memref<80x32xf32, #tpu.memory_space<vmem>>
      %dma_start3A_143 = arith.constant 0 : i32
      %dma_start3A_144 = tpu.memref_slice %arg6[%dma_start3A_139, %dma_start3A_143] : memref<10x80xi32, #tpu.memory_space<vmem>> -> memref<1x80xi32, #tpu.memory_space<vmem>>
      %dma_start3A_145 = tpu.memref_squeeze %dma_start3A_144 : memref<1x80xi32, #tpu.memory_space<vmem>> -> memref<80xi32, #tpu.memory_space<vmem>>
      %dma_start3A_146 = arith.constant 0 : i32
      %dma_start3A_147 = arith.constant 0 : i32
      %dma_start3A_148 = tpu.memref_slice %arg2[%dma_start3A_146, %dma_start3A_147] : memref<1000000x32xf32, #tpu.memory_space<hbm>> -> memref<1000000x32xf32, #tpu.memory_space<hbm>>
      tpu.enqueue_indirect_dma source(%dma_start3A_148 : memref<1000000x32xf32, #tpu.memory_space<hbm>>) target(%dma_start3A_142 : memref<80x32xf32, #tpu.memory_space<vmem>>) offsets(%dma_start3A_145 : memref<80xi32, #tpu.memory_space<vmem>>) semaphore(%arg12 : memref<!tpu.dma_semaphore, #tpu.memory_space<semaphore_mem>>)
      %dma_start3A_149 = arith.constant 1 : i32
      %dma_start3A_150 = arith.constant 80 : i32
      %dma_start3A_151 = arith.constant 0 : i32
      %dma_start3A_152 = tpu.memref_slice %arg8[%dma_start3A_150, %dma_start3A_151] : memref<800x32xf32, #tpu.memory_space<vmem>> -> memref<80x32xf32, #tpu.memory_space<vmem>>
      %dma_start3A_153 = arith.constant 0 : i32
      %dma_start3A_154 = tpu.memref_slice %arg6[%dma_start3A_149, %dma_start3A_153] : memref<10x80xi32, #tpu.memory_space<vmem>> -> memref<1x80xi32, #tpu.memory_space<vmem>>
      %dma_start3A_155 = tpu.memref_squeeze %dma_start3A_154 : memref<1x80xi32, #tpu.memory_space<vmem>> -> memref<80xi32, #tpu.memory_space<vmem>>
      %dma_start3A_156 = arith.constant 0 : i32
      %dma_start3A_157 = arith.constant 0 : i32
      %dma_start3A_158 = tpu.memref_slice %arg2[%dma_start3A_156, %dma_start3A_157] : memref<1000000x32xf32, #tpu.memory_space<hbm>> -> memref<1000000x32xf32, #tpu.memory_space<hbm>>
      tpu.enqueue_indirect_dma source(%dma_start3A_158 : memref<1000000x32xf32, #tpu.memory_space<hbm>>) target(%dma_start3A_152 : memref<80x32xf32, #tpu.memory_space<vmem>>) offsets(%dma_start3A_155 : memref<80xi32, #tpu.memory_space<vmem>>) semaphore(%arg12 : memref<!tpu.dma_semaphore, #tpu.memory_space<semaphore_mem>>)
      %dma_start3A_159 = arith.constant 2 : i32
      %dma_start3A_160 = arith.constant 160 : i32
      %dma_start3A_161 = arith.constant 0 : i32
      %dma_start3A_162 = tpu.memref_slice %arg8[%dma_start3A_160, %dma_start3A_161] : memref<800x32xf32, #tpu.memory_space<vmem>> -> memref<80x32xf32, #tpu.memory_space<vmem>>
      %dma_start3A_163 = arith.constant 0 : i32
      %dma_start3A_164 = tpu.memref_slice %arg6[%dma_start3A_159, %dma_start3A_163] : memref<10x80xi32, #tpu.memory_space<vmem>> -> memref<1x80xi32, #tpu.memory_space<vmem>>
      %dma_start3A_165 = tpu.memref_squeeze %dma_start3A_164 : memref<1x80xi32, #tpu.memory_space<vmem>> -> memref<80xi32, #tpu.memory_space<vmem>>
      %dma_start3A_166 = arith.constant 0 : i32
      %dma_start3A_167 = arith.constant 0 : i32
      %dma_start3A_168 = tpu.memref_slice %arg2[%dma_start3A_166, %dma_start3A_167] : memref<1000000x32xf32, #tpu.memory_space<hbm>> -> memref<1000000x32xf32, #tpu.memory_space<hbm>>
      tpu.enqueue_indirect_dma source(%dma_start3A_168 : memref<1000000x32xf32, #tpu.memory_space<hbm>>) target(%dma_start3A_162 : memref<80x32xf32, #tpu.memory_space<vmem>>) offsets(%dma_start3A_165 : memref<80xi32, #tpu.memory_space<vmem>>) semaphore(%arg12 : memref<!tpu.dma_semaphore, #tpu.memory_space<semaphore_mem>>)
      %dma_start3A_169 = arith.constant 3 : i32
      %dma_start3A_170 = arith.constant 240 : i32
      %dma_start3A_171 = arith.constant 0 : i32
      %dma_start3A_172 = tpu.memref_slice %arg8[%dma_start3A_170, %dma_start3A_171] : memref<800x32xf32, #tpu.memory_space<vmem>> -> memref<80x32xf32, #tpu.memory_space<vmem>>
      %dma_start3A_173 = arith.constant 0 : i32
      %dma_start3A_174 = tpu.memref_slice %arg6[%dma_start3A_169, %dma_start3A_173] : memref<10x80xi32, #tpu.memory_space<vmem>> -> memref<1x80xi32, #tpu.memory_space<vmem>>
      %dma_start3A_175 = tpu.memref_squeeze %dma_start3A_174 : memref<1x80xi32, #tpu.memory_space<vmem>> -> memref<80xi32, #tpu.memory_space<vmem>>
      %dma_start3A_176 = arith.constant 0 : i32
      %dma_start3A_177 = arith.constant 0 : i32
      %dma_start3A_178 = tpu.memref_slice %arg2[%dma_start3A_176, %dma_start3A_177] : memref<1000000x32xf32, #tpu.memory_space<hbm>> -> memref<1000000x32xf32, #tpu.memory_space<hbm>>
      tpu.enqueue_indirect_dma source(%dma_start3A_178 : memref<1000000x32xf32, #tpu.memory_space<hbm>>) target(%dma_start3A_172 : memref<80x32xf32, #tpu.memory_space<vmem>>) offsets(%dma_start3A_175 : memref<80xi32, #tpu.memory_space<vmem>>) semaphore(%arg12 : memref<!tpu.dma_semaphore, #tpu.memory_space<semaphore_mem>>)
      %dma_start3A_179 = arith.constant 4 : i32
      %dma_start3A_180 = arith.constant 320 : i32
      %dma_start3A_181 = arith.constant 0 : i32
      %dma_start3A_182 = tpu.memref_slice %arg8[%dma_start3A_180, %dma_start3A_181] : memref<800x32xf32, #tpu.memory_space<vmem>> -> memref<80x32xf32, #tpu.memory_space<vmem>>
      %dma_start3A_183 = arith.constant 0 : i32
      %dma_start3A_184 = tpu.memref_slice %arg6[%dma_start3A_179, %dma_start3A_183] : memref<10x80xi32, #tpu.memory_space<vmem>> -> memref<1x80xi32, #tpu.memory_space<vmem>>
      %dma_start3A_185 = tpu.memref_squeeze %dma_start3A_184 : memref<1x80xi32, #tpu.memory_space<vmem>> -> memref<80xi32, #tpu.memory_space<vmem>>
      %dma_start3A_186 = arith.constant 0 : i32
      %dma_start3A_187 = arith.constant 0 : i32
      %dma_start3A_188 = tpu.memref_slice %arg2[%dma_start3A_186, %dma_start3A_187] : memref<1000000x32xf32, #tpu.memory_space<hbm>> -> memref<1000000x32xf32, #tpu.memory_space<hbm>>
      tpu.enqueue_indirect_dma source(%dma_start3A_188 : memref<1000000x32xf32, #tpu.memory_space<hbm>>) target(%dma_start3A_182 : memref<80x32xf32, #tpu.memory_space<vmem>>) offsets(%dma_start3A_185 : memref<80xi32, #tpu.memory_space<vmem>>) semaphore(%arg12 : memref<!tpu.dma_semaphore, #tpu.memory_space<semaphore_mem>>)
      %dma_start3A_189 = arith.constant 5 : i32
      %dma_start3A_190 = arith.constant 400 : i32
      %dma_start3A_191 = arith.constant 0 : i32
      %dma_start3A_192 = tpu.memref_slice %arg8[%dma_start3A_190, %dma_start3A_191] : memref<800x32xf32, #tpu.memory_space<vmem>> -> memref<80x32xf32, #tpu.memory_space<vmem>>
      %dma_start3A_193 = arith.constant 0 : i32
      %dma_start3A_194 = tpu.memref_slice %arg6[%dma_start3A_189, %dma_start3A_193] : memref<10x80xi32, #tpu.memory_space<vmem>> -> memref<1x80xi32, #tpu.memory_space<vmem>>
      %dma_start3A_195 = tpu.memref_squeeze %dma_start3A_194 : memref<1x80xi32, #tpu.memory_space<vmem>> -> memref<80xi32, #tpu.memory_space<vmem>>
      %dma_start3A_196 = arith.constant 0 : i32
      %dma_start3A_197 = arith.constant 0 : i32
      %dma_start3A_198 = tpu.memref_slice %arg2[%dma_start3A_196, %dma_start3A_197] : memref<1000000x32xf32, #tpu.memory_space<hbm>> -> memref<1000000x32xf32, #tpu.memory_space<hbm>>
      tpu.enqueue_indirect_dma source(%dma_start3A_198 : memref<1000000x32xf32, #tpu.memory_space<hbm>>) target(%dma_start3A_192 : memref<80x32xf32, #tpu.memory_space<vmem>>) offsets(%dma_start3A_195 : memref<80xi32, #tpu.memory_space<vmem>>) semaphore(%arg12 : memref<!tpu.dma_semaphore, #tpu.memory_space<semaphore_mem>>)
      %dma_start3A_199 = arith.constant 6 : i32
      %dma_start3A_200 = arith.constant 480 : i32
      %dma_start3A_201 = arith.constant 0 : i32
      %dma_start3A_202 = tpu.memref_slice %arg8[%dma_start3A_200, %dma_start3A_201] : memref<800x32xf32, #tpu.memory_space<vmem>> -> memref<80x32xf32, #tpu.memory_space<vmem>>
      %dma_start3A_203 = arith.constant 0 : i32
      %dma_start3A_204 = tpu.memref_slice %arg6[%dma_start3A_199, %dma_start3A_203] : memref<10x80xi32, #tpu.memory_space<vmem>> -> memref<1x80xi32, #tpu.memory_space<vmem>>
      %dma_start3A_205 = tpu.memref_squeeze %dma_start3A_204 : memref<1x80xi32, #tpu.memory_space<vmem>> -> memref<80xi32, #tpu.memory_space<vmem>>
      %dma_start3A_206 = arith.constant 0 : i32
      %dma_start3A_207 = arith.constant 0 : i32
      %dma_start3A_208 = tpu.memref_slice %arg2[%dma_start3A_206, %dma_start3A_207] : memref<1000000x32xf32, #tpu.memory_space<hbm>> -> memref<1000000x32xf32, #tpu.memory_space<hbm>>
      tpu.enqueue_indirect_dma source(%dma_start3A_208 : memref<1000000x32xf32, #tpu.memory_space<hbm>>) target(%dma_start3A_202 : memref<80x32xf32, #tpu.memory_space<vmem>>) offsets(%dma_start3A_205 : memref<80xi32, #tpu.memory_space<vmem>>) semaphore(%arg12 : memref<!tpu.dma_semaphore, #tpu.memory_space<semaphore_mem>>)
      %dma_start3A_209 = arith.constant 7 : i32
      %dma_start3A_210 = arith.constant 560 : i32
      %dma_start3A_211 = arith.constant 0 : i32
      %dma_start3A_212 = tpu.memref_slice %arg8[%dma_start3A_210, %dma_start3A_211] : memref<800x32xf32, #tpu.memory_space<vmem>> -> memref<80x32xf32, #tpu.memory_space<vmem>>
      %dma_start3A_213 = arith.constant 0 : i32
      %dma_start3A_214 = tpu.memref_slice %arg6[%dma_start3A_209, %dma_start3A_213] : memref<10x80xi32, #tpu.memory_space<vmem>> -> memref<1x80xi32, #tpu.memory_space<vmem>>
      %dma_start3A_215 = tpu.memref_squeeze %dma_start3A_214 : memref<1x80xi32, #tpu.memory_space<vmem>> -> memref<80xi32, #tpu.memory_space<vmem>>
      %dma_start3A_216 = arith.constant 0 : i32
      %dma_start3A_217 = arith.constant 0 : i32
      %dma_start3A_218 = tpu.memref_slice %arg2[%dma_start3A_216, %dma_start3A_217] : memref<1000000x32xf32, #tpu.memory_space<hbm>> -> memref<1000000x32xf32, #tpu.memory_space<hbm>>
      tpu.enqueue_indirect_dma source(%dma_start3A_218 : memref<1000000x32xf32, #tpu.memory_space<hbm>>) target(%dma_start3A_212 : memref<80x32xf32, #tpu.memory_space<vmem>>) offsets(%dma_start3A_215 : memref<80xi32, #tpu.memory_space<vmem>>) semaphore(%arg12 : memref<!tpu.dma_semaphore, #tpu.memory_space<semaphore_mem>>)
      %dma_start3A_219 = arith.constant 8 : i32
      %dma_start3A_220 = arith.constant 640 : i32
      %dma_start3A_221 = arith.constant 0 : i32
      %dma_start3A_222 = tpu.memref_slice %arg8[%dma_start3A_220, %dma_start3A_221] : memref<800x32xf32, #tpu.memory_space<vmem>> -> memref<80x32xf32, #tpu.memory_space<vmem>>
      %dma_start3A_223 = arith.constant 0 : i32
      %dma_start3A_224 = tpu.memref_slice %arg6[%dma_start3A_219, %dma_start3A_223] : memref<10x80xi32, #tpu.memory_space<vmem>> -> memref<1x80xi32, #tpu.memory_space<vmem>>
      %dma_start3A_225 = tpu.memref_squeeze %dma_start3A_224 : memref<1x80xi32, #tpu.memory_space<vmem>> -> memref<80xi32, #tpu.memory_space<vmem>>
      %dma_start3A_226 = arith.constant 0 : i32
      %dma_start3A_227 = arith.constant 0 : i32
      %dma_start3A_228 = tpu.memref_slice %arg2[%dma_start3A_226, %dma_start3A_227] : memref<1000000x32xf32, #tpu.memory_space<hbm>> -> memref<1000000x32xf32, #tpu.memory_space<hbm>>
      tpu.enqueue_indirect_dma source(%dma_start3A_228 : memref<1000000x32xf32, #tpu.memory_space<hbm>>) target(%dma_start3A_222 : memref<80x32xf32, #tpu.memory_space<vmem>>) offsets(%dma_start3A_225 : memref<80xi32, #tpu.memory_space<vmem>>) semaphore(%arg12 : memref<!tpu.dma_semaphore, #tpu.memory_space<semaphore_mem>>)
      %dma_start3A_229 = arith.constant 9 : i32
      %dma_start3A_230 = arith.constant 720 : i32
      %dma_start3A_231 = arith.constant 0 : i32
      %dma_start3A_232 = tpu.memref_slice %arg8[%dma_start3A_230, %dma_start3A_231] : memref<800x32xf32, #tpu.memory_space<vmem>> -> memref<80x32xf32, #tpu.memory_space<vmem>>
      %dma_start3A_233 = arith.constant 0 : i32
      %dma_start3A_234 = tpu.memref_slice %arg6[%dma_start3A_229, %dma_start3A_233] : memref<10x80xi32, #tpu.memory_space<vmem>> -> memref<1x80xi32, #tpu.memory_space<vmem>>
      %dma_start3A_235 = tpu.memref_squeeze %dma_start3A_234 : memref<1x80xi32, #tpu.memory_space<vmem>> -> memref<80xi32, #tpu.memory_space<vmem>>
      %dma_start3A_236 = arith.constant 0 : i32
      %dma_start3A_237 = arith.constant 0 : i32
      %dma_start3A_238 = tpu.memref_slice %arg2[%dma_start3A_236, %dma_start3A_237] : memref<1000000x32xf32, #tpu.memory_space<hbm>> -> memref<1000000x32xf32, #tpu.memory_space<hbm>>
      tpu.enqueue_indirect_dma source(%dma_start3A_238 : memref<1000000x32xf32, #tpu.memory_space<hbm>>) target(%dma_start3A_232 : memref<80x32xf32, #tpu.memory_space<vmem>>) offsets(%dma_start3A_235 : memref<80xi32, #tpu.memory_space<vmem>>) semaphore(%arg12 : memref<!tpu.dma_semaphore, #tpu.memory_space<semaphore_mem>>)
      %dma_wait3A_239 = arith.constant 0 : i32
      %dma_wait3A_240 = arith.constant 0 : i32
      %dma_wait3A_241 = arith.constant 0 : i32
      %dma_wait3A_242 = tpu.memref_slice %arg7[%dma_wait3A_240, %dma_wait3A_241] : memref<800x32xf32, #tpu.memory_space<vmem>> -> memref<80x32xf32, #tpu.memory_space<vmem>>
      %dma_wait3A_243 = arith.constant 0 : i32
      %dma_wait3A_244 = tpu.memref_slice %arg5[%dma_wait3A_239, %dma_wait3A_243] : memref<10x80xi32, #tpu.memory_space<vmem>> -> memref<1x80xi32, #tpu.memory_space<vmem>>
      %dma_wait3A_245 = tpu.memref_squeeze %dma_wait3A_244 : memref<1x80xi32, #tpu.memory_space<vmem>> -> memref<80xi32, #tpu.memory_space<vmem>>
      %dma_wait3A_246 = arith.constant 0 : i32
      %dma_wait3A_247 = arith.constant 0 : i32
      %dma_wait3A_248 = tpu.memref_slice %arg2[%dma_wait3A_246, %dma_wait3A_247] : memref<1000000x32xf32, #tpu.memory_space<hbm>> -> memref<1000000x32xf32, #tpu.memory_space<hbm>>
      tpu.wait_indirect_dma semaphore(%arg11 : memref<!tpu.dma_semaphore, #tpu.memory_space<semaphore_mem>>) src(%dma_wait3A_248 : memref<1000000x32xf32, #tpu.memory_space<hbm>>) dst(%dma_wait3A_242 : memref<80x32xf32, #tpu.memory_space<vmem>>)
      %dma_wait3A_249 = arith.constant 1 : i32
      %dma_wait3A_250 = arith.constant 80 : i32
      %dma_wait3A_251 = arith.constant 0 : i32
      %dma_wait3A_252 = tpu.memref_slice %arg7[%dma_wait3A_250, %dma_wait3A_251] : memref<800x32xf32, #tpu.memory_space<vmem>> -> memref<80x32xf32, #tpu.memory_space<vmem>>
      %dma_wait3A_253 = arith.constant 0 : i32
      %dma_wait3A_254 = tpu.memref_slice %arg5[%dma_wait3A_249, %dma_wait3A_253] : memref<10x80xi32, #tpu.memory_space<vmem>> -> memref<1x80xi32, #tpu.memory_space<vmem>>
      %dma_wait3A_255 = tpu.memref_squeeze %dma_wait3A_254 : memref<1x80xi32, #tpu.memory_space<vmem>> -> memref<80xi32, #tpu.memory_space<vmem>>
      %dma_wait3A_256 = arith.constant 0 : i32
      %dma_wait3A_257 = arith.constant 0 : i32
      %dma_wait3A_258 = tpu.memref_slice %arg2[%dma_wait3A_256, %dma_wait3A_257] : memref<1000000x32xf32, #tpu.memory_space<hbm>> -> memref<1000000x32xf32, #tpu.memory_space<hbm>>
      tpu.wait_indirect_dma semaphore(%arg11 : memref<!tpu.dma_semaphore, #tpu.memory_space<semaphore_mem>>) src(%dma_wait3A_258 : memref<1000000x32xf32, #tpu.memory_space<hbm>>) dst(%dma_wait3A_252 : memref<80x32xf32, #tpu.memory_space<vmem>>)
      %dma_wait3A_259 = arith.constant 2 : i32
      %dma_wait3A_260 = arith.constant 160 : i32
      %dma_wait3A_261 = arith.constant 0 : i32
      %dma_wait3A_262 = tpu.memref_slice %arg7[%dma_wait3A_260, %dma_wait3A_261] : memref<800x32xf32, #tpu.memory_space<vmem>> -> memref<80x32xf32, #tpu.memory_space<vmem>>
      %dma_wait3A_263 = arith.constant 0 : i32
      %dma_wait3A_264 = tpu.memref_slice %arg5[%dma_wait3A_259, %dma_wait3A_263] : memref<10x80xi32, #tpu.memory_space<vmem>> -> memref<1x80xi32, #tpu.memory_space<vmem>>
      %dma_wait3A_265 = tpu.memref_squeeze %dma_wait3A_264 : memref<1x80xi32, #tpu.memory_space<vmem>> -> memref<80xi32, #tpu.memory_space<vmem>>
      %dma_wait3A_266 = arith.constant 0 : i32
      %dma_wait3A_267 = arith.constant 0 : i32
      %dma_wait3A_268 = tpu.memref_slice %arg2[%dma_wait3A_266, %dma_wait3A_267] : memref<1000000x32xf32, #tpu.memory_space<hbm>> -> memref<1000000x32xf32, #tpu.memory_space<hbm>>
      tpu.wait_indirect_dma semaphore(%arg11 : memref<!tpu.dma_semaphore, #tpu.memory_space<semaphore_mem>>) src(%dma_wait3A_268 : memref<1000000x32xf32, #tpu.memory_space<hbm>>) dst(%dma_wait3A_262 : memref<80x32xf32, #tpu.memory_space<vmem>>)
      %dma_wait3A_269 = arith.constant 3 : i32
      %dma_wait3A_270 = arith.constant 240 : i32
      %dma_wait3A_271 = arith.constant 0 : i32
      %dma_wait3A_272 = tpu.memref_slice %arg7[%dma_wait3A_270, %dma_wait3A_271] : memref<800x32xf32, #tpu.memory_space<vmem>> -> memref<80x32xf32, #tpu.memory_space<vmem>>
      %dma_wait3A_273 = arith.constant 0 : i32
      %dma_wait3A_274 = tpu.memref_slice %arg5[%dma_wait3A_269, %dma_wait3A_273] : memref<10x80xi32, #tpu.memory_space<vmem>> -> memref<1x80xi32, #tpu.memory_space<vmem>>
      %dma_wait3A_275 = tpu.memref_squeeze %dma_wait3A_274 : memref<1x80xi32, #tpu.memory_space<vmem>> -> memref<80xi32, #tpu.memory_space<vmem>>
      %dma_wait3A_276 = arith.constant 0 : i32
      %dma_wait3A_277 = arith.constant 0 : i32
      %dma_wait3A_278 = tpu.memref_slice %arg2[%dma_wait3A_276, %dma_wait3A_277] : memref<1000000x32xf32, #tpu.memory_space<hbm>> -> memref<1000000x32xf32, #tpu.memory_space<hbm>>
      tpu.wait_indirect_dma semaphore(%arg11 : memref<!tpu.dma_semaphore, #tpu.memory_space<semaphore_mem>>) src(%dma_wait3A_278 : memref<1000000x32xf32, #tpu.memory_space<hbm>>) dst(%dma_wait3A_272 : memref<80x32xf32, #tpu.memory_space<vmem>>)
      %dma_wait3A_279 = arith.constant 4 : i32
      %dma_wait3A_280 = arith.constant 320 : i32
      %dma_wait3A_281 = arith.constant 0 : i32
      %dma_wait3A_282 = tpu.memref_slice %arg7[%dma_wait3A_280, %dma_wait3A_281] : memref<800x32xf32, #tpu.memory_space<vmem>> -> memref<80x32xf32, #tpu.memory_space<vmem>>
      %dma_wait3A_283 = arith.constant 0 : i32
      %dma_wait3A_284 = tpu.memref_slice %arg5[%dma_wait3A_279, %dma_wait3A_283] : memref<10x80xi32, #tpu.memory_space<vmem>> -> memref<1x80xi32, #tpu.memory_space<vmem>>
      %dma_wait3A_285 = tpu.memref_squeeze %dma_wait3A_284 : memref<1x80xi32, #tpu.memory_space<vmem>> -> memref<80xi32, #tpu.memory_space<vmem>>
      %dma_wait3A_286 = arith.constant 0 : i32
      %dma_wait3A_287 = arith.constant 0 : i32
      %dma_wait3A_288 = tpu.memref_slice %arg2[%dma_wait3A_286, %dma_wait3A_287] : memref<1000000x32xf32, #tpu.memory_space<hbm>> -> memref<1000000x32xf32, #tpu.memory_space<hbm>>
      tpu.wait_indirect_dma semaphore(%arg11 : memref<!tpu.dma_semaphore, #tpu.memory_space<semaphore_mem>>) src(%dma_wait3A_288 : memref<1000000x32xf32, #tpu.memory_space<hbm>>) dst(%dma_wait3A_282 : memref<80x32xf32, #tpu.memory_space<vmem>>)
      %dma_wait3A_289 = arith.constant 5 : i32
      %dma_wait3A_290 = arith.constant 400 : i32
      %dma_wait3A_291 = arith.constant 0 : i32
      %dma_wait3A_292 = tpu.memref_slice %arg7[%dma_wait3A_290, %dma_wait3A_291] : memref<800x32xf32, #tpu.memory_space<vmem>> -> memref<80x32xf32, #tpu.memory_space<vmem>>
      %dma_wait3A_293 = arith.constant 0 : i32
      %dma_wait3A_294 = tpu.memref_slice %arg5[%dma_wait3A_289, %dma_wait3A_293] : memref<10x80xi32, #tpu.memory_space<vmem>> -> memref<1x80xi32, #tpu.memory_space<vmem>>
      %dma_wait3A_295 = tpu.memref_squeeze %dma_wait3A_294 : memref<1x80xi32, #tpu.memory_space<vmem>> -> memref<80xi32, #tpu.memory_space<vmem>>
      %dma_wait3A_296 = arith.constant 0 : i32
      %dma_wait3A_297 = arith.constant 0 : i32
      %dma_wait3A_298 = tpu.memref_slice %arg2[%dma_wait3A_296, %dma_wait3A_297] : memref<1000000x32xf32, #tpu.memory_space<hbm>> -> memref<1000000x32xf32, #tpu.memory_space<hbm>>
      tpu.wait_indirect_dma semaphore(%arg11 : memref<!tpu.dma_semaphore, #tpu.memory_space<semaphore_mem>>) src(%dma_wait3A_298 : memref<1000000x32xf32, #tpu.memory_space<hbm>>) dst(%dma_wait3A_292 : memref<80x32xf32, #tpu.memory_space<vmem>>)
      %dma_wait3A_299 = arith.constant 6 : i32
      %dma_wait3A_300 = arith.constant 480 : i32
      %dma_wait3A_301 = arith.constant 0 : i32
      %dma_wait3A_302 = tpu.memref_slice %arg7[%dma_wait3A_300, %dma_wait3A_301] : memref<800x32xf32, #tpu.memory_space<vmem>> -> memref<80x32xf32, #tpu.memory_space<vmem>>
      %dma_wait3A_303 = arith.constant 0 : i32
      %dma_wait3A_304 = tpu.memref_slice %arg5[%dma_wait3A_299, %dma_wait3A_303] : memref<10x80xi32, #tpu.memory_space<vmem>> -> memref<1x80xi32, #tpu.memory_space<vmem>>
      %dma_wait3A_305 = tpu.memref_squeeze %dma_wait3A_304 : memref<1x80xi32, #tpu.memory_space<vmem>> -> memref<80xi32, #tpu.memory_space<vmem>>
      %dma_wait3A_306 = arith.constant 0 : i32
      %dma_wait3A_307 = arith.constant 0 : i32
      %dma_wait3A_308 = tpu.memref_slice %arg2[%dma_wait3A_306, %dma_wait3A_307] : memref<1000000x32xf32, #tpu.memory_space<hbm>> -> memref<1000000x32xf32, #tpu.memory_space<hbm>>
      tpu.wait_indirect_dma semaphore(%arg11 : memref<!tpu.dma_semaphore, #tpu.memory_space<semaphore_mem>>) src(%dma_wait3A_308 : memref<1000000x32xf32, #tpu.memory_space<hbm>>) dst(%dma_wait3A_302 : memref<80x32xf32, #tpu.memory_space<vmem>>)
      %dma_wait3A_309 = arith.constant 7 : i32
      %dma_wait3A_310 = arith.constant 560 : i32
      %dma_wait3A_311 = arith.constant 0 : i32
      %dma_wait3A_312 = tpu.memref_slice %arg7[%dma_wait3A_310, %dma_wait3A_311] : memref<800x32xf32, #tpu.memory_space<vmem>> -> memref<80x32xf32, #tpu.memory_space<vmem>>
      %dma_wait3A_313 = arith.constant 0 : i32
      %dma_wait3A_314 = tpu.memref_slice %arg5[%dma_wait3A_309, %dma_wait3A_313] : memref<10x80xi32, #tpu.memory_space<vmem>> -> memref<1x80xi32, #tpu.memory_space<vmem>>
      %dma_wait3A_315 = tpu.memref_squeeze %dma_wait3A_314 : memref<1x80xi32, #tpu.memory_space<vmem>> -> memref<80xi32, #tpu.memory_space<vmem>>
      %dma_wait3A_316 = arith.constant 0 : i32
      %dma_wait3A_317 = arith.constant 0 : i32
      %dma_wait3A_318 = tpu.memref_slice %arg2[%dma_wait3A_316, %dma_wait3A_317] : memref<1000000x32xf32, #tpu.memory_space<hbm>> -> memref<1000000x32xf32, #tpu.memory_space<hbm>>
      tpu.wait_indirect_dma semaphore(%arg11 : memref<!tpu.dma_semaphore, #tpu.memory_space<semaphore_mem>>) src(%dma_wait3A_318 : memref<1000000x32xf32, #tpu.memory_space<hbm>>) dst(%dma_wait3A_312 : memref<80x32xf32, #tpu.memory_space<vmem>>)
      %dma_wait3A_319 = arith.constant 8 : i32
      %dma_wait3A_320 = arith.constant 640 : i32
      %dma_wait3A_321 = arith.constant 0 : i32
      %dma_wait3A_322 = tpu.memref_slice %arg7[%dma_wait3A_320, %dma_wait3A_321] : memref<800x32xf32, #tpu.memory_space<vmem>> -> memref<80x32xf32, #tpu.memory_space<vmem>>
      %dma_wait3A_323 = arith.constant 0 : i32
      %dma_wait3A_324 = tpu.memref_slice %arg5[%dma_wait3A_319, %dma_wait3A_323] : memref<10x80xi32, #tpu.memory_space<vmem>> -> memref<1x80xi32, #tpu.memory_space<vmem>>
      %dma_wait3A_325 = tpu.memref_squeeze %dma_wait3A_324 : memref<1x80xi32, #tpu.memory_space<vmem>> -> memref<80xi32, #tpu.memory_space<vmem>>
      %dma_wait3A_326 = arith.constant 0 : i32
      %dma_wait3A_327 = arith.constant 0 : i32
      %dma_wait3A_328 = tpu.memref_slice %arg2[%dma_wait3A_326, %dma_wait3A_327] : memref<1000000x32xf32, #tpu.memory_space<hbm>> -> memref<1000000x32xf32, #tpu.memory_space<hbm>>
      tpu.wait_indirect_dma semaphore(%arg11 : memref<!tpu.dma_semaphore, #tpu.memory_space<semaphore_mem>>) src(%dma_wait3A_328 : memref<1000000x32xf32, #tpu.memory_space<hbm>>) dst(%dma_wait3A_322 : memref<80x32xf32, #tpu.memory_space<vmem>>)
      %dma_wait3A_329 = arith.constant 9 : i32
      %dma_wait3A_330 = arith.constant 720 : i32
      %dma_wait3A_331 = arith.constant 0 : i32
      %dma_wait3A_332 = tpu.memref_slice %arg7[%dma_wait3A_330, %dma_wait3A_331] : memref<800x32xf32, #tpu.memory_space<vmem>> -> memref<80x32xf32, #tpu.memory_space<vmem>>
      %dma_wait3A_333 = arith.constant 0 : i32
      %dma_wait3A_334 = tpu.memref_slice %arg5[%dma_wait3A_329, %dma_wait3A_333] : memref<10x80xi32, #tpu.memory_space<vmem>> -> memref<1x80xi32, #tpu.memory_space<vmem>>
      %dma_wait3A_335 = tpu.memref_squeeze %dma_wait3A_334 : memref<1x80xi32, #tpu.memory_space<vmem>> -> memref<80xi32, #tpu.memory_space<vmem>>
      %dma_wait3A_336 = arith.constant 0 : i32
      %dma_wait3A_337 = arith.constant 0 : i32
      %dma_wait3A_338 = tpu.memref_slice %arg2[%dma_wait3A_336, %dma_wait3A_337] : memref<1000000x32xf32, #tpu.memory_space<hbm>> -> memref<1000000x32xf32, #tpu.memory_space<hbm>>
      tpu.wait_indirect_dma semaphore(%arg11 : memref<!tpu.dma_semaphore, #tpu.memory_space<semaphore_mem>>) src(%dma_wait3A_338 : memref<1000000x32xf32, #tpu.memory_space<hbm>>) dst(%dma_wait3A_332 : memref<80x32xf32, #tpu.memory_space<vmem>>)
      %scan3A_339 = arith.constant 0 : i32
      %scan3A_340 = arith.constant 50 : i32
      %scan3A_341 = arith.addi %scan3A_339, %scan3A_340 : i32
      %scan3A_342 = arith.constant 1 : i32
      scf.for %scan3A_471 = %scan3A_339 to %scan3A_341 step %scan3A_342  : i32 {
        %mul3A_472 = arith.constant 1 : i32
        %mul3A_473 = arith.muli %scan3A_471, %mul3A_472 : i32
        %add3A_474 = arith.constant 0 : i32
        %add3A_475 = arith.addi %add3A_474, %mul3A_473 : i32
        %iota3A = tpu.iota {dimensions = array<i32: 0>} : vector<16xi32>
        %mul3A_476 = arith.constant 50 : i32
        %mul3A_477 = vector.broadcast %mul3A_476 : i32 to vector<16xi32>
        %mul3A_478 = arith.muli %mul3A_477, %iota3A : vector<16xi32>
        %add3A_479 = vector.broadcast %add3A_475 : i32 to vector<16xi32>
        %add3A_480 = arith.addi %add3A_479, %mul3A_478 : vector<16xi32>
        %broadcast_in_dim3A = vector.broadcast %add3A_475 : i32 to vector<16xi32>
        %add3A_481 = arith.constant 0 : i32
        %add3A_482 = vector.broadcast %add3A_481 : i32 to vector<16xi32>
        %add3A_483 = arith.addi %iota3A, %add3A_482 : vector<16xi32>
        %and3A = arith.constant 31 : i32
        %and3A_484 = vector.broadcast %and3A : i32 to vector<16xi32>
        %and3A_485 = arith.andi %add3A_483, %and3A_484 : vector<16xi32>
        %add3A_486 = arith.constant 1 : i32
        %add3A_487 = vector.broadcast %add3A_486 : i32 to vector<16xi32>
        %add3A_488 = arith.addi %iota3A, %add3A_487 : vector<16xi32>
        %and3A_489 = arith.constant 31 : i32
        %and3A_490 = vector.broadcast %and3A_489 : i32 to vector<16xi32>
        %and3A_491 = arith.andi %add3A_488, %and3A_490 : vector<16xi32>
        %add3A_492 = arith.constant 2 : i32
        %add3A_493 = vector.broadcast %add3A_492 : i32 to vector<16xi32>
        %add3A_494 = arith.addi %iota3A, %add3A_493 : vector<16xi32>
        %and3A_495 = arith.constant 31 : i32
        %and3A_496 = vector.broadcast %and3A_495 : i32 to vector<16xi32>
        %and3A_497 = arith.andi %add3A_494, %and3A_496 : vector<16xi32>
        %add3A_498 = arith.constant 3 : i32
        %add3A_499 = vector.broadcast %add3A_498 : i32 to vector<16xi32>
        %add3A_500 = arith.addi %iota3A, %add3A_499 : vector<16xi32>
        %and3A_501 = arith.constant 31 : i32
        %and3A_502 = vector.broadcast %and3A_501 : i32 to vector<16xi32>
        %and3A_503 = arith.andi %add3A_500, %and3A_502 : vector<16xi32>
        %add3A_504 = arith.constant 4 : i32
        %add3A_505 = vector.broadcast %add3A_504 : i32 to vector<16xi32>
        %add3A_506 = arith.addi %iota3A, %add3A_505 : vector<16xi32>
        %and3A_507 = arith.constant 31 : i32
        %and3A_508 = vector.broadcast %and3A_507 : i32 to vector<16xi32>
        %and3A_509 = arith.andi %add3A_506, %and3A_508 : vector<16xi32>
        %add3A_510 = arith.constant 5 : i32
        %add3A_511 = vector.broadcast %add3A_510 : i32 to vector<16xi32>
        %add3A_512 = arith.addi %iota3A, %add3A_511 : vector<16xi32>
        %and3A_513 = arith.constant 31 : i32
        %and3A_514 = vector.broadcast %and3A_513 : i32 to vector<16xi32>
        %and3A_515 = arith.andi %add3A_512, %and3A_514 : vector<16xi32>
        %add3A_516 = arith.constant 6 : i32
        %add3A_517 = vector.broadcast %add3A_516 : i32 to vector<16xi32>
        %add3A_518 = arith.addi %iota3A, %add3A_517 : vector<16xi32>
        %and3A_519 = arith.constant 31 : i32
        %and3A_520 = vector.broadcast %and3A_519 : i32 to vector<16xi32>
        %and3A_521 = arith.andi %add3A_518, %and3A_520 : vector<16xi32>
        %add3A_522 = arith.constant 7 : i32
        %add3A_523 = vector.broadcast %add3A_522 : i32 to vector<16xi32>
        %add3A_524 = arith.addi %iota3A, %add3A_523 : vector<16xi32>
        %and3A_525 = arith.constant 31 : i32
        %and3A_526 = vector.broadcast %and3A_525 : i32 to vector<16xi32>
        %and3A_527 = arith.andi %add3A_524, %and3A_526 : vector<16xi32>
        %add3A_528 = arith.constant 8 : i32
        %add3A_529 = vector.broadcast %add3A_528 : i32 to vector<16xi32>
        %add3A_530 = arith.addi %iota3A, %add3A_529 : vector<16xi32>
        %and3A_531 = arith.constant 31 : i32
        %and3A_532 = vector.broadcast %and3A_531 : i32 to vector<16xi32>
        %and3A_533 = arith.andi %add3A_530, %and3A_532 : vector<16xi32>
        %add3A_534 = arith.constant 9 : i32
        %add3A_535 = vector.broadcast %add3A_534 : i32 to vector<16xi32>
        %add3A_536 = arith.addi %iota3A, %add3A_535 : vector<16xi32>
        %and3A_537 = arith.constant 31 : i32
        %and3A_538 = vector.broadcast %and3A_537 : i32 to vector<16xi32>
        %and3A_539 = arith.andi %add3A_536, %and3A_538 : vector<16xi32>
        %add3A_540 = arith.constant 10 : i32
        %add3A_541 = vector.broadcast %add3A_540 : i32 to vector<16xi32>
        %add3A_542 = arith.addi %iota3A, %add3A_541 : vector<16xi32>
        %and3A_543 = arith.constant 31 : i32
        %and3A_544 = vector.broadcast %and3A_543 : i32 to vector<16xi32>
        %and3A_545 = arith.andi %add3A_542, %and3A_544 : vector<16xi32>
        %add3A_546 = arith.constant 11 : i32
        %add3A_547 = vector.broadcast %add3A_546 : i32 to vector<16xi32>
        %add3A_548 = arith.addi %iota3A, %add3A_547 : vector<16xi32>
        %and3A_549 = arith.constant 31 : i32
        %and3A_550 = vector.broadcast %and3A_549 : i32 to vector<16xi32>
        %and3A_551 = arith.andi %add3A_548, %and3A_550 : vector<16xi32>
        %add3A_552 = arith.constant 12 : i32
        %add3A_553 = vector.broadcast %add3A_552 : i32 to vector<16xi32>
        %add3A_554 = arith.addi %iota3A, %add3A_553 : vector<16xi32>
        %and3A_555 = arith.constant 31 : i32
        %and3A_556 = vector.broadcast %and3A_555 : i32 to vector<16xi32>
        %and3A_557 = arith.andi %add3A_554, %and3A_556 : vector<16xi32>
        %add3A_558 = arith.constant 13 : i32
        %add3A_559 = vector.broadcast %add3A_558 : i32 to vector<16xi32>
        %add3A_560 = arith.addi %iota3A, %add3A_559 : vector<16xi32>
        %and3A_561 = arith.constant 31 : i32
        %and3A_562 = vector.broadcast %and3A_561 : i32 to vector<16xi32>
        %and3A_563 = arith.andi %add3A_560, %and3A_562 : vector<16xi32>
        %add3A_564 = arith.constant 14 : i32
        %add3A_565 = vector.broadcast %add3A_564 : i32 to vector<16xi32>
        %add3A_566 = arith.addi %iota3A, %add3A_565 : vector<16xi32>
        %and3A_567 = arith.constant 31 : i32
        %and3A_568 = vector.broadcast %and3A_567 : i32 to vector<16xi32>
        %and3A_569 = arith.andi %add3A_566, %and3A_568 : vector<16xi32>
        %add3A_570 = arith.constant 15 : i32
        %add3A_571 = vector.broadcast %add3A_570 : i32 to vector<16xi32>
        %add3A_572 = arith.addi %iota3A, %add3A_571 : vector<16xi32>
        %and3A_573 = arith.constant 31 : i32
        %and3A_574 = vector.broadcast %and3A_573 : i32 to vector<16xi32>
        %and3A_575 = arith.andi %add3A_572, %and3A_574 : vector<16xi32>
        %add3A_576 = arith.constant 16 : i32
        %add3A_577 = vector.broadcast %add3A_576 : i32 to vector<16xi32>
        %add3A_578 = arith.addi %iota3A, %add3A_577 : vector<16xi32>
        %and3A_579 = arith.constant 31 : i32
        %and3A_580 = vector.broadcast %and3A_579 : i32 to vector<16xi32>
        %and3A_581 = arith.andi %add3A_578, %and3A_580 : vector<16xi32>
        %add3A_582 = arith.constant 17 : i32
        %add3A_583 = vector.broadcast %add3A_582 : i32 to vector<16xi32>
        %add3A_584 = arith.addi %iota3A, %add3A_583 : vector<16xi32>
        %and3A_585 = arith.constant 31 : i32
        %and3A_586 = vector.broadcast %and3A_585 : i32 to vector<16xi32>
        %and3A_587 = arith.andi %add3A_584, %and3A_586 : vector<16xi32>
        %add3A_588 = arith.constant 18 : i32
        %add3A_589 = vector.broadcast %add3A_588 : i32 to vector<16xi32>
        %add3A_590 = arith.addi %iota3A, %add3A_589 : vector<16xi32>
        %and3A_591 = arith.constant 31 : i32
        %and3A_592 = vector.broadcast %and3A_591 : i32 to vector<16xi32>
        %and3A_593 = arith.andi %add3A_590, %and3A_592 : vector<16xi32>
        %add3A_594 = arith.constant 19 : i32
        %add3A_595 = vector.broadcast %add3A_594 : i32 to vector<16xi32>
        %add3A_596 = arith.addi %iota3A, %add3A_595 : vector<16xi32>
        %and3A_597 = arith.constant 31 : i32
        %and3A_598 = vector.broadcast %and3A_597 : i32 to vector<16xi32>
        %and3A_599 = arith.andi %add3A_596, %and3A_598 : vector<16xi32>
        %add3A_600 = arith.constant 20 : i32
        %add3A_601 = vector.broadcast %add3A_600 : i32 to vector<16xi32>
        %add3A_602 = arith.addi %iota3A, %add3A_601 : vector<16xi32>
        %and3A_603 = arith.constant 31 : i32
        %and3A_604 = vector.broadcast %and3A_603 : i32 to vector<16xi32>
        %and3A_605 = arith.andi %add3A_602, %and3A_604 : vector<16xi32>
        %add3A_606 = arith.constant 21 : i32
        %add3A_607 = vector.broadcast %add3A_606 : i32 to vector<16xi32>
        %add3A_608 = arith.addi %iota3A, %add3A_607 : vector<16xi32>
        %and3A_609 = arith.constant 31 : i32
        %and3A_610 = vector.broadcast %and3A_609 : i32 to vector<16xi32>
        %and3A_611 = arith.andi %add3A_608, %and3A_610 : vector<16xi32>
        %add3A_612 = arith.constant 22 : i32
        %add3A_613 = vector.broadcast %add3A_612 : i32 to vector<16xi32>
        %add3A_614 = arith.addi %iota3A, %add3A_613 : vector<16xi32>
        %and3A_615 = arith.constant 31 : i32
        %and3A_616 = vector.broadcast %and3A_615 : i32 to vector<16xi32>
        %and3A_617 = arith.andi %add3A_614, %and3A_616 : vector<16xi32>
        %add3A_618 = arith.constant 23 : i32
        %add3A_619 = vector.broadcast %add3A_618 : i32 to vector<16xi32>
        %add3A_620 = arith.addi %iota3A, %add3A_619 : vector<16xi32>
        %and3A_621 = arith.constant 31 : i32
        %and3A_622 = vector.broadcast %and3A_621 : i32 to vector<16xi32>
        %and3A_623 = arith.andi %add3A_620, %and3A_622 : vector<16xi32>
        %add3A_624 = arith.constant 24 : i32
        %add3A_625 = vector.broadcast %add3A_624 : i32 to vector<16xi32>
        %add3A_626 = arith.addi %iota3A, %add3A_625 : vector<16xi32>
        %and3A_627 = arith.constant 31 : i32
        %and3A_628 = vector.broadcast %and3A_627 : i32 to vector<16xi32>
        %and3A_629 = arith.andi %add3A_626, %and3A_628 : vector<16xi32>
        %add3A_630 = arith.constant 25 : i32
        %add3A_631 = vector.broadcast %add3A_630 : i32 to vector<16xi32>
        %add3A_632 = arith.addi %iota3A, %add3A_631 : vector<16xi32>
        %and3A_633 = arith.constant 31 : i32
        %and3A_634 = vector.broadcast %and3A_633 : i32 to vector<16xi32>
        %and3A_635 = arith.andi %add3A_632, %and3A_634 : vector<16xi32>
        %add3A_636 = arith.constant 26 : i32
        %add3A_637 = vector.broadcast %add3A_636 : i32 to vector<16xi32>
        %add3A_638 = arith.addi %iota3A, %add3A_637 : vector<16xi32>
        %and3A_639 = arith.constant 31 : i32
        %and3A_640 = vector.broadcast %and3A_639 : i32 to vector<16xi32>
        %and3A_641 = arith.andi %add3A_638, %and3A_640 : vector<16xi32>
        %add3A_642 = arith.constant 27 : i32
        %add3A_643 = vector.broadcast %add3A_642 : i32 to vector<16xi32>
        %add3A_644 = arith.addi %iota3A, %add3A_643 : vector<16xi32>
        %and3A_645 = arith.constant 31 : i32
        %and3A_646 = vector.broadcast %and3A_645 : i32 to vector<16xi32>
        %and3A_647 = arith.andi %add3A_644, %and3A_646 : vector<16xi32>
        %add3A_648 = arith.constant 28 : i32
        %add3A_649 = vector.broadcast %add3A_648 : i32 to vector<16xi32>
        %add3A_650 = arith.addi %iota3A, %add3A_649 : vector<16xi32>
        %and3A_651 = arith.constant 31 : i32
        %and3A_652 = vector.broadcast %and3A_651 : i32 to vector<16xi32>
        %and3A_653 = arith.andi %add3A_650, %and3A_652 : vector<16xi32>
        %add3A_654 = arith.constant 29 : i32
        %add3A_655 = vector.broadcast %add3A_654 : i32 to vector<16xi32>
        %add3A_656 = arith.addi %iota3A, %add3A_655 : vector<16xi32>
        %and3A_657 = arith.constant 31 : i32
        %and3A_658 = vector.broadcast %and3A_657 : i32 to vector<16xi32>
        %and3A_659 = arith.andi %add3A_656, %and3A_658 : vector<16xi32>
        %add3A_660 = arith.constant 30 : i32
        %add3A_661 = vector.broadcast %add3A_660 : i32 to vector<16xi32>
        %add3A_662 = arith.addi %iota3A, %add3A_661 : vector<16xi32>
        %and3A_663 = arith.constant 31 : i32
        %and3A_664 = vector.broadcast %and3A_663 : i32 to vector<16xi32>
        %and3A_665 = arith.andi %add3A_662, %and3A_664 : vector<16xi32>
        %add3A_666 = arith.constant 31 : i32
        %add3A_667 = vector.broadcast %add3A_666 : i32 to vector<16xi32>
        %add3A_668 = arith.addi %iota3A, %add3A_667 : vector<16xi32>
        %and3A_669 = arith.constant 31 : i32
        %and3A_670 = vector.broadcast %and3A_669 : i32 to vector<16xi32>
        %and3A_671 = arith.andi %add3A_668, %and3A_670 : vector<16xi32>
        %broadcast_in_dim3A_672 = arith.constant 0.000000e+00 : f32
        %broadcast_in_dim3A_673 = vector.broadcast %broadcast_in_dim3A_672 : f32 to vector<16xf32>
        %gather3A = tpu.vector_load_idx %arg7[%add3A_480, %and3A_485] : memref<800x32xf32, #tpu.memory_space<vmem>>[vector<16xi32>, vector<16xi32>], vector<16xf32>,
        %mul3A_674 = arith.mulf %gather3A, %gather3A : vector<16xf32>
        %add3A_675 = arith.addf %broadcast_in_dim3A_673, %mul3A_674 : vector<16xf32>
        %gather3A_676 = tpu.vector_load_idx %arg7[%add3A_480, %and3A_491] : memref<800x32xf32, #tpu.memory_space<vmem>>[vector<16xi32>, vector<16xi32>], vector<16xf32>,
        %mul3A_677 = arith.mulf %gather3A_676, %gather3A_676 : vector<16xf32>
        %add3A_678 = arith.addf %add3A_675, %mul3A_677 : vector<16xf32>
        %gather3A_679 = tpu.vector_load_idx %arg7[%add3A_480, %and3A_497] : memref<800x32xf32, #tpu.memory_space<vmem>>[vector<16xi32>, vector<16xi32>], vector<16xf32>,
        %mul3A_680 = arith.mulf %gather3A_679, %gather3A_679 : vector<16xf32>
        %add3A_681 = arith.addf %add3A_678, %mul3A_680 : vector<16xf32>
        %gather3A_682 = tpu.vector_load_idx %arg7[%add3A_480, %and3A_503] : memref<800x32xf32, #tpu.memory_space<vmem>>[vector<16xi32>, vector<16xi32>], vector<16xf32>,
        %mul3A_683 = arith.mulf %gather3A_682, %gather3A_682 : vector<16xf32>
        %add3A_684 = arith.addf %add3A_681, %mul3A_683 : vector<16xf32>
        %gather3A_685 = tpu.vector_load_idx %arg7[%add3A_480, %and3A_509] : memref<800x32xf32, #tpu.memory_space<vmem>>[vector<16xi32>, vector<16xi32>], vector<16xf32>,
        %mul3A_686 = arith.mulf %gather3A_685, %gather3A_685 : vector<16xf32>
        %add3A_687 = arith.addf %add3A_684, %mul3A_686 : vector<16xf32>
        %gather3A_688 = tpu.vector_load_idx %arg7[%add3A_480, %and3A_515] : memref<800x32xf32, #tpu.memory_space<vmem>>[vector<16xi32>, vector<16xi32>], vector<16xf32>,
        %mul3A_689 = arith.mulf %gather3A_688, %gather3A_688 : vector<16xf32>
        %add3A_690 = arith.addf %add3A_687, %mul3A_689 : vector<16xf32>
        %gather3A_691 = tpu.vector_load_idx %arg7[%add3A_480, %and3A_521] : memref<800x32xf32, #tpu.memory_space<vmem>>[vector<16xi32>, vector<16xi32>], vector<16xf32>,
        %mul3A_692 = arith.mulf %gather3A_691, %gather3A_691 : vector<16xf32>
        %add3A_693 = arith.addf %add3A_690, %mul3A_692 : vector<16xf32>
        %gather3A_694 = tpu.vector_load_idx %arg7[%add3A_480, %and3A_527] : memref<800x32xf32, #tpu.memory_space<vmem>>[vector<16xi32>, vector<16xi32>], vector<16xf32>,
        %mul3A_695 = arith.mulf %gather3A_694, %gather3A_694 : vector<16xf32>
        %add3A_696 = arith.addf %add3A_693, %mul3A_695 : vector<16xf32>
        %gather3A_697 = tpu.vector_load_idx %arg7[%add3A_480, %and3A_533] : memref<800x32xf32, #tpu.memory_space<vmem>>[vector<16xi32>, vector<16xi32>], vector<16xf32>,
        %mul3A_698 = arith.mulf %gather3A_697, %gather3A_697 : vector<16xf32>
        %add3A_699 = arith.addf %add3A_696, %mul3A_698 : vector<16xf32>
        %gather3A_700 = tpu.vector_load_idx %arg7[%add3A_480, %and3A_539] : memref<800x32xf32, #tpu.memory_space<vmem>>[vector<16xi32>, vector<16xi32>], vector<16xf32>,
        %mul3A_701 = arith.mulf %gather3A_700, %gather3A_700 : vector<16xf32>
        %add3A_702 = arith.addf %add3A_699, %mul3A_701 : vector<16xf32>
        %gather3A_703 = tpu.vector_load_idx %arg7[%add3A_480, %and3A_545] : memref<800x32xf32, #tpu.memory_space<vmem>>[vector<16xi32>, vector<16xi32>], vector<16xf32>,
        %mul3A_704 = arith.mulf %gather3A_703, %gather3A_703 : vector<16xf32>
        %add3A_705 = arith.addf %add3A_702, %mul3A_704 : vector<16xf32>
        %gather3A_706 = tpu.vector_load_idx %arg7[%add3A_480, %and3A_551] : memref<800x32xf32, #tpu.memory_space<vmem>>[vector<16xi32>, vector<16xi32>], vector<16xf32>,
        %mul3A_707 = arith.mulf %gather3A_706, %gather3A_706 : vector<16xf32>
        %add3A_708 = arith.addf %add3A_705, %mul3A_707 : vector<16xf32>
        %gather3A_709 = tpu.vector_load_idx %arg7[%add3A_480, %and3A_557] : memref<800x32xf32, #tpu.memory_space<vmem>>[vector<16xi32>, vector<16xi32>], vector<16xf32>,
        %mul3A_710 = arith.mulf %gather3A_709, %gather3A_709 : vector<16xf32>
        %add3A_711 = arith.addf %add3A_708, %mul3A_710 : vector<16xf32>
        %gather3A_712 = tpu.vector_load_idx %arg7[%add3A_480, %and3A_563] : memref<800x32xf32, #tpu.memory_space<vmem>>[vector<16xi32>, vector<16xi32>], vector<16xf32>,
        %mul3A_713 = arith.mulf %gather3A_712, %gather3A_712 : vector<16xf32>
        %add3A_714 = arith.addf %add3A_711, %mul3A_713 : vector<16xf32>
        %gather3A_715 = tpu.vector_load_idx %arg7[%add3A_480, %and3A_569] : memref<800x32xf32, #tpu.memory_space<vmem>>[vector<16xi32>, vector<16xi32>], vector<16xf32>,
        %mul3A_716 = arith.mulf %gather3A_715, %gather3A_715 : vector<16xf32>
        %add3A_717 = arith.addf %add3A_714, %mul3A_716 : vector<16xf32>
        %gather3A_718 = tpu.vector_load_idx %arg7[%add3A_480, %and3A_575] : memref<800x32xf32, #tpu.memory_space<vmem>>[vector<16xi32>, vector<16xi32>], vector<16xf32>,
        %mul3A_719 = arith.mulf %gather3A_718, %gather3A_718 : vector<16xf32>
        %add3A_720 = arith.addf %add3A_717, %mul3A_719 : vector<16xf32>
        %gather3A_721 = tpu.vector_load_idx %arg7[%add3A_480, %and3A_581] : memref<800x32xf32, #tpu.memory_space<vmem>>[vector<16xi32>, vector<16xi32>], vector<16xf32>,
        %mul3A_722 = arith.mulf %gather3A_721, %gather3A_721 : vector<16xf32>
        %add3A_723 = arith.addf %add3A_720, %mul3A_722 : vector<16xf32>
        %gather3A_724 = tpu.vector_load_idx %arg7[%add3A_480, %and3A_587] : memref<800x32xf32, #tpu.memory_space<vmem>>[vector<16xi32>, vector<16xi32>], vector<16xf32>,
        %mul3A_725 = arith.mulf %gather3A_724, %gather3A_724 : vector<16xf32>
        %add3A_726 = arith.addf %add3A_723, %mul3A_725 : vector<16xf32>
        %gather3A_727 = tpu.vector_load_idx %arg7[%add3A_480, %and3A_593] : memref<800x32xf32, #tpu.memory_space<vmem>>[vector<16xi32>, vector<16xi32>], vector<16xf32>,
        %mul3A_728 = arith.mulf %gather3A_727, %gather3A_727 : vector<16xf32>
        %add3A_729 = arith.addf %add3A_726, %mul3A_728 : vector<16xf32>
        %gather3A_730 = tpu.vector_load_idx %arg7[%add3A_480, %and3A_599] : memref<800x32xf32, #tpu.memory_space<vmem>>[vector<16xi32>, vector<16xi32>], vector<16xf32>,
        %mul3A_731 = arith.mulf %gather3A_730, %gather3A_730 : vector<16xf32>
        %add3A_732 = arith.addf %add3A_729, %mul3A_731 : vector<16xf32>
        %gather3A_733 = tpu.vector_load_idx %arg7[%add3A_480, %and3A_605] : memref<800x32xf32, #tpu.memory_space<vmem>>[vector<16xi32>, vector<16xi32>], vector<16xf32>,
        %mul3A_734 = arith.mulf %gather3A_733, %gather3A_733 : vector<16xf32>
        %add3A_735 = arith.addf %add3A_732, %mul3A_734 : vector<16xf32>
        %gather3A_736 = tpu.vector_load_idx %arg7[%add3A_480, %and3A_611] : memref<800x32xf32, #tpu.memory_space<vmem>>[vector<16xi32>, vector<16xi32>], vector<16xf32>,
        %mul3A_737 = arith.mulf %gather3A_736, %gather3A_736 : vector<16xf32>
        %add3A_738 = arith.addf %add3A_735, %mul3A_737 : vector<16xf32>
        %gather3A_739 = tpu.vector_load_idx %arg7[%add3A_480, %and3A_617] : memref<800x32xf32, #tpu.memory_space<vmem>>[vector<16xi32>, vector<16xi32>], vector<16xf32>,
        %mul3A_740 = arith.mulf %gather3A_739, %gather3A_739 : vector<16xf32>
        %add3A_741 = arith.addf %add3A_738, %mul3A_740 : vector<16xf32>
        %gather3A_742 = tpu.vector_load_idx %arg7[%add3A_480, %and3A_623] : memref<800x32xf32, #tpu.memory_space<vmem>>[vector<16xi32>, vector<16xi32>], vector<16xf32>,
        %mul3A_743 = arith.mulf %gather3A_742, %gather3A_742 : vector<16xf32>
        %add3A_744 = arith.addf %add3A_741, %mul3A_743 : vector<16xf32>
        %gather3A_745 = tpu.vector_load_idx %arg7[%add3A_480, %and3A_629] : memref<800x32xf32, #tpu.memory_space<vmem>>[vector<16xi32>, vector<16xi32>], vector<16xf32>,
        %mul3A_746 = arith.mulf %gather3A_745, %gather3A_745 : vector<16xf32>
        %add3A_747 = arith.addf %add3A_744, %mul3A_746 : vector<16xf32>
        %gather3A_748 = tpu.vector_load_idx %arg7[%add3A_480, %and3A_635] : memref<800x32xf32, #tpu.memory_space<vmem>>[vector<16xi32>, vector<16xi32>], vector<16xf32>,
        %mul3A_749 = arith.mulf %gather3A_748, %gather3A_748 : vector<16xf32>
        %add3A_750 = arith.addf %add3A_747, %mul3A_749 : vector<16xf32>
        %gather3A_751 = tpu.vector_load_idx %arg7[%add3A_480, %and3A_641] : memref<800x32xf32, #tpu.memory_space<vmem>>[vector<16xi32>, vector<16xi32>], vector<16xf32>,
        %mul3A_752 = arith.mulf %gather3A_751, %gather3A_751 : vector<16xf32>
        %add3A_753 = arith.addf %add3A_750, %mul3A_752 : vector<16xf32>
        %gather3A_754 = tpu.vector_load_idx %arg7[%add3A_480, %and3A_647] : memref<800x32xf32, #tpu.memory_space<vmem>>[vector<16xi32>, vector<16xi32>], vector<16xf32>,
        %mul3A_755 = arith.mulf %gather3A_754, %gather3A_754 : vector<16xf32>
        %add3A_756 = arith.addf %add3A_753, %mul3A_755 : vector<16xf32>
        %gather3A_757 = tpu.vector_load_idx %arg7[%add3A_480, %and3A_653] : memref<800x32xf32, #tpu.memory_space<vmem>>[vector<16xi32>, vector<16xi32>], vector<16xf32>,
        %mul3A_758 = arith.mulf %gather3A_757, %gather3A_757 : vector<16xf32>
        %add3A_759 = arith.addf %add3A_756, %mul3A_758 : vector<16xf32>
        %gather3A_760 = tpu.vector_load_idx %arg7[%add3A_480, %and3A_659] : memref<800x32xf32, #tpu.memory_space<vmem>>[vector<16xi32>, vector<16xi32>], vector<16xf32>,
        %mul3A_761 = arith.mulf %gather3A_760, %gather3A_760 : vector<16xf32>
        %add3A_762 = arith.addf %add3A_759, %mul3A_761 : vector<16xf32>
        %gather3A_763 = tpu.vector_load_idx %arg7[%add3A_480, %and3A_665] : memref<800x32xf32, #tpu.memory_space<vmem>>[vector<16xi32>, vector<16xi32>], vector<16xf32>,
        %mul3A_764 = arith.mulf %gather3A_763, %gather3A_763 : vector<16xf32>
        %add3A_765 = arith.addf %add3A_762, %mul3A_764 : vector<16xf32>
        %gather3A_766 = tpu.vector_load_idx %arg7[%add3A_480, %and3A_671] : memref<800x32xf32, #tpu.memory_space<vmem>>[vector<16xi32>, vector<16xi32>], vector<16xf32>,
        %mul3A_767 = arith.mulf %gather3A_766, %gather3A_766 : vector<16xf32>
        %add3A_768 = arith.addf %add3A_765, %mul3A_767 : vector<16xf32>
        %bitcast3A = vector.bitcast %add3A_768 : vector<16xf32> to vector<16xi32>
        %shift_right_arithmetic3A = arith.constant 1 : i32
        %shift_right_arithmetic3A_769 = vector.broadcast %shift_right_arithmetic3A : i32 to vector<16xi32>
        %shift_right_arithmetic3A_770 = arith.shrsi %bitcast3A, %shift_right_arithmetic3A_769 : vector<16xi32>
        %sub3A = arith.constant 1597463007 : i32
        %sub3A_771 = vector.broadcast %sub3A : i32 to vector<16xi32>
        %sub3A_772 = arith.subi %sub3A_771, %shift_right_arithmetic3A_770 : vector<16xi32>
        %bitcast3A_773 = vector.bitcast %sub3A_772 : vector<16xi32> to vector<16xf32>
        %mul3A_774 = arith.constant 5.000000e-01 : f32
        %mul3A_775 = vector.broadcast %mul3A_774 : f32 to vector<16xf32>
        %mul3A_776 = arith.mulf %mul3A_775, %add3A_768 : vector<16xf32>
        %mul3A_777 = arith.mulf %mul3A_776, %bitcast3A_773 : vector<16xf32>
        %mul3A_778 = arith.mulf %mul3A_777, %bitcast3A_773 : vector<16xf32>
        %sub3A_779 = arith.constant 1.500000e+00 : f32
        %sub3A_780 = vector.broadcast %sub3A_779 : f32 to vector<16xf32>
        %sub3A_781 = arith.subf %sub3A_780, %mul3A_778 : vector<16xf32>
        %mul3A_782 = arith.mulf %bitcast3A_773, %sub3A_781 : vector<16xf32>
        %mul3A_783 = arith.constant 5.000000e-01 : f32
        %mul3A_784 = vector.broadcast %mul3A_783 : f32 to vector<16xf32>
        %mul3A_785 = arith.mulf %mul3A_784, %add3A_768 : vector<16xf32>
        %mul3A_786 = arith.mulf %mul3A_785, %mul3A_782 : vector<16xf32>
        %mul3A_787 = arith.mulf %mul3A_786, %mul3A_782 : vector<16xf32>
        %sub3A_788 = arith.constant 1.500000e+00 : f32
        %sub3A_789 = vector.broadcast %sub3A_788 : f32 to vector<16xf32>
        %sub3A_790 = arith.subf %sub3A_789, %mul3A_787 : vector<16xf32>
        %mul3A_791 = arith.mulf %mul3A_782, %sub3A_790 : vector<16xf32>
        %mul3A_792 = arith.constant 5.000000e-01 : f32
        %mul3A_793 = vector.broadcast %mul3A_792 : f32 to vector<16xf32>
        %mul3A_794 = arith.mulf %mul3A_793, %add3A_768 : vector<16xf32>
        %mul3A_795 = arith.mulf %mul3A_794, %mul3A_791 : vector<16xf32>
        %mul3A_796 = arith.mulf %mul3A_795, %mul3A_791 : vector<16xf32>
        %sub3A_797 = arith.constant 1.500000e+00 : f32
        %sub3A_798 = vector.broadcast %sub3A_797 : f32 to vector<16xf32>
        %sub3A_799 = arith.subf %sub3A_798, %mul3A_796 : vector<16xf32>
        %mul3A_800 = arith.mulf %mul3A_791, %sub3A_799 : vector<16xf32>
        %mul3A_801 = arith.mulf %gather3A, %mul3A_800 : vector<16xf32>
        tpu.vector_store_idx %arg9[%broadcast_in_dim3A, %and3A_485, %iota3A], %mul3A_801 : memref<50x32x16xf32, #tpu.memory_space<vmem>>[vector<16xi32>, vector<16xi32>, vector<16xi32>], vector<16xf32>,
        %mul3A_802 = arith.mulf %gather3A_676, %mul3A_800 : vector<16xf32>
        tpu.vector_store_idx %arg9[%broadcast_in_dim3A, %and3A_491, %iota3A], %mul3A_802 : memref<50x32x16xf32, #tpu.memory_space<vmem>>[vector<16xi32>, vector<16xi32>, vector<16xi32>], vector<16xf32>,
        %mul3A_803 = arith.mulf %gather3A_679, %mul3A_800 : vector<16xf32>
        tpu.vector_store_idx %arg9[%broadcast_in_dim3A, %and3A_497, %iota3A], %mul3A_803 : memref<50x32x16xf32, #tpu.memory_space<vmem>>[vector<16xi32>, vector<16xi32>, vector<16xi32>], vector<16xf32>,
        %mul3A_804 = arith.mulf %gather3A_682, %mul3A_800 : vector<16xf32>
        tpu.vector_store_idx %arg9[%broadcast_in_dim3A, %and3A_503, %iota3A], %mul3A_804 : memref<50x32x16xf32, #tpu.memory_space<vmem>>[vector<16xi32>, vector<16xi32>, vector<16xi32>], vector<16xf32>,
        %mul3A_805 = arith.mulf %gather3A_685, %mul3A_800 : vector<16xf32>
        tpu.vector_store_idx %arg9[%broadcast_in_dim3A, %and3A_509, %iota3A], %mul3A_805 : memref<50x32x16xf32, #tpu.memory_space<vmem>>[vector<16xi32>, vector<16xi32>, vector<16xi32>], vector<16xf32>,
        %mul3A_806 = arith.mulf %gather3A_688, %mul3A_800 : vector<16xf32>
        tpu.vector_store_idx %arg9[%broadcast_in_dim3A, %and3A_515, %iota3A], %mul3A_806 : memref<50x32x16xf32, #tpu.memory_space<vmem>>[vector<16xi32>, vector<16xi32>, vector<16xi32>], vector<16xf32>,
        %mul3A_807 = arith.mulf %gather3A_691, %mul3A_800 : vector<16xf32>
        tpu.vector_store_idx %arg9[%broadcast_in_dim3A, %and3A_521, %iota3A], %mul3A_807 : memref<50x32x16xf32, #tpu.memory_space<vmem>>[vector<16xi32>, vector<16xi32>, vector<16xi32>], vector<16xf32>,
        %mul3A_808 = arith.mulf %gather3A_694, %mul3A_800 : vector<16xf32>
        tpu.vector_store_idx %arg9[%broadcast_in_dim3A, %and3A_527, %iota3A], %mul3A_808 : memref<50x32x16xf32, #tpu.memory_space<vmem>>[vector<16xi32>, vector<16xi32>, vector<16xi32>], vector<16xf32>,
        %mul3A_809 = arith.mulf %gather3A_697, %mul3A_800 : vector<16xf32>
        tpu.vector_store_idx %arg9[%broadcast_in_dim3A, %and3A_533, %iota3A], %mul3A_809 : memref<50x32x16xf32, #tpu.memory_space<vmem>>[vector<16xi32>, vector<16xi32>, vector<16xi32>], vector<16xf32>,
        %mul3A_810 = arith.mulf %gather3A_700, %mul3A_800 : vector<16xf32>
        tpu.vector_store_idx %arg9[%broadcast_in_dim3A, %and3A_539, %iota3A], %mul3A_810 : memref<50x32x16xf32, #tpu.memory_space<vmem>>[vector<16xi32>, vector<16xi32>, vector<16xi32>], vector<16xf32>,
        %mul3A_811 = arith.mulf %gather3A_703, %mul3A_800 : vector<16xf32>
        tpu.vector_store_idx %arg9[%broadcast_in_dim3A, %and3A_545, %iota3A], %mul3A_811 : memref<50x32x16xf32, #tpu.memory_space<vmem>>[vector<16xi32>, vector<16xi32>, vector<16xi32>], vector<16xf32>,
        %mul3A_812 = arith.mulf %gather3A_706, %mul3A_800 : vector<16xf32>
        tpu.vector_store_idx %arg9[%broadcast_in_dim3A, %and3A_551, %iota3A], %mul3A_812 : memref<50x32x16xf32, #tpu.memory_space<vmem>>[vector<16xi32>, vector<16xi32>, vector<16xi32>], vector<16xf32>,
        %mul3A_813 = arith.mulf %gather3A_709, %mul3A_800 : vector<16xf32>
        tpu.vector_store_idx %arg9[%broadcast_in_dim3A, %and3A_557, %iota3A], %mul3A_813 : memref<50x32x16xf32, #tpu.memory_space<vmem>>[vector<16xi32>, vector<16xi32>, vector<16xi32>], vector<16xf32>,
        %mul3A_814 = arith.mulf %gather3A_712, %mul3A_800 : vector<16xf32>
        tpu.vector_store_idx %arg9[%broadcast_in_dim3A, %and3A_563, %iota3A], %mul3A_814 : memref<50x32x16xf32, #tpu.memory_space<vmem>>[vector<16xi32>, vector<16xi32>, vector<16xi32>], vector<16xf32>,
        %mul3A_815 = arith.mulf %gather3A_715, %mul3A_800 : vector<16xf32>
        tpu.vector_store_idx %arg9[%broadcast_in_dim3A, %and3A_569, %iota3A], %mul3A_815 : memref<50x32x16xf32, #tpu.memory_space<vmem>>[vector<16xi32>, vector<16xi32>, vector<16xi32>], vector<16xf32>,
        %mul3A_816 = arith.mulf %gather3A_718, %mul3A_800 : vector<16xf32>
        tpu.vector_store_idx %arg9[%broadcast_in_dim3A, %and3A_575, %iota3A], %mul3A_816 : memref<50x32x16xf32, #tpu.memory_space<vmem>>[vector<16xi32>, vector<16xi32>, vector<16xi32>], vector<16xf32>,
        %mul3A_817 = arith.mulf %gather3A_721, %mul3A_800 : vector<16xf32>
        tpu.vector_store_idx %arg9[%broadcast_in_dim3A, %and3A_581, %iota3A], %mul3A_817 : memref<50x32x16xf32, #tpu.memory_space<vmem>>[vector<16xi32>, vector<16xi32>, vector<16xi32>], vector<16xf32>,
        %mul3A_818 = arith.mulf %gather3A_724, %mul3A_800 : vector<16xf32>
        tpu.vector_store_idx %arg9[%broadcast_in_dim3A, %and3A_587, %iota3A], %mul3A_818 : memref<50x32x16xf32, #tpu.memory_space<vmem>>[vector<16xi32>, vector<16xi32>, vector<16xi32>], vector<16xf32>,
        %mul3A_819 = arith.mulf %gather3A_727, %mul3A_800 : vector<16xf32>
        tpu.vector_store_idx %arg9[%broadcast_in_dim3A, %and3A_593, %iota3A], %mul3A_819 : memref<50x32x16xf32, #tpu.memory_space<vmem>>[vector<16xi32>, vector<16xi32>, vector<16xi32>], vector<16xf32>,
        %mul3A_820 = arith.mulf %gather3A_730, %mul3A_800 : vector<16xf32>
        tpu.vector_store_idx %arg9[%broadcast_in_dim3A, %and3A_599, %iota3A], %mul3A_820 : memref<50x32x16xf32, #tpu.memory_space<vmem>>[vector<16xi32>, vector<16xi32>, vector<16xi32>], vector<16xf32>,
        %mul3A_821 = arith.mulf %gather3A_733, %mul3A_800 : vector<16xf32>
        tpu.vector_store_idx %arg9[%broadcast_in_dim3A, %and3A_605, %iota3A], %mul3A_821 : memref<50x32x16xf32, #tpu.memory_space<vmem>>[vector<16xi32>, vector<16xi32>, vector<16xi32>], vector<16xf32>,
        %mul3A_822 = arith.mulf %gather3A_736, %mul3A_800 : vector<16xf32>
        tpu.vector_store_idx %arg9[%broadcast_in_dim3A, %and3A_611, %iota3A], %mul3A_822 : memref<50x32x16xf32, #tpu.memory_space<vmem>>[vector<16xi32>, vector<16xi32>, vector<16xi32>], vector<16xf32>,
        %mul3A_823 = arith.mulf %gather3A_739, %mul3A_800 : vector<16xf32>
        tpu.vector_store_idx %arg9[%broadcast_in_dim3A, %and3A_617, %iota3A], %mul3A_823 : memref<50x32x16xf32, #tpu.memory_space<vmem>>[vector<16xi32>, vector<16xi32>, vector<16xi32>], vector<16xf32>,
        %mul3A_824 = arith.mulf %gather3A_742, %mul3A_800 : vector<16xf32>
        tpu.vector_store_idx %arg9[%broadcast_in_dim3A, %and3A_623, %iota3A], %mul3A_824 : memref<50x32x16xf32, #tpu.memory_space<vmem>>[vector<16xi32>, vector<16xi32>, vector<16xi32>], vector<16xf32>,
        %mul3A_825 = arith.mulf %gather3A_745, %mul3A_800 : vector<16xf32>
        tpu.vector_store_idx %arg9[%broadcast_in_dim3A, %and3A_629, %iota3A], %mul3A_825 : memref<50x32x16xf32, #tpu.memory_space<vmem>>[vector<16xi32>, vector<16xi32>, vector<16xi32>], vector<16xf32>,
        %mul3A_826 = arith.mulf %gather3A_748, %mul3A_800 : vector<16xf32>
        tpu.vector_store_idx %arg9[%broadcast_in_dim3A, %and3A_635, %iota3A], %mul3A_826 : memref<50x32x16xf32, #tpu.memory_space<vmem>>[vector<16xi32>, vector<16xi32>, vector<16xi32>], vector<16xf32>,
        %mul3A_827 = arith.mulf %gather3A_751, %mul3A_800 : vector<16xf32>
        tpu.vector_store_idx %arg9[%broadcast_in_dim3A, %and3A_641, %iota3A], %mul3A_827 : memref<50x32x16xf32, #tpu.memory_space<vmem>>[vector<16xi32>, vector<16xi32>, vector<16xi32>], vector<16xf32>,
        %mul3A_828 = arith.mulf %gather3A_754, %mul3A_800 : vector<16xf32>
        tpu.vector_store_idx %arg9[%broadcast_in_dim3A, %and3A_647, %iota3A], %mul3A_828 : memref<50x32x16xf32, #tpu.memory_space<vmem>>[vector<16xi32>, vector<16xi32>, vector<16xi32>], vector<16xf32>,
        %mul3A_829 = arith.mulf %gather3A_757, %mul3A_800 : vector<16xf32>
        tpu.vector_store_idx %arg9[%broadcast_in_dim3A, %and3A_653, %iota3A], %mul3A_829 : memref<50x32x16xf32, #tpu.memory_space<vmem>>[vector<16xi32>, vector<16xi32>, vector<16xi32>], vector<16xf32>,
        %mul3A_830 = arith.mulf %gather3A_760, %mul3A_800 : vector<16xf32>
        tpu.vector_store_idx %arg9[%broadcast_in_dim3A, %and3A_659, %iota3A], %mul3A_830 : memref<50x32x16xf32, #tpu.memory_space<vmem>>[vector<16xi32>, vector<16xi32>, vector<16xi32>], vector<16xf32>,
        %mul3A_831 = arith.mulf %gather3A_763, %mul3A_800 : vector<16xf32>
        tpu.vector_store_idx %arg9[%broadcast_in_dim3A, %and3A_665, %iota3A], %mul3A_831 : memref<50x32x16xf32, #tpu.memory_space<vmem>>[vector<16xi32>, vector<16xi32>, vector<16xi32>], vector<16xf32>,
        %mul3A_832 = arith.mulf %gather3A_766, %mul3A_800 : vector<16xf32>
        tpu.vector_store_idx %arg9[%broadcast_in_dim3A, %and3A_671, %iota3A], %mul3A_832 : memref<50x32x16xf32, #tpu.memory_space<vmem>>[vector<16xi32>, vector<16xi32>, vector<16xi32>], vector<16xf32>,
      }
      %scan3A_343 = arith.constant 50 : i32
      %mul3A_344 = arith.constant 16 : i32
      %mul3A_345 = arith.muli %mul3A_131, %mul3A_344 : i32
      %add3A_346 = arith.addi %mul3A_2, %mul3A_345 : i32
      %dma_start3A_347 = arith.constant 0 : i32
      %dma_start3A_348 = arith.constant 0 : i32
      %dma_start3A_349 = tpu.memref_slice %arg4[%dma_start3A_347, %dma_start3A_348, %add3A_346] : memref<50x32x16384xf32, #tpu.memory_space<hbm>> -> memref<50x32x16xf32, #tpu.memory_space<hbm>>
      %dma_start3A_350 = arith.constant 0 : i32
      %dma_start3A_351 = arith.constant 0 : i32
      %dma_start3A_352 = tpu.memref_slice %arg4[%dma_start3A_350, %dma_start3A_351, %add3A_346] : memref<50x32x16384xf32, #tpu.memory_space<hbm>> -> memref<50x32x16xf32, #tpu.memory_space<hbm>>
      tpu.enqueue_dma source(%arg9 : memref<50x32x16xf32, #tpu.memory_space<vmem>>) target(%dma_start3A_352 : memref<50x32x16xf32, #tpu.memory_space<hbm>>) target_semaphore(%arg13 : memref<!tpu.dma_semaphore, #tpu.memory_space<semaphore_mem>>)
      %lt3A = arith.constant 15 : i32
      %lt3A_353 = arith.cmpi slt, %add3A_129, %lt3A : i32
      %convert_element_type3A_354 = arith.extui %lt3A_353 : i1 to i32
      %cond3A_355 = arith.constant 0 : i32
      %cond3A_356 = arith.cmpi ne, %convert_element_type3A_354, %cond3A_355 : i32
      scf.if %cond3A_356 {
        %mul3A_471 = arith.constant 16 : i32
        %mul3A_472 = arith.muli %mul3A_131, %mul3A_471 : i32
        %add3A_473 = arith.addi %mul3A_2, %mul3A_472 : i32
        %dma_wait3A_474 = arith.constant 0 : i32
        %dma_wait3A_475 = arith.constant 0 : i32
        %dma_wait3A_476 = tpu.memref_slice %arg4[%dma_wait3A_474, %dma_wait3A_475, %add3A_473] : memref<50x32x16384xf32, #tpu.memory_space<hbm>> -> memref<50x32x16xf32, #tpu.memory_space<hbm>>
        %dma_wait3A_477 = arith.constant 0 : i32
        %dma_wait3A_478 = arith.constant 0 : i32
        %dma_wait3A_479 = tpu.memref_slice %arg4[%dma_wait3A_477, %dma_wait3A_478, %add3A_473] : memref<50x32x16384xf32, #tpu.memory_space<hbm>> -> memref<50x32x16xf32, #tpu.memory_space<hbm>>
        tpu.wait_dma2 semaphore(%arg13 : memref<!tpu.dma_semaphore, #tpu.memory_space<semaphore_mem>>) src(%arg9 : memref<50x32x16xf32, #tpu.memory_space<vmem>>) dst(%dma_wait3A_479 : memref<50x32x16xf32, #tpu.memory_space<hbm>>)
        %add3A_480 = arith.constant 2 : i32
        %add3A_481 = arith.addi %mul3A_131, %add3A_480 : i32
        %mul3A_482 = arith.constant 10 : i32
        %mul3A_483 = arith.muli %add3A_481, %mul3A_482 : i32
        %add3A_484 = arith.addi %mul3A_4, %mul3A_483 : i32
        "tpu.region"() ({
          %run_scoped3A = tpu.sem_alloc : memref<!tpu.dma_semaphore, #tpu.memory_space<semaphore_mem>>
          %dma_start3A_585 = arith.constant 0 : i32
          %dma_start3A_586 = tpu.memref_slice %arg3[%add3A_484, %dma_start3A_585] : memref<10240x80xi32, #tpu.memory_space<hbm>> -> memref<10x80xi32, #tpu.memory_space<hbm>>
          %dma_start3A_587 = arith.constant 0 : i32
          %dma_start3A_588 = tpu.memref_slice %arg3[%add3A_484, %dma_start3A_587] : memref<10240x80xi32, #tpu.memory_space<hbm>> -> memref<10x80xi32, #tpu.memory_space<hbm>>
          tpu.enqueue_dma source(%dma_start3A_588 : memref<10x80xi32, #tpu.memory_space<hbm>>) target(%arg5 : memref<10x80xi32, #tpu.memory_space<vmem>>) target_semaphore(%run_scoped3A : memref<!tpu.dma_semaphore, #tpu.memory_space<semaphore_mem>>)
          %dma_wait3A_589 = arith.constant 0 : i32
          %dma_wait3A_590 = tpu.memref_slice %arg3[%add3A_484, %dma_wait3A_589] : memref<10240x80xi32, #tpu.memory_space<hbm>> -> memref<10x80xi32, #tpu.memory_space<hbm>>
          %dma_wait3A_591 = arith.constant 0 : i32
          %dma_wait3A_592 = tpu.memref_slice %arg3[%add3A_484, %dma_wait3A_591] : memref<10240x80xi32, #tpu.memory_space<hbm>> -> memref<10x80xi32, #tpu.memory_space<hbm>>
          tpu.wait_dma2 semaphore(%run_scoped3A : memref<!tpu.dma_semaphore, #tpu.memory_space<semaphore_mem>>) src(%dma_wait3A_592 : memref<10x80xi32, #tpu.memory_space<hbm>>) dst(%arg5 : memref<10x80xi32, #tpu.memory_space<vmem>>)
          tpu.yield
        }) : () -> ()
        %dma_start3A_485 = arith.constant 0 : i32
        %dma_start3A_486 = arith.constant 0 : i32
        %dma_start3A_487 = arith.constant 0 : i32
        %dma_start3A_488 = tpu.memref_slice %arg7[%dma_start3A_486, %dma_start3A_487] : memref<800x32xf32, #tpu.memory_space<vmem>> -> memref<80x32xf32, #tpu.memory_space<vmem>>
        %dma_start3A_489 = arith.constant 0 : i32
        %dma_start3A_490 = tpu.memref_slice %arg5[%dma_start3A_485, %dma_start3A_489] : memref<10x80xi32, #tpu.memory_space<vmem>> -> memref<1x80xi32, #tpu.memory_space<vmem>>
        %dma_start3A_491 = tpu.memref_squeeze %dma_start3A_490 : memref<1x80xi32, #tpu.memory_space<vmem>> -> memref<80xi32, #tpu.memory_space<vmem>>
        %dma_start3A_492 = arith.constant 0 : i32
        %dma_start3A_493 = arith.constant 0 : i32
        %dma_start3A_494 = tpu.memref_slice %arg2[%dma_start3A_492, %dma_start3A_493] : memref<1000000x32xf32, #tpu.memory_space<hbm>> -> memref<1000000x32xf32, #tpu.memory_space<hbm>>
        tpu.enqueue_indirect_dma source(%dma_start3A_494 : memref<1000000x32xf32, #tpu.memory_space<hbm>>) target(%dma_start3A_488 : memref<80x32xf32, #tpu.memory_space<vmem>>) offsets(%dma_start3A_491 : memref<80xi32, #tpu.memory_space<vmem>>) semaphore(%arg11 : memref<!tpu.dma_semaphore, #tpu.memory_space<semaphore_mem>>)
        %dma_start3A_495 = arith.constant 1 : i32
        %dma_start3A_496 = arith.constant 80 : i32
        %dma_start3A_497 = arith.constant 0 : i32
        %dma_start3A_498 = tpu.memref_slice %arg7[%dma_start3A_496, %dma_start3A_497] : memref<800x32xf32, #tpu.memory_space<vmem>> -> memref<80x32xf32, #tpu.memory_space<vmem>>
        %dma_start3A_499 = arith.constant 0 : i32
        %dma_start3A_500 = tpu.memref_slice %arg5[%dma_start3A_495, %dma_start3A_499] : memref<10x80xi32, #tpu.memory_space<vmem>> -> memref<1x80xi32, #tpu.memory_space<vmem>>
        %dma_start3A_501 = tpu.memref_squeeze %dma_start3A_500 : memref<1x80xi32, #tpu.memory_space<vmem>> -> memref<80xi32, #tpu.memory_space<vmem>>
        %dma_start3A_502 = arith.constant 0 : i32
        %dma_start3A_503 = arith.constant 0 : i32
        %dma_start3A_504 = tpu.memref_slice %arg2[%dma_start3A_502, %dma_start3A_503] : memref<1000000x32xf32, #tpu.memory_space<hbm>> -> memref<1000000x32xf32, #tpu.memory_space<hbm>>
        tpu.enqueue_indirect_dma source(%dma_start3A_504 : memref<1000000x32xf32, #tpu.memory_space<hbm>>) target(%dma_start3A_498 : memref<80x32xf32, #tpu.memory_space<vmem>>) offsets(%dma_start3A_501 : memref<80xi32, #tpu.memory_space<vmem>>) semaphore(%arg11 : memref<!tpu.dma_semaphore, #tpu.memory_space<semaphore_mem>>)
        %dma_start3A_505 = arith.constant 2 : i32
        %dma_start3A_506 = arith.constant 160 : i32
        %dma_start3A_507 = arith.constant 0 : i32
        %dma_start3A_508 = tpu.memref_slice %arg7[%dma_start3A_506, %dma_start3A_507] : memref<800x32xf32, #tpu.memory_space<vmem>> -> memref<80x32xf32, #tpu.memory_space<vmem>>
        %dma_start3A_509 = arith.constant 0 : i32
        %dma_start3A_510 = tpu.memref_slice %arg5[%dma_start3A_505, %dma_start3A_509] : memref<10x80xi32, #tpu.memory_space<vmem>> -> memref<1x80xi32, #tpu.memory_space<vmem>>
        %dma_start3A_511 = tpu.memref_squeeze %dma_start3A_510 : memref<1x80xi32, #tpu.memory_space<vmem>> -> memref<80xi32, #tpu.memory_space<vmem>>
        %dma_start3A_512 = arith.constant 0 : i32
        %dma_start3A_513 = arith.constant 0 : i32
        %dma_start3A_514 = tpu.memref_slice %arg2[%dma_start3A_512, %dma_start3A_513] : memref<1000000x32xf32, #tpu.memory_space<hbm>> -> memref<1000000x32xf32, #tpu.memory_space<hbm>>
        tpu.enqueue_indirect_dma source(%dma_start3A_514 : memref<1000000x32xf32, #tpu.memory_space<hbm>>) target(%dma_start3A_508 : memref<80x32xf32, #tpu.memory_space<vmem>>) offsets(%dma_start3A_511 : memref<80xi32, #tpu.memory_space<vmem>>) semaphore(%arg11 : memref<!tpu.dma_semaphore, #tpu.memory_space<semaphore_mem>>)
        %dma_start3A_515 = arith.constant 3 : i32
        %dma_start3A_516 = arith.constant 240 : i32
        %dma_start3A_517 = arith.constant 0 : i32
        %dma_start3A_518 = tpu.memref_slice %arg7[%dma_start3A_516, %dma_start3A_517] : memref<800x32xf32, #tpu.memory_space<vmem>> -> memref<80x32xf32, #tpu.memory_space<vmem>>
        %dma_start3A_519 = arith.constant 0 : i32
        %dma_start3A_520 = tpu.memref_slice %arg5[%dma_start3A_515, %dma_start3A_519] : memref<10x80xi32, #tpu.memory_space<vmem>> -> memref<1x80xi32, #tpu.memory_space<vmem>>
        %dma_start3A_521 = tpu.memref_squeeze %dma_start3A_520 : memref<1x80xi32, #tpu.memory_space<vmem>> -> memref<80xi32, #tpu.memory_space<vmem>>
        %dma_start3A_522 = arith.constant 0 : i32
        %dma_start3A_523 = arith.constant 0 : i32
        %dma_start3A_524 = tpu.memref_slice %arg2[%dma_start3A_522, %dma_start3A_523] : memref<1000000x32xf32, #tpu.memory_space<hbm>> -> memref<1000000x32xf32, #tpu.memory_space<hbm>>
        tpu.enqueue_indirect_dma source(%dma_start3A_524 : memref<1000000x32xf32, #tpu.memory_space<hbm>>) target(%dma_start3A_518 : memref<80x32xf32, #tpu.memory_space<vmem>>) offsets(%dma_start3A_521 : memref<80xi32, #tpu.memory_space<vmem>>) semaphore(%arg11 : memref<!tpu.dma_semaphore, #tpu.memory_space<semaphore_mem>>)
        %dma_start3A_525 = arith.constant 4 : i32
        %dma_start3A_526 = arith.constant 320 : i32
        %dma_start3A_527 = arith.constant 0 : i32
        %dma_start3A_528 = tpu.memref_slice %arg7[%dma_start3A_526, %dma_start3A_527] : memref<800x32xf32, #tpu.memory_space<vmem>> -> memref<80x32xf32, #tpu.memory_space<vmem>>
        %dma_start3A_529 = arith.constant 0 : i32
        %dma_start3A_530 = tpu.memref_slice %arg5[%dma_start3A_525, %dma_start3A_529] : memref<10x80xi32, #tpu.memory_space<vmem>> -> memref<1x80xi32, #tpu.memory_space<vmem>>
        %dma_start3A_531 = tpu.memref_squeeze %dma_start3A_530 : memref<1x80xi32, #tpu.memory_space<vmem>> -> memref<80xi32, #tpu.memory_space<vmem>>
        %dma_start3A_532 = arith.constant 0 : i32
        %dma_start3A_533 = arith.constant 0 : i32
        %dma_start3A_534 = tpu.memref_slice %arg2[%dma_start3A_532, %dma_start3A_533] : memref<1000000x32xf32, #tpu.memory_space<hbm>> -> memref<1000000x32xf32, #tpu.memory_space<hbm>>
        tpu.enqueue_indirect_dma source(%dma_start3A_534 : memref<1000000x32xf32, #tpu.memory_space<hbm>>) target(%dma_start3A_528 : memref<80x32xf32, #tpu.memory_space<vmem>>) offsets(%dma_start3A_531 : memref<80xi32, #tpu.memory_space<vmem>>) semaphore(%arg11 : memref<!tpu.dma_semaphore, #tpu.memory_space<semaphore_mem>>)
        %dma_start3A_535 = arith.constant 5 : i32
        %dma_start3A_536 = arith.constant 400 : i32
        %dma_start3A_537 = arith.constant 0 : i32
        %dma_start3A_538 = tpu.memref_slice %arg7[%dma_start3A_536, %dma_start3A_537] : memref<800x32xf32, #tpu.memory_space<vmem>> -> memref<80x32xf32, #tpu.memory_space<vmem>>
        %dma_start3A_539 = arith.constant 0 : i32
        %dma_start3A_540 = tpu.memref_slice %arg5[%dma_start3A_535, %dma_start3A_539] : memref<10x80xi32, #tpu.memory_space<vmem>> -> memref<1x80xi32, #tpu.memory_space<vmem>>
        %dma_start3A_541 = tpu.memref_squeeze %dma_start3A_540 : memref<1x80xi32, #tpu.memory_space<vmem>> -> memref<80xi32, #tpu.memory_space<vmem>>
        %dma_start3A_542 = arith.constant 0 : i32
        %dma_start3A_543 = arith.constant 0 : i32
        %dma_start3A_544 = tpu.memref_slice %arg2[%dma_start3A_542, %dma_start3A_543] : memref<1000000x32xf32, #tpu.memory_space<hbm>> -> memref<1000000x32xf32, #tpu.memory_space<hbm>>
        tpu.enqueue_indirect_dma source(%dma_start3A_544 : memref<1000000x32xf32, #tpu.memory_space<hbm>>) target(%dma_start3A_538 : memref<80x32xf32, #tpu.memory_space<vmem>>) offsets(%dma_start3A_541 : memref<80xi32, #tpu.memory_space<vmem>>) semaphore(%arg11 : memref<!tpu.dma_semaphore, #tpu.memory_space<semaphore_mem>>)
        %dma_start3A_545 = arith.constant 6 : i32
        %dma_start3A_546 = arith.constant 480 : i32
        %dma_start3A_547 = arith.constant 0 : i32
        %dma_start3A_548 = tpu.memref_slice %arg7[%dma_start3A_546, %dma_start3A_547] : memref<800x32xf32, #tpu.memory_space<vmem>> -> memref<80x32xf32, #tpu.memory_space<vmem>>
        %dma_start3A_549 = arith.constant 0 : i32
        %dma_start3A_550 = tpu.memref_slice %arg5[%dma_start3A_545, %dma_start3A_549] : memref<10x80xi32, #tpu.memory_space<vmem>> -> memref<1x80xi32, #tpu.memory_space<vmem>>
        %dma_start3A_551 = tpu.memref_squeeze %dma_start3A_550 : memref<1x80xi32, #tpu.memory_space<vmem>> -> memref<80xi32, #tpu.memory_space<vmem>>
        %dma_start3A_552 = arith.constant 0 : i32
        %dma_start3A_553 = arith.constant 0 : i32
        %dma_start3A_554 = tpu.memref_slice %arg2[%dma_start3A_552, %dma_start3A_553] : memref<1000000x32xf32, #tpu.memory_space<hbm>> -> memref<1000000x32xf32, #tpu.memory_space<hbm>>
        tpu.enqueue_indirect_dma source(%dma_start3A_554 : memref<1000000x32xf32, #tpu.memory_space<hbm>>) target(%dma_start3A_548 : memref<80x32xf32, #tpu.memory_space<vmem>>) offsets(%dma_start3A_551 : memref<80xi32, #tpu.memory_space<vmem>>) semaphore(%arg11 : memref<!tpu.dma_semaphore, #tpu.memory_space<semaphore_mem>>)
        %dma_start3A_555 = arith.constant 7 : i32
        %dma_start3A_556 = arith.constant 560 : i32
        %dma_start3A_557 = arith.constant 0 : i32
        %dma_start3A_558 = tpu.memref_slice %arg7[%dma_start3A_556, %dma_start3A_557] : memref<800x32xf32, #tpu.memory_space<vmem>> -> memref<80x32xf32, #tpu.memory_space<vmem>>
        %dma_start3A_559 = arith.constant 0 : i32
        %dma_start3A_560 = tpu.memref_slice %arg5[%dma_start3A_555, %dma_start3A_559] : memref<10x80xi32, #tpu.memory_space<vmem>> -> memref<1x80xi32, #tpu.memory_space<vmem>>
        %dma_start3A_561 = tpu.memref_squeeze %dma_start3A_560 : memref<1x80xi32, #tpu.memory_space<vmem>> -> memref<80xi32, #tpu.memory_space<vmem>>
        %dma_start3A_562 = arith.constant 0 : i32
        %dma_start3A_563 = arith.constant 0 : i32
        %dma_start3A_564 = tpu.memref_slice %arg2[%dma_start3A_562, %dma_start3A_563] : memref<1000000x32xf32, #tpu.memory_space<hbm>> -> memref<1000000x32xf32, #tpu.memory_space<hbm>>
        tpu.enqueue_indirect_dma source(%dma_start3A_564 : memref<1000000x32xf32, #tpu.memory_space<hbm>>) target(%dma_start3A_558 : memref<80x32xf32, #tpu.memory_space<vmem>>) offsets(%dma_start3A_561 : memref<80xi32, #tpu.memory_space<vmem>>) semaphore(%arg11 : memref<!tpu.dma_semaphore, #tpu.memory_space<semaphore_mem>>)
        %dma_start3A_565 = arith.constant 8 : i32
        %dma_start3A_566 = arith.constant 640 : i32
        %dma_start3A_567 = arith.constant 0 : i32
        %dma_start3A_568 = tpu.memref_slice %arg7[%dma_start3A_566, %dma_start3A_567] : memref<800x32xf32, #tpu.memory_space<vmem>> -> memref<80x32xf32, #tpu.memory_space<vmem>>
        %dma_start3A_569 = arith.constant 0 : i32
        %dma_start3A_570 = tpu.memref_slice %arg5[%dma_start3A_565, %dma_start3A_569] : memref<10x80xi32, #tpu.memory_space<vmem>> -> memref<1x80xi32, #tpu.memory_space<vmem>>
        %dma_start3A_571 = tpu.memref_squeeze %dma_start3A_570 : memref<1x80xi32, #tpu.memory_space<vmem>> -> memref<80xi32, #tpu.memory_space<vmem>>
        %dma_start3A_572 = arith.constant 0 : i32
        %dma_start3A_573 = arith.constant 0 : i32
        %dma_start3A_574 = tpu.memref_slice %arg2[%dma_start3A_572, %dma_start3A_573] : memref<1000000x32xf32, #tpu.memory_space<hbm>> -> memref<1000000x32xf32, #tpu.memory_space<hbm>>
        tpu.enqueue_indirect_dma source(%dma_start3A_574 : memref<1000000x32xf32, #tpu.memory_space<hbm>>) target(%dma_start3A_568 : memref<80x32xf32, #tpu.memory_space<vmem>>) offsets(%dma_start3A_571 : memref<80xi32, #tpu.memory_space<vmem>>) semaphore(%arg11 : memref<!tpu.dma_semaphore, #tpu.memory_space<semaphore_mem>>)
        %dma_start3A_575 = arith.constant 9 : i32
        %dma_start3A_576 = arith.constant 720 : i32
        %dma_start3A_577 = arith.constant 0 : i32
        %dma_start3A_578 = tpu.memref_slice %arg7[%dma_start3A_576, %dma_start3A_577] : memref<800x32xf32, #tpu.memory_space<vmem>> -> memref<80x32xf32, #tpu.memory_space<vmem>>
        %dma_start3A_579 = arith.constant 0 : i32
        %dma_start3A_580 = tpu.memref_slice %arg5[%dma_start3A_575, %dma_start3A_579] : memref<10x80xi32, #tpu.memory_space<vmem>> -> memref<1x80xi32, #tpu.memory_space<vmem>>
        %dma_start3A_581 = tpu.memref_squeeze %dma_start3A_580 : memref<1x80xi32, #tpu.memory_space<vmem>> -> memref<80xi32, #tpu.memory_space<vmem>>
        %dma_start3A_582 = arith.constant 0 : i32
        %dma_start3A_583 = arith.constant 0 : i32
        %dma_start3A_584 = tpu.memref_slice %arg2[%dma_start3A_582, %dma_start3A_583] : memref<1000000x32xf32, #tpu.memory_space<hbm>> -> memref<1000000x32xf32, #tpu.memory_space<hbm>>
        tpu.enqueue_indirect_dma source(%dma_start3A_584 : memref<1000000x32xf32, #tpu.memory_space<hbm>>) target(%dma_start3A_578 : memref<80x32xf32, #tpu.memory_space<vmem>>) offsets(%dma_start3A_581 : memref<80xi32, #tpu.memory_space<vmem>>) semaphore(%arg11 : memref<!tpu.dma_semaphore, #tpu.memory_space<semaphore_mem>>)
      } else {
      }
      %dma_wait3A_357 = arith.constant 0 : i32
      %dma_wait3A_358 = arith.constant 0 : i32
      %dma_wait3A_359 = arith.constant 0 : i32
      %dma_wait3A_360 = tpu.memref_slice %arg8[%dma_wait3A_358, %dma_wait3A_359] : memref<800x32xf32, #tpu.memory_space<vmem>> -> memref<80x32xf32, #tpu.memory_space<vmem>>
      %dma_wait3A_361 = arith.constant 0 : i32
      %dma_wait3A_362 = tpu.memref_slice %arg6[%dma_wait3A_357, %dma_wait3A_361] : memref<10x80xi32, #tpu.memory_space<vmem>> -> memref<1x80xi32, #tpu.memory_space<vmem>>
      %dma_wait3A_363 = tpu.memref_squeeze %dma_wait3A_362 : memref<1x80xi32, #tpu.memory_space<vmem>> -> memref<80xi32, #tpu.memory_space<vmem>>
      %dma_wait3A_364 = arith.constant 0 : i32
      %dma_wait3A_365 = arith.constant 0 : i32
      %dma_wait3A_366 = tpu.memref_slice %arg2[%dma_wait3A_364, %dma_wait3A_365] : memref<1000000x32xf32, #tpu.memory_space<hbm>> -> memref<1000000x32xf32, #tpu.memory_space<hbm>>
      tpu.wait_indirect_dma semaphore(%arg12 : memref<!tpu.dma_semaphore, #tpu.memory_space<semaphore_mem>>) src(%dma_wait3A_366 : memref<1000000x32xf32, #tpu.memory_space<hbm>>) dst(%dma_wait3A_360 : memref<80x32xf32, #tpu.memory_space<vmem>>)
      %dma_wait3A_367 = arith.constant 1 : i32
      %dma_wait3A_368 = arith.constant 80 : i32
      %dma_wait3A_369 = arith.constant 0 : i32
      %dma_wait3A_370 = tpu.memref_slice %arg8[%dma_wait3A_368, %dma_wait3A_369] : memref<800x32xf32, #tpu.memory_space<vmem>> -> memref<80x32xf32, #tpu.memory_space<vmem>>
      %dma_wait3A_371 = arith.constant 0 : i32
      %dma_wait3A_372 = tpu.memref_slice %arg6[%dma_wait3A_367, %dma_wait3A_371] : memref<10x80xi32, #tpu.memory_space<vmem>> -> memref<1x80xi32, #tpu.memory_space<vmem>>
      %dma_wait3A_373 = tpu.memref_squeeze %dma_wait3A_372 : memref<1x80xi32, #tpu.memory_space<vmem>> -> memref<80xi32, #tpu.memory_space<vmem>>
      %dma_wait3A_374 = arith.constant 0 : i32
      %dma_wait3A_375 = arith.constant 0 : i32
      %dma_wait3A_376 = tpu.memref_slice %arg2[%dma_wait3A_374, %dma_wait3A_375] : memref<1000000x32xf32, #tpu.memory_space<hbm>> -> memref<1000000x32xf32, #tpu.memory_space<hbm>>
      tpu.wait_indirect_dma semaphore(%arg12 : memref<!tpu.dma_semaphore, #tpu.memory_space<semaphore_mem>>) src(%dma_wait3A_376 : memref<1000000x32xf32, #tpu.memory_space<hbm>>) dst(%dma_wait3A_370 : memref<80x32xf32, #tpu.memory_space<vmem>>)
      %dma_wait3A_377 = arith.constant 2 : i32
      %dma_wait3A_378 = arith.constant 160 : i32
      %dma_wait3A_379 = arith.constant 0 : i32
      %dma_wait3A_380 = tpu.memref_slice %arg8[%dma_wait3A_378, %dma_wait3A_379] : memref<800x32xf32, #tpu.memory_space<vmem>> -> memref<80x32xf32, #tpu.memory_space<vmem>>
      %dma_wait3A_381 = arith.constant 0 : i32
      %dma_wait3A_382 = tpu.memref_slice %arg6[%dma_wait3A_377, %dma_wait3A_381] : memref<10x80xi32, #tpu.memory_space<vmem>> -> memref<1x80xi32, #tpu.memory_space<vmem>>
      %dma_wait3A_383 = tpu.memref_squeeze %dma_wait3A_382 : memref<1x80xi32, #tpu.memory_space<vmem>> -> memref<80xi32, #tpu.memory_space<vmem>>
      %dma_wait3A_384 = arith.constant 0 : i32
      %dma_wait3A_385 = arith.constant 0 : i32
      %dma_wait3A_386 = tpu.memref_slice %arg2[%dma_wait3A_384, %dma_wait3A_385] : memref<1000000x32xf32, #tpu.memory_space<hbm>> -> memref<1000000x32xf32, #tpu.memory_space<hbm>>
      tpu.wait_indirect_dma semaphore(%arg12 : memref<!tpu.dma_semaphore, #tpu.memory_space<semaphore_mem>>) src(%dma_wait3A_386 : memref<1000000x32xf32, #tpu.memory_space<hbm>>) dst(%dma_wait3A_380 : memref<80x32xf32, #tpu.memory_space<vmem>>)
      %dma_wait3A_387 = arith.constant 3 : i32
      %dma_wait3A_388 = arith.constant 240 : i32
      %dma_wait3A_389 = arith.constant 0 : i32
      %dma_wait3A_390 = tpu.memref_slice %arg8[%dma_wait3A_388, %dma_wait3A_389] : memref<800x32xf32, #tpu.memory_space<vmem>> -> memref<80x32xf32, #tpu.memory_space<vmem>>
      %dma_wait3A_391 = arith.constant 0 : i32
      %dma_wait3A_392 = tpu.memref_slice %arg6[%dma_wait3A_387, %dma_wait3A_391] : memref<10x80xi32, #tpu.memory_space<vmem>> -> memref<1x80xi32, #tpu.memory_space<vmem>>
      %dma_wait3A_393 = tpu.memref_squeeze %dma_wait3A_392 : memref<1x80xi32, #tpu.memory_space<vmem>> -> memref<80xi32, #tpu.memory_space<vmem>>
      %dma_wait3A_394 = arith.constant 0 : i32
      %dma_wait3A_395 = arith.constant 0 : i32
      %dma_wait3A_396 = tpu.memref_slice %arg2[%dma_wait3A_394, %dma_wait3A_395] : memref<1000000x32xf32, #tpu.memory_space<hbm>> -> memref<1000000x32xf32, #tpu.memory_space<hbm>>
      tpu.wait_indirect_dma semaphore(%arg12 : memref<!tpu.dma_semaphore, #tpu.memory_space<semaphore_mem>>) src(%dma_wait3A_396 : memref<1000000x32xf32, #tpu.memory_space<hbm>>) dst(%dma_wait3A_390 : memref<80x32xf32, #tpu.memory_space<vmem>>)
      %dma_wait3A_397 = arith.constant 4 : i32
      %dma_wait3A_398 = arith.constant 320 : i32
      %dma_wait3A_399 = arith.constant 0 : i32
      %dma_wait3A_400 = tpu.memref_slice %arg8[%dma_wait3A_398, %dma_wait3A_399] : memref<800x32xf32, #tpu.memory_space<vmem>> -> memref<80x32xf32, #tpu.memory_space<vmem>>
      %dma_wait3A_401 = arith.constant 0 : i32
      %dma_wait3A_402 = tpu.memref_slice %arg6[%dma_wait3A_397, %dma_wait3A_401] : memref<10x80xi32, #tpu.memory_space<vmem>> -> memref<1x80xi32, #tpu.memory_space<vmem>>
      %dma_wait3A_403 = tpu.memref_squeeze %dma_wait3A_402 : memref<1x80xi32, #tpu.memory_space<vmem>> -> memref<80xi32, #tpu.memory_space<vmem>>
      %dma_wait3A_404 = arith.constant 0 : i32
      %dma_wait3A_405 = arith.constant 0 : i32
      %dma_wait3A_406 = tpu.memref_slice %arg2[%dma_wait3A_404, %dma_wait3A_405] : memref<1000000x32xf32, #tpu.memory_space<hbm>> -> memref<1000000x32xf32, #tpu.memory_space<hbm>>
      tpu.wait_indirect_dma semaphore(%arg12 : memref<!tpu.dma_semaphore, #tpu.memory_space<semaphore_mem>>) src(%dma_wait3A_406 : memref<1000000x32xf32, #tpu.memory_space<hbm>>) dst(%dma_wait3A_400 : memref<80x32xf32, #tpu.memory_space<vmem>>)
      %dma_wait3A_407 = arith.constant 5 : i32
      %dma_wait3A_408 = arith.constant 400 : i32
      %dma_wait3A_409 = arith.constant 0 : i32
      %dma_wait3A_410 = tpu.memref_slice %arg8[%dma_wait3A_408, %dma_wait3A_409] : memref<800x32xf32, #tpu.memory_space<vmem>> -> memref<80x32xf32, #tpu.memory_space<vmem>>
      %dma_wait3A_411 = arith.constant 0 : i32
      %dma_wait3A_412 = tpu.memref_slice %arg6[%dma_wait3A_407, %dma_wait3A_411] : memref<10x80xi32, #tpu.memory_space<vmem>> -> memref<1x80xi32, #tpu.memory_space<vmem>>
      %dma_wait3A_413 = tpu.memref_squeeze %dma_wait3A_412 : memref<1x80xi32, #tpu.memory_space<vmem>> -> memref<80xi32, #tpu.memory_space<vmem>>
      %dma_wait3A_414 = arith.constant 0 : i32
      %dma_wait3A_415 = arith.constant 0 : i32
      %dma_wait3A_416 = tpu.memref_slice %arg2[%dma_wait3A_414, %dma_wait3A_415] : memref<1000000x32xf32, #tpu.memory_space<hbm>> -> memref<1000000x32xf32, #tpu.memory_space<hbm>>
      tpu.wait_indirect_dma semaphore(%arg12 : memref<!tpu.dma_semaphore, #tpu.memory_space<semaphore_mem>>) src(%dma_wait3A_416 : memref<1000000x32xf32, #tpu.memory_space<hbm>>) dst(%dma_wait3A_410 : memref<80x32xf32, #tpu.memory_space<vmem>>)
      %dma_wait3A_417 = arith.constant 6 : i32
      %dma_wait3A_418 = arith.constant 480 : i32
      %dma_wait3A_419 = arith.constant 0 : i32
      %dma_wait3A_420 = tpu.memref_slice %arg8[%dma_wait3A_418, %dma_wait3A_419] : memref<800x32xf32, #tpu.memory_space<vmem>> -> memref<80x32xf32, #tpu.memory_space<vmem>>
      %dma_wait3A_421 = arith.constant 0 : i32
      %dma_wait3A_422 = tpu.memref_slice %arg6[%dma_wait3A_417, %dma_wait3A_421] : memref<10x80xi32, #tpu.memory_space<vmem>> -> memref<1x80xi32, #tpu.memory_space<vmem>>
      %dma_wait3A_423 = tpu.memref_squeeze %dma_wait3A_422 : memref<1x80xi32, #tpu.memory_space<vmem>> -> memref<80xi32, #tpu.memory_space<vmem>>
      %dma_wait3A_424 = arith.constant 0 : i32
      %dma_wait3A_425 = arith.constant 0 : i32
      %dma_wait3A_426 = tpu.memref_slice %arg2[%dma_wait3A_424, %dma_wait3A_425] : memref<1000000x32xf32, #tpu.memory_space<hbm>> -> memref<1000000x32xf32, #tpu.memory_space<hbm>>
      tpu.wait_indirect_dma semaphore(%arg12 : memref<!tpu.dma_semaphore, #tpu.memory_space<semaphore_mem>>) src(%dma_wait3A_426 : memref<1000000x32xf32, #tpu.memory_space<hbm>>) dst(%dma_wait3A_420 : memref<80x32xf32, #tpu.memory_space<vmem>>)
      %dma_wait3A_427 = arith.constant 7 : i32
      %dma_wait3A_428 = arith.constant 560 : i32
      %dma_wait3A_429 = arith.constant 0 : i32
      %dma_wait3A_430 = tpu.memref_slice %arg8[%dma_wait3A_428, %dma_wait3A_429] : memref<800x32xf32, #tpu.memory_space<vmem>> -> memref<80x32xf32, #tpu.memory_space<vmem>>
      %dma_wait3A_431 = arith.constant 0 : i32
      %dma_wait3A_432 = tpu.memref_slice %arg6[%dma_wait3A_427, %dma_wait3A_431] : memref<10x80xi32, #tpu.memory_space<vmem>> -> memref<1x80xi32, #tpu.memory_space<vmem>>
      %dma_wait3A_433 = tpu.memref_squeeze %dma_wait3A_432 : memref<1x80xi32, #tpu.memory_space<vmem>> -> memref<80xi32, #tpu.memory_space<vmem>>
      %dma_wait3A_434 = arith.constant 0 : i32
      %dma_wait3A_435 = arith.constant 0 : i32
      %dma_wait3A_436 = tpu.memref_slice %arg2[%dma_wait3A_434, %dma_wait3A_435] : memref<1000000x32xf32, #tpu.memory_space<hbm>> -> memref<1000000x32xf32, #tpu.memory_space<hbm>>
      tpu.wait_indirect_dma semaphore(%arg12 : memref<!tpu.dma_semaphore, #tpu.memory_space<semaphore_mem>>) src(%dma_wait3A_436 : memref<1000000x32xf32, #tpu.memory_space<hbm>>) dst(%dma_wait3A_430 : memref<80x32xf32, #tpu.memory_space<vmem>>)
      %dma_wait3A_437 = arith.constant 8 : i32
      %dma_wait3A_438 = arith.constant 640 : i32
      %dma_wait3A_439 = arith.constant 0 : i32
      %dma_wait3A_440 = tpu.memref_slice %arg8[%dma_wait3A_438, %dma_wait3A_439] : memref<800x32xf32, #tpu.memory_space<vmem>> -> memref<80x32xf32, #tpu.memory_space<vmem>>
      %dma_wait3A_441 = arith.constant 0 : i32
      %dma_wait3A_442 = tpu.memref_slice %arg6[%dma_wait3A_437, %dma_wait3A_441] : memref<10x80xi32, #tpu.memory_space<vmem>> -> memref<1x80xi32, #tpu.memory_space<vmem>>
      %dma_wait3A_443 = tpu.memref_squeeze %dma_wait3A_442 : memref<1x80xi32, #tpu.memory_space<vmem>> -> memref<80xi32, #tpu.memory_space<vmem>>
      %dma_wait3A_444 = arith.constant 0 : i32
      %dma_wait3A_445 = arith.constant 0 : i32
      %dma_wait3A_446 = tpu.memref_slice %arg2[%dma_wait3A_444, %dma_wait3A_445] : memref<1000000x32xf32, #tpu.memory_space<hbm>> -> memref<1000000x32xf32, #tpu.memory_space<hbm>>
      tpu.wait_indirect_dma semaphore(%arg12 : memref<!tpu.dma_semaphore, #tpu.memory_space<semaphore_mem>>) src(%dma_wait3A_446 : memref<1000000x32xf32, #tpu.memory_space<hbm>>) dst(%dma_wait3A_440 : memref<80x32xf32, #tpu.memory_space<vmem>>)
      %dma_wait3A_447 = arith.constant 9 : i32
      %dma_wait3A_448 = arith.constant 720 : i32
      %dma_wait3A_449 = arith.constant 0 : i32
      %dma_wait3A_450 = tpu.memref_slice %arg8[%dma_wait3A_448, %dma_wait3A_449] : memref<800x32xf32, #tpu.memory_space<vmem>> -> memref<80x32xf32, #tpu.memory_space<vmem>>
      %dma_wait3A_451 = arith.constant 0 : i32
      %dma_wait3A_452 = tpu.memref_slice %arg6[%dma_wait3A_447, %dma_wait3A_451] : memref<10x80xi32, #tpu.memory_space<vmem>> -> memref<1x80xi32, #tpu.memory_space<vmem>>
      %dma_wait3A_453 = tpu.memref_squeeze %dma_wait3A_452 : memref<1x80xi32, #tpu.memory_space<vmem>> -> memref<80xi32, #tpu.memory_space<vmem>>
      %dma_wait3A_454 = arith.constant 0 : i32
      %dma_wait3A_455 = arith.constant 0 : i32
      %dma_wait3A_456 = tpu.memref_slice %arg2[%dma_wait3A_454, %dma_wait3A_455] : memref<1000000x32xf32, #tpu.memory_space<hbm>> -> memref<1000000x32xf32, #tpu.memory_space<hbm>>
      tpu.wait_indirect_dma semaphore(%arg12 : memref<!tpu.dma_semaphore, #tpu.memory_space<semaphore_mem>>) src(%dma_wait3A_456 : memref<1000000x32xf32, #tpu.memory_space<hbm>>) dst(%dma_wait3A_450 : memref<80x32xf32, #tpu.memory_space<vmem>>)
      %scan3A_457 = arith.constant 0 : i32
      %scan3A_458 = arith.constant 50 : i32
      %scan3A_459 = arith.addi %scan3A_457, %scan3A_458 : i32
      %scan3A_460 = arith.constant 1 : i32
      scf.for %scan3A_471 = %scan3A_457 to %scan3A_459 step %scan3A_460  : i32 {
        %mul3A_472 = arith.constant 1 : i32
        %mul3A_473 = arith.muli %scan3A_471, %mul3A_472 : i32
        %add3A_474 = arith.constant 0 : i32
        %add3A_475 = arith.addi %add3A_474, %mul3A_473 : i32
        %iota3A = tpu.iota {dimensions = array<i32: 0>} : vector<16xi32>
        %mul3A_476 = arith.constant 50 : i32
        %mul3A_477 = vector.broadcast %mul3A_476 : i32 to vector<16xi32>
        %mul3A_478 = arith.muli %mul3A_477, %iota3A : vector<16xi32>
        %add3A_479 = vector.broadcast %add3A_475 : i32 to vector<16xi32>
        %add3A_480 = arith.addi %add3A_479, %mul3A_478 : vector<16xi32>
        %broadcast_in_dim3A = vector.broadcast %add3A_475 : i32 to vector<16xi32>
        %add3A_481 = arith.constant 0 : i32
        %add3A_482 = vector.broadcast %add3A_481 : i32 to vector<16xi32>
        %add3A_483 = arith.addi %iota3A, %add3A_482 : vector<16xi32>
        %and3A = arith.constant 31 : i32
        %and3A_484 = vector.broadcast %and3A : i32 to vector<16xi32>
        %and3A_485 = arith.andi %add3A_483, %and3A_484 : vector<16xi32>
        %add3A_486 = arith.constant 1 : i32
        %add3A_487 = vector.broadcast %add3A_486 : i32 to vector<16xi32>
        %add3A_488 = arith.addi %iota3A, %add3A_487 : vector<16xi32>
        %and3A_489 = arith.constant 31 : i32
        %and3A_490 = vector.broadcast %and3A_489 : i32 to vector<16xi32>
        %and3A_491 = arith.andi %add3A_488, %and3A_490 : vector<16xi32>
        %add3A_492 = arith.constant 2 : i32
        %add3A_493 = vector.broadcast %add3A_492 : i32 to vector<16xi32>
        %add3A_494 = arith.addi %iota3A, %add3A_493 : vector<16xi32>
        %and3A_495 = arith.constant 31 : i32
        %and3A_496 = vector.broadcast %and3A_495 : i32 to vector<16xi32>
        %and3A_497 = arith.andi %add3A_494, %and3A_496 : vector<16xi32>
        %add3A_498 = arith.constant 3 : i32
        %add3A_499 = vector.broadcast %add3A_498 : i32 to vector<16xi32>
        %add3A_500 = arith.addi %iota3A, %add3A_499 : vector<16xi32>
        %and3A_501 = arith.constant 31 : i32
        %and3A_502 = vector.broadcast %and3A_501 : i32 to vector<16xi32>
        %and3A_503 = arith.andi %add3A_500, %and3A_502 : vector<16xi32>
        %add3A_504 = arith.constant 4 : i32
        %add3A_505 = vector.broadcast %add3A_504 : i32 to vector<16xi32>
        %add3A_506 = arith.addi %iota3A, %add3A_505 : vector<16xi32>
        %and3A_507 = arith.constant 31 : i32
        %and3A_508 = vector.broadcast %and3A_507 : i32 to vector<16xi32>
        %and3A_509 = arith.andi %add3A_506, %and3A_508 : vector<16xi32>
        %add3A_510 = arith.constant 5 : i32
        %add3A_511 = vector.broadcast %add3A_510 : i32 to vector<16xi32>
        %add3A_512 = arith.addi %iota3A, %add3A_511 : vector<16xi32>
        %and3A_513 = arith.constant 31 : i32
        %and3A_514 = vector.broadcast %and3A_513 : i32 to vector<16xi32>
        %and3A_515 = arith.andi %add3A_512, %and3A_514 : vector<16xi32>
        %add3A_516 = arith.constant 6 : i32
        %add3A_517 = vector.broadcast %add3A_516 : i32 to vector<16xi32>
        %add3A_518 = arith.addi %iota3A, %add3A_517 : vector<16xi32>
        %and3A_519 = arith.constant 31 : i32
        %and3A_520 = vector.broadcast %and3A_519 : i32 to vector<16xi32>
        %and3A_521 = arith.andi %add3A_518, %and3A_520 : vector<16xi32>
        %add3A_522 = arith.constant 7 : i32
        %add3A_523 = vector.broadcast %add3A_522 : i32 to vector<16xi32>
        %add3A_524 = arith.addi %iota3A, %add3A_523 : vector<16xi32>
        %and3A_525 = arith.constant 31 : i32
        %and3A_526 = vector.broadcast %and3A_525 : i32 to vector<16xi32>
        %and3A_527 = arith.andi %add3A_524, %and3A_526 : vector<16xi32>
        %add3A_528 = arith.constant 8 : i32
        %add3A_529 = vector.broadcast %add3A_528 : i32 to vector<16xi32>
        %add3A_530 = arith.addi %iota3A, %add3A_529 : vector<16xi32>
        %and3A_531 = arith.constant 31 : i32
        %and3A_532 = vector.broadcast %and3A_531 : i32 to vector<16xi32>
        %and3A_533 = arith.andi %add3A_530, %and3A_532 : vector<16xi32>
        %add3A_534 = arith.constant 9 : i32
        %add3A_535 = vector.broadcast %add3A_534 : i32 to vector<16xi32>
        %add3A_536 = arith.addi %iota3A, %add3A_535 : vector<16xi32>
        %and3A_537 = arith.constant 31 : i32
        %and3A_538 = vector.broadcast %and3A_537 : i32 to vector<16xi32>
        %and3A_539 = arith.andi %add3A_536, %and3A_538 : vector<16xi32>
        %add3A_540 = arith.constant 10 : i32
        %add3A_541 = vector.broadcast %add3A_540 : i32 to vector<16xi32>
        %add3A_542 = arith.addi %iota3A, %add3A_541 : vector<16xi32>
        %and3A_543 = arith.constant 31 : i32
        %and3A_544 = vector.broadcast %and3A_543 : i32 to vector<16xi32>
        %and3A_545 = arith.andi %add3A_542, %and3A_544 : vector<16xi32>
        %add3A_546 = arith.constant 11 : i32
        %add3A_547 = vector.broadcast %add3A_546 : i32 to vector<16xi32>
        %add3A_548 = arith.addi %iota3A, %add3A_547 : vector<16xi32>
        %and3A_549 = arith.constant 31 : i32
        %and3A_550 = vector.broadcast %and3A_549 : i32 to vector<16xi32>
        %and3A_551 = arith.andi %add3A_548, %and3A_550 : vector<16xi32>
        %add3A_552 = arith.constant 12 : i32
        %add3A_553 = vector.broadcast %add3A_552 : i32 to vector<16xi32>
        %add3A_554 = arith.addi %iota3A, %add3A_553 : vector<16xi32>
        %and3A_555 = arith.constant 31 : i32
        %and3A_556 = vector.broadcast %and3A_555 : i32 to vector<16xi32>
        %and3A_557 = arith.andi %add3A_554, %and3A_556 : vector<16xi32>
        %add3A_558 = arith.constant 13 : i32
        %add3A_559 = vector.broadcast %add3A_558 : i32 to vector<16xi32>
        %add3A_560 = arith.addi %iota3A, %add3A_559 : vector<16xi32>
        %and3A_561 = arith.constant 31 : i32
        %and3A_562 = vector.broadcast %and3A_561 : i32 to vector<16xi32>
        %and3A_563 = arith.andi %add3A_560, %and3A_562 : vector<16xi32>
        %add3A_564 = arith.constant 14 : i32
        %add3A_565 = vector.broadcast %add3A_564 : i32 to vector<16xi32>
        %add3A_566 = arith.addi %iota3A, %add3A_565 : vector<16xi32>
        %and3A_567 = arith.constant 31 : i32
        %and3A_568 = vector.broadcast %and3A_567 : i32 to vector<16xi32>
        %and3A_569 = arith.andi %add3A_566, %and3A_568 : vector<16xi32>
        %add3A_570 = arith.constant 15 : i32
        %add3A_571 = vector.broadcast %add3A_570 : i32 to vector<16xi32>
        %add3A_572 = arith.addi %iota3A, %add3A_571 : vector<16xi32>
        %and3A_573 = arith.constant 31 : i32
        %and3A_574 = vector.broadcast %and3A_573 : i32 to vector<16xi32>
        %and3A_575 = arith.andi %add3A_572, %and3A_574 : vector<16xi32>
        %add3A_576 = arith.constant 16 : i32
        %add3A_577 = vector.broadcast %add3A_576 : i32 to vector<16xi32>
        %add3A_578 = arith.addi %iota3A, %add3A_577 : vector<16xi32>
        %and3A_579 = arith.constant 31 : i32
        %and3A_580 = vector.broadcast %and3A_579 : i32 to vector<16xi32>
        %and3A_581 = arith.andi %add3A_578, %and3A_580 : vector<16xi32>
        %add3A_582 = arith.constant 17 : i32
        %add3A_583 = vector.broadcast %add3A_582 : i32 to vector<16xi32>
        %add3A_584 = arith.addi %iota3A, %add3A_583 : vector<16xi32>
        %and3A_585 = arith.constant 31 : i32
        %and3A_586 = vector.broadcast %and3A_585 : i32 to vector<16xi32>
        %and3A_587 = arith.andi %add3A_584, %and3A_586 : vector<16xi32>
        %add3A_588 = arith.constant 18 : i32
        %add3A_589 = vector.broadcast %add3A_588 : i32 to vector<16xi32>
        %add3A_590 = arith.addi %iota3A, %add3A_589 : vector<16xi32>
        %and3A_591 = arith.constant 31 : i32
        %and3A_592 = vector.broadcast %and3A_591 : i32 to vector<16xi32>
        %and3A_593 = arith.andi %add3A_590, %and3A_592 : vector<16xi32>
        %add3A_594 = arith.constant 19 : i32
        %add3A_595 = vector.broadcast %add3A_594 : i32 to vector<16xi32>
        %add3A_596 = arith.addi %iota3A, %add3A_595 : vector<16xi32>
        %and3A_597 = arith.constant 31 : i32
        %and3A_598 = vector.broadcast %and3A_597 : i32 to vector<16xi32>
        %and3A_599 = arith.andi %add3A_596, %and3A_598 : vector<16xi32>
        %add3A_600 = arith.constant 20 : i32
        %add3A_601 = vector.broadcast %add3A_600 : i32 to vector<16xi32>
        %add3A_602 = arith.addi %iota3A, %add3A_601 : vector<16xi32>
        %and3A_603 = arith.constant 31 : i32
        %and3A_604 = vector.broadcast %and3A_603 : i32 to vector<16xi32>
        %and3A_605 = arith.andi %add3A_602, %and3A_604 : vector<16xi32>
        %add3A_606 = arith.constant 21 : i32
        %add3A_607 = vector.broadcast %add3A_606 : i32 to vector<16xi32>
        %add3A_608 = arith.addi %iota3A, %add3A_607 : vector<16xi32>
        %and3A_609 = arith.constant 31 : i32
        %and3A_610 = vector.broadcast %and3A_609 : i32 to vector<16xi32>
        %and3A_611 = arith.andi %add3A_608, %and3A_610 : vector<16xi32>
        %add3A_612 = arith.constant 22 : i32
        %add3A_613 = vector.broadcast %add3A_612 : i32 to vector<16xi32>
        %add3A_614 = arith.addi %iota3A, %add3A_613 : vector<16xi32>
        %and3A_615 = arith.constant 31 : i32
        %and3A_616 = vector.broadcast %and3A_615 : i32 to vector<16xi32>
        %and3A_617 = arith.andi %add3A_614, %and3A_616 : vector<16xi32>
        %add3A_618 = arith.constant 23 : i32
        %add3A_619 = vector.broadcast %add3A_618 : i32 to vector<16xi32>
        %add3A_620 = arith.addi %iota3A, %add3A_619 : vector<16xi32>
        %and3A_621 = arith.constant 31 : i32
        %and3A_622 = vector.broadcast %and3A_621 : i32 to vector<16xi32>
        %and3A_623 = arith.andi %add3A_620, %and3A_622 : vector<16xi32>
        %add3A_624 = arith.constant 24 : i32
        %add3A_625 = vector.broadcast %add3A_624 : i32 to vector<16xi32>
        %add3A_626 = arith.addi %iota3A, %add3A_625 : vector<16xi32>
        %and3A_627 = arith.constant 31 : i32
        %and3A_628 = vector.broadcast %and3A_627 : i32 to vector<16xi32>
        %and3A_629 = arith.andi %add3A_626, %and3A_628 : vector<16xi32>
        %add3A_630 = arith.constant 25 : i32
        %add3A_631 = vector.broadcast %add3A_630 : i32 to vector<16xi32>
        %add3A_632 = arith.addi %iota3A, %add3A_631 : vector<16xi32>
        %and3A_633 = arith.constant 31 : i32
        %and3A_634 = vector.broadcast %and3A_633 : i32 to vector<16xi32>
        %and3A_635 = arith.andi %add3A_632, %and3A_634 : vector<16xi32>
        %add3A_636 = arith.constant 26 : i32
        %add3A_637 = vector.broadcast %add3A_636 : i32 to vector<16xi32>
        %add3A_638 = arith.addi %iota3A, %add3A_637 : vector<16xi32>
        %and3A_639 = arith.constant 31 : i32
        %and3A_640 = vector.broadcast %and3A_639 : i32 to vector<16xi32>
        %and3A_641 = arith.andi %add3A_638, %and3A_640 : vector<16xi32>
        %add3A_642 = arith.constant 27 : i32
        %add3A_643 = vector.broadcast %add3A_642 : i32 to vector<16xi32>
        %add3A_644 = arith.addi %iota3A, %add3A_643 : vector<16xi32>
        %and3A_645 = arith.constant 31 : i32
        %and3A_646 = vector.broadcast %and3A_645 : i32 to vector<16xi32>
        %and3A_647 = arith.andi %add3A_644, %and3A_646 : vector<16xi32>
        %add3A_648 = arith.constant 28 : i32
        %add3A_649 = vector.broadcast %add3A_648 : i32 to vector<16xi32>
        %add3A_650 = arith.addi %iota3A, %add3A_649 : vector<16xi32>
        %and3A_651 = arith.constant 31 : i32
        %and3A_652 = vector.broadcast %and3A_651 : i32 to vector<16xi32>
        %and3A_653 = arith.andi %add3A_650, %and3A_652 : vector<16xi32>
        %add3A_654 = arith.constant 29 : i32
        %add3A_655 = vector.broadcast %add3A_654 : i32 to vector<16xi32>
        %add3A_656 = arith.addi %iota3A, %add3A_655 : vector<16xi32>
        %and3A_657 = arith.constant 31 : i32
        %and3A_658 = vector.broadcast %and3A_657 : i32 to vector<16xi32>
        %and3A_659 = arith.andi %add3A_656, %and3A_658 : vector<16xi32>
        %add3A_660 = arith.constant 30 : i32
        %add3A_661 = vector.broadcast %add3A_660 : i32 to vector<16xi32>
        %add3A_662 = arith.addi %iota3A, %add3A_661 : vector<16xi32>
        %and3A_663 = arith.constant 31 : i32
        %and3A_664 = vector.broadcast %and3A_663 : i32 to vector<16xi32>
        %and3A_665 = arith.andi %add3A_662, %and3A_664 : vector<16xi32>
        %add3A_666 = arith.constant 31 : i32
        %add3A_667 = vector.broadcast %add3A_666 : i32 to vector<16xi32>
        %add3A_668 = arith.addi %iota3A, %add3A_667 : vector<16xi32>
        %and3A_669 = arith.constant 31 : i32
        %and3A_670 = vector.broadcast %and3A_669 : i32 to vector<16xi32>
        %and3A_671 = arith.andi %add3A_668, %and3A_670 : vector<16xi32>
        %broadcast_in_dim3A_672 = arith.constant 0.000000e+00 : f32
        %broadcast_in_dim3A_673 = vector.broadcast %broadcast_in_dim3A_672 : f32 to vector<16xf32>
        %gather3A = tpu.vector_load_idx %arg8[%add3A_480, %and3A_485] : memref<800x32xf32, #tpu.memory_space<vmem>>[vector<16xi32>, vector<16xi32>], vector<16xf32>,
        %mul3A_674 = arith.mulf %gather3A, %gather3A : vector<16xf32>
        %add3A_675 = arith.addf %broadcast_in_dim3A_673, %mul3A_674 : vector<16xf32>
        %gather3A_676 = tpu.vector_load_idx %arg8[%add3A_480, %and3A_491] : memref<800x32xf32, #tpu.memory_space<vmem>>[vector<16xi32>, vector<16xi32>], vector<16xf32>,
        %mul3A_677 = arith.mulf %gather3A_676, %gather3A_676 : vector<16xf32>
        %add3A_678 = arith.addf %add3A_675, %mul3A_677 : vector<16xf32>
        %gather3A_679 = tpu.vector_load_idx %arg8[%add3A_480, %and3A_497] : memref<800x32xf32, #tpu.memory_space<vmem>>[vector<16xi32>, vector<16xi32>], vector<16xf32>,
        %mul3A_680 = arith.mulf %gather3A_679, %gather3A_679 : vector<16xf32>
        %add3A_681 = arith.addf %add3A_678, %mul3A_680 : vector<16xf32>
        %gather3A_682 = tpu.vector_load_idx %arg8[%add3A_480, %and3A_503] : memref<800x32xf32, #tpu.memory_space<vmem>>[vector<16xi32>, vector<16xi32>], vector<16xf32>,
        %mul3A_683 = arith.mulf %gather3A_682, %gather3A_682 : vector<16xf32>
        %add3A_684 = arith.addf %add3A_681, %mul3A_683 : vector<16xf32>
        %gather3A_685 = tpu.vector_load_idx %arg8[%add3A_480, %and3A_509] : memref<800x32xf32, #tpu.memory_space<vmem>>[vector<16xi32>, vector<16xi32>], vector<16xf32>,
        %mul3A_686 = arith.mulf %gather3A_685, %gather3A_685 : vector<16xf32>
        %add3A_687 = arith.addf %add3A_684, %mul3A_686 : vector<16xf32>
        %gather3A_688 = tpu.vector_load_idx %arg8[%add3A_480, %and3A_515] : memref<800x32xf32, #tpu.memory_space<vmem>>[vector<16xi32>, vector<16xi32>], vector<16xf32>,
        %mul3A_689 = arith.mulf %gather3A_688, %gather3A_688 : vector<16xf32>
        %add3A_690 = arith.addf %add3A_687, %mul3A_689 : vector<16xf32>
        %gather3A_691 = tpu.vector_load_idx %arg8[%add3A_480, %and3A_521] : memref<800x32xf32, #tpu.memory_space<vmem>>[vector<16xi32>, vector<16xi32>], vector<16xf32>,
        %mul3A_692 = arith.mulf %gather3A_691, %gather3A_691 : vector<16xf32>
        %add3A_693 = arith.addf %add3A_690, %mul3A_692 : vector<16xf32>
        %gather3A_694 = tpu.vector_load_idx %arg8[%add3A_480, %and3A_527] : memref<800x32xf32, #tpu.memory_space<vmem>>[vector<16xi32>, vector<16xi32>], vector<16xf32>,
        %mul3A_695 = arith.mulf %gather3A_694, %gather3A_694 : vector<16xf32>
        %add3A_696 = arith.addf %add3A_693, %mul3A_695 : vector<16xf32>
        %gather3A_697 = tpu.vector_load_idx %arg8[%add3A_480, %and3A_533] : memref<800x32xf32, #tpu.memory_space<vmem>>[vector<16xi32>, vector<16xi32>], vector<16xf32>,
        %mul3A_698 = arith.mulf %gather3A_697, %gather3A_697 : vector<16xf32>
        %add3A_699 = arith.addf %add3A_696, %mul3A_698 : vector<16xf32>
        %gather3A_700 = tpu.vector_load_idx %arg8[%add3A_480, %and3A_539] : memref<800x32xf32, #tpu.memory_space<vmem>>[vector<16xi32>, vector<16xi32>], vector<16xf32>,
        %mul3A_701 = arith.mulf %gather3A_700, %gather3A_700 : vector<16xf32>
        %add3A_702 = arith.addf %add3A_699, %mul3A_701 : vector<16xf32>
        %gather3A_703 = tpu.vector_load_idx %arg8[%add3A_480, %and3A_545] : memref<800x32xf32, #tpu.memory_space<vmem>>[vector<16xi32>, vector<16xi32>], vector<16xf32>,
        %mul3A_704 = arith.mulf %gather3A_703, %gather3A_703 : vector<16xf32>
        %add3A_705 = arith.addf %add3A_702, %mul3A_704 : vector<16xf32>
        %gather3A_706 = tpu.vector_load_idx %arg8[%add3A_480, %and3A_551] : memref<800x32xf32, #tpu.memory_space<vmem>>[vector<16xi32>, vector<16xi32>], vector<16xf32>,
        %mul3A_707 = arith.mulf %gather3A_706, %gather3A_706 : vector<16xf32>
        %add3A_708 = arith.addf %add3A_705, %mul3A_707 : vector<16xf32>
        %gather3A_709 = tpu.vector_load_idx %arg8[%add3A_480, %and3A_557] : memref<800x32xf32, #tpu.memory_space<vmem>>[vector<16xi32>, vector<16xi32>], vector<16xf32>,
        %mul3A_710 = arith.mulf %gather3A_709, %gather3A_709 : vector<16xf32>
        %add3A_711 = arith.addf %add3A_708, %mul3A_710 : vector<16xf32>
        %gather3A_712 = tpu.vector_load_idx %arg8[%add3A_480, %and3A_563] : memref<800x32xf32, #tpu.memory_space<vmem>>[vector<16xi32>, vector<16xi32>], vector<16xf32>,
        %mul3A_713 = arith.mulf %gather3A_712, %gather3A_712 : vector<16xf32>
        %add3A_714 = arith.addf %add3A_711, %mul3A_713 : vector<16xf32>
        %gather3A_715 = tpu.vector_load_idx %arg8[%add3A_480, %and3A_569] : memref<800x32xf32, #tpu.memory_space<vmem>>[vector<16xi32>, vector<16xi32>], vector<16xf32>,
        %mul3A_716 = arith.mulf %gather3A_715, %gather3A_715 : vector<16xf32>
        %add3A_717 = arith.addf %add3A_714, %mul3A_716 : vector<16xf32>
        %gather3A_718 = tpu.vector_load_idx %arg8[%add3A_480, %and3A_575] : memref<800x32xf32, #tpu.memory_space<vmem>>[vector<16xi32>, vector<16xi32>], vector<16xf32>,
        %mul3A_719 = arith.mulf %gather3A_718, %gather3A_718 : vector<16xf32>
        %add3A_720 = arith.addf %add3A_717, %mul3A_719 : vector<16xf32>
        %gather3A_721 = tpu.vector_load_idx %arg8[%add3A_480, %and3A_581] : memref<800x32xf32, #tpu.memory_space<vmem>>[vector<16xi32>, vector<16xi32>], vector<16xf32>,
        %mul3A_722 = arith.mulf %gather3A_721, %gather3A_721 : vector<16xf32>
        %add3A_723 = arith.addf %add3A_720, %mul3A_722 : vector<16xf32>
        %gather3A_724 = tpu.vector_load_idx %arg8[%add3A_480, %and3A_587] : memref<800x32xf32, #tpu.memory_space<vmem>>[vector<16xi32>, vector<16xi32>], vector<16xf32>,
        %mul3A_725 = arith.mulf %gather3A_724, %gather3A_724 : vector<16xf32>
        %add3A_726 = arith.addf %add3A_723, %mul3A_725 : vector<16xf32>
        %gather3A_727 = tpu.vector_load_idx %arg8[%add3A_480, %and3A_593] : memref<800x32xf32, #tpu.memory_space<vmem>>[vector<16xi32>, vector<16xi32>], vector<16xf32>,
        %mul3A_728 = arith.mulf %gather3A_727, %gather3A_727 : vector<16xf32>
        %add3A_729 = arith.addf %add3A_726, %mul3A_728 : vector<16xf32>
        %gather3A_730 = tpu.vector_load_idx %arg8[%add3A_480, %and3A_599] : memref<800x32xf32, #tpu.memory_space<vmem>>[vector<16xi32>, vector<16xi32>], vector<16xf32>,
        %mul3A_731 = arith.mulf %gather3A_730, %gather3A_730 : vector<16xf32>
        %add3A_732 = arith.addf %add3A_729, %mul3A_731 : vector<16xf32>
        %gather3A_733 = tpu.vector_load_idx %arg8[%add3A_480, %and3A_605] : memref<800x32xf32, #tpu.memory_space<vmem>>[vector<16xi32>, vector<16xi32>], vector<16xf32>,
        %mul3A_734 = arith.mulf %gather3A_733, %gather3A_733 : vector<16xf32>
        %add3A_735 = arith.addf %add3A_732, %mul3A_734 : vector<16xf32>
        %gather3A_736 = tpu.vector_load_idx %arg8[%add3A_480, %and3A_611] : memref<800x32xf32, #tpu.memory_space<vmem>>[vector<16xi32>, vector<16xi32>], vector<16xf32>,
        %mul3A_737 = arith.mulf %gather3A_736, %gather3A_736 : vector<16xf32>
        %add3A_738 = arith.addf %add3A_735, %mul3A_737 : vector<16xf32>
        %gather3A_739 = tpu.vector_load_idx %arg8[%add3A_480, %and3A_617] : memref<800x32xf32, #tpu.memory_space<vmem>>[vector<16xi32>, vector<16xi32>], vector<16xf32>,
        %mul3A_740 = arith.mulf %gather3A_739, %gather3A_739 : vector<16xf32>
        %add3A_741 = arith.addf %add3A_738, %mul3A_740 : vector<16xf32>
        %gather3A_742 = tpu.vector_load_idx %arg8[%add3A_480, %and3A_623] : memref<800x32xf32, #tpu.memory_space<vmem>>[vector<16xi32>, vector<16xi32>], vector<16xf32>,
        %mul3A_743 = arith.mulf %gather3A_742, %gather3A_742 : vector<16xf32>
        %add3A_744 = arith.addf %add3A_741, %mul3A_743 : vector<16xf32>
        %gather3A_745 = tpu.vector_load_idx %arg8[%add3A_480, %and3A_629] : memref<800x32xf32, #tpu.memory_space<vmem>>[vector<16xi32>, vector<16xi32>], vector<16xf32>,
        %mul3A_746 = arith.mulf %gather3A_745, %gather3A_745 : vector<16xf32>
        %add3A_747 = arith.addf %add3A_744, %mul3A_746 : vector<16xf32>
        %gather3A_748 = tpu.vector_load_idx %arg8[%add3A_480, %and3A_635] : memref<800x32xf32, #tpu.memory_space<vmem>>[vector<16xi32>, vector<16xi32>], vector<16xf32>,
        %mul3A_749 = arith.mulf %gather3A_748, %gather3A_748 : vector<16xf32>
        %add3A_750 = arith.addf %add3A_747, %mul3A_749 : vector<16xf32>
        %gather3A_751 = tpu.vector_load_idx %arg8[%add3A_480, %and3A_641] : memref<800x32xf32, #tpu.memory_space<vmem>>[vector<16xi32>, vector<16xi32>], vector<16xf32>,
        %mul3A_752 = arith.mulf %gather3A_751, %gather3A_751 : vector<16xf32>
        %add3A_753 = arith.addf %add3A_750, %mul3A_752 : vector<16xf32>
        %gather3A_754 = tpu.vector_load_idx %arg8[%add3A_480, %and3A_647] : memref<800x32xf32, #tpu.memory_space<vmem>>[vector<16xi32>, vector<16xi32>], vector<16xf32>,
        %mul3A_755 = arith.mulf %gather3A_754, %gather3A_754 : vector<16xf32>
        %add3A_756 = arith.addf %add3A_753, %mul3A_755 : vector<16xf32>
        %gather3A_757 = tpu.vector_load_idx %arg8[%add3A_480, %and3A_653] : memref<800x32xf32, #tpu.memory_space<vmem>>[vector<16xi32>, vector<16xi32>], vector<16xf32>,
        %mul3A_758 = arith.mulf %gather3A_757, %gather3A_757 : vector<16xf32>
        %add3A_759 = arith.addf %add3A_756, %mul3A_758 : vector<16xf32>
        %gather3A_760 = tpu.vector_load_idx %arg8[%add3A_480, %and3A_659] : memref<800x32xf32, #tpu.memory_space<vmem>>[vector<16xi32>, vector<16xi32>], vector<16xf32>,
        %mul3A_761 = arith.mulf %gather3A_760, %gather3A_760 : vector<16xf32>
        %add3A_762 = arith.addf %add3A_759, %mul3A_761 : vector<16xf32>
        %gather3A_763 = tpu.vector_load_idx %arg8[%add3A_480, %and3A_665] : memref<800x32xf32, #tpu.memory_space<vmem>>[vector<16xi32>, vector<16xi32>], vector<16xf32>,
        %mul3A_764 = arith.mulf %gather3A_763, %gather3A_763 : vector<16xf32>
        %add3A_765 = arith.addf %add3A_762, %mul3A_764 : vector<16xf32>
        %gather3A_766 = tpu.vector_load_idx %arg8[%add3A_480, %and3A_671] : memref<800x32xf32, #tpu.memory_space<vmem>>[vector<16xi32>, vector<16xi32>], vector<16xf32>,
        %mul3A_767 = arith.mulf %gather3A_766, %gather3A_766 : vector<16xf32>
        %add3A_768 = arith.addf %add3A_765, %mul3A_767 : vector<16xf32>
        %bitcast3A = vector.bitcast %add3A_768 : vector<16xf32> to vector<16xi32>
        %shift_right_arithmetic3A = arith.constant 1 : i32
        %shift_right_arithmetic3A_769 = vector.broadcast %shift_right_arithmetic3A : i32 to vector<16xi32>
        %shift_right_arithmetic3A_770 = arith.shrsi %bitcast3A, %shift_right_arithmetic3A_769 : vector<16xi32>
        %sub3A = arith.constant 1597463007 : i32
        %sub3A_771 = vector.broadcast %sub3A : i32 to vector<16xi32>
        %sub3A_772 = arith.subi %sub3A_771, %shift_right_arithmetic3A_770 : vector<16xi32>
        %bitcast3A_773 = vector.bitcast %sub3A_772 : vector<16xi32> to vector<16xf32>
        %mul3A_774 = arith.constant 5.000000e-01 : f32
        %mul3A_775 = vector.broadcast %mul3A_774 : f32 to vector<16xf32>
        %mul3A_776 = arith.mulf %mul3A_775, %add3A_768 : vector<16xf32>
        %mul3A_777 = arith.mulf %mul3A_776, %bitcast3A_773 : vector<16xf32>
        %mul3A_778 = arith.mulf %mul3A_777, %bitcast3A_773 : vector<16xf32>
        %sub3A_779 = arith.constant 1.500000e+00 : f32
        %sub3A_780 = vector.broadcast %sub3A_779 : f32 to vector<16xf32>
        %sub3A_781 = arith.subf %sub3A_780, %mul3A_778 : vector<16xf32>
        %mul3A_782 = arith.mulf %bitcast3A_773, %sub3A_781 : vector<16xf32>
        %mul3A_783 = arith.constant 5.000000e-01 : f32
        %mul3A_784 = vector.broadcast %mul3A_783 : f32 to vector<16xf32>
        %mul3A_785 = arith.mulf %mul3A_784, %add3A_768 : vector<16xf32>
        %mul3A_786 = arith.mulf %mul3A_785, %mul3A_782 : vector<16xf32>
        %mul3A_787 = arith.mulf %mul3A_786, %mul3A_782 : vector<16xf32>
        %sub3A_788 = arith.constant 1.500000e+00 : f32
        %sub3A_789 = vector.broadcast %sub3A_788 : f32 to vector<16xf32>
        %sub3A_790 = arith.subf %sub3A_789, %mul3A_787 : vector<16xf32>
        %mul3A_791 = arith.mulf %mul3A_782, %sub3A_790 : vector<16xf32>
        %mul3A_792 = arith.constant 5.000000e-01 : f32
        %mul3A_793 = vector.broadcast %mul3A_792 : f32 to vector<16xf32>
        %mul3A_794 = arith.mulf %mul3A_793, %add3A_768 : vector<16xf32>
        %mul3A_795 = arith.mulf %mul3A_794, %mul3A_791 : vector<16xf32>
        %mul3A_796 = arith.mulf %mul3A_795, %mul3A_791 : vector<16xf32>
        %sub3A_797 = arith.constant 1.500000e+00 : f32
        %sub3A_798 = vector.broadcast %sub3A_797 : f32 to vector<16xf32>
        %sub3A_799 = arith.subf %sub3A_798, %mul3A_796 : vector<16xf32>
        %mul3A_800 = arith.mulf %mul3A_791, %sub3A_799 : vector<16xf32>
        %mul3A_801 = arith.mulf %gather3A, %mul3A_800 : vector<16xf32>
        tpu.vector_store_idx %arg10[%broadcast_in_dim3A, %and3A_485, %iota3A], %mul3A_801 : memref<50x32x16xf32, #tpu.memory_space<vmem>>[vector<16xi32>, vector<16xi32>, vector<16xi32>], vector<16xf32>,
        %mul3A_802 = arith.mulf %gather3A_676, %mul3A_800 : vector<16xf32>
        tpu.vector_store_idx %arg10[%broadcast_in_dim3A, %and3A_491, %iota3A], %mul3A_802 : memref<50x32x16xf32, #tpu.memory_space<vmem>>[vector<16xi32>, vector<16xi32>, vector<16xi32>], vector<16xf32>,
        %mul3A_803 = arith.mulf %gather3A_679, %mul3A_800 : vector<16xf32>
        tpu.vector_store_idx %arg10[%broadcast_in_dim3A, %and3A_497, %iota3A], %mul3A_803 : memref<50x32x16xf32, #tpu.memory_space<vmem>>[vector<16xi32>, vector<16xi32>, vector<16xi32>], vector<16xf32>,
        %mul3A_804 = arith.mulf %gather3A_682, %mul3A_800 : vector<16xf32>
        tpu.vector_store_idx %arg10[%broadcast_in_dim3A, %and3A_503, %iota3A], %mul3A_804 : memref<50x32x16xf32, #tpu.memory_space<vmem>>[vector<16xi32>, vector<16xi32>, vector<16xi32>], vector<16xf32>,
        %mul3A_805 = arith.mulf %gather3A_685, %mul3A_800 : vector<16xf32>
        tpu.vector_store_idx %arg10[%broadcast_in_dim3A, %and3A_509, %iota3A], %mul3A_805 : memref<50x32x16xf32, #tpu.memory_space<vmem>>[vector<16xi32>, vector<16xi32>, vector<16xi32>], vector<16xf32>,
        %mul3A_806 = arith.mulf %gather3A_688, %mul3A_800 : vector<16xf32>
        tpu.vector_store_idx %arg10[%broadcast_in_dim3A, %and3A_515, %iota3A], %mul3A_806 : memref<50x32x16xf32, #tpu.memory_space<vmem>>[vector<16xi32>, vector<16xi32>, vector<16xi32>], vector<16xf32>,
        %mul3A_807 = arith.mulf %gather3A_691, %mul3A_800 : vector<16xf32>
        tpu.vector_store_idx %arg10[%broadcast_in_dim3A, %and3A_521, %iota3A], %mul3A_807 : memref<50x32x16xf32, #tpu.memory_space<vmem>>[vector<16xi32>, vector<16xi32>, vector<16xi32>], vector<16xf32>,
        %mul3A_808 = arith.mulf %gather3A_694, %mul3A_800 : vector<16xf32>
        tpu.vector_store_idx %arg10[%broadcast_in_dim3A, %and3A_527, %iota3A], %mul3A_808 : memref<50x32x16xf32, #tpu.memory_space<vmem>>[vector<16xi32>, vector<16xi32>, vector<16xi32>], vector<16xf32>,
        %mul3A_809 = arith.mulf %gather3A_697, %mul3A_800 : vector<16xf32>
        tpu.vector_store_idx %arg10[%broadcast_in_dim3A, %and3A_533, %iota3A], %mul3A_809 : memref<50x32x16xf32, #tpu.memory_space<vmem>>[vector<16xi32>, vector<16xi32>, vector<16xi32>], vector<16xf32>,
        %mul3A_810 = arith.mulf %gather3A_700, %mul3A_800 : vector<16xf32>
        tpu.vector_store_idx %arg10[%broadcast_in_dim3A, %and3A_539, %iota3A], %mul3A_810 : memref<50x32x16xf32, #tpu.memory_space<vmem>>[vector<16xi32>, vector<16xi32>, vector<16xi32>], vector<16xf32>,
        %mul3A_811 = arith.mulf %gather3A_703, %mul3A_800 : vector<16xf32>
        tpu.vector_store_idx %arg10[%broadcast_in_dim3A, %and3A_545, %iota3A], %mul3A_811 : memref<50x32x16xf32, #tpu.memory_space<vmem>>[vector<16xi32>, vector<16xi32>, vector<16xi32>], vector<16xf32>,
        %mul3A_812 = arith.mulf %gather3A_706, %mul3A_800 : vector<16xf32>
        tpu.vector_store_idx %arg10[%broadcast_in_dim3A, %and3A_551, %iota3A], %mul3A_812 : memref<50x32x16xf32, #tpu.memory_space<vmem>>[vector<16xi32>, vector<16xi32>, vector<16xi32>], vector<16xf32>,
        %mul3A_813 = arith.mulf %gather3A_709, %mul3A_800 : vector<16xf32>
        tpu.vector_store_idx %arg10[%broadcast_in_dim3A, %and3A_557, %iota3A], %mul3A_813 : memref<50x32x16xf32, #tpu.memory_space<vmem>>[vector<16xi32>, vector<16xi32>, vector<16xi32>], vector<16xf32>,
        %mul3A_814 = arith.mulf %gather3A_712, %mul3A_800 : vector<16xf32>
        tpu.vector_store_idx %arg10[%broadcast_in_dim3A, %and3A_563, %iota3A], %mul3A_814 : memref<50x32x16xf32, #tpu.memory_space<vmem>>[vector<16xi32>, vector<16xi32>, vector<16xi32>], vector<16xf32>,
        %mul3A_815 = arith.mulf %gather3A_715, %mul3A_800 : vector<16xf32>
        tpu.vector_store_idx %arg10[%broadcast_in_dim3A, %and3A_569, %iota3A], %mul3A_815 : memref<50x32x16xf32, #tpu.memory_space<vmem>>[vector<16xi32>, vector<16xi32>, vector<16xi32>], vector<16xf32>,
        %mul3A_816 = arith.mulf %gather3A_718, %mul3A_800 : vector<16xf32>
        tpu.vector_store_idx %arg10[%broadcast_in_dim3A, %and3A_575, %iota3A], %mul3A_816 : memref<50x32x16xf32, #tpu.memory_space<vmem>>[vector<16xi32>, vector<16xi32>, vector<16xi32>], vector<16xf32>,
        %mul3A_817 = arith.mulf %gather3A_721, %mul3A_800 : vector<16xf32>
        tpu.vector_store_idx %arg10[%broadcast_in_dim3A, %and3A_581, %iota3A], %mul3A_817 : memref<50x32x16xf32, #tpu.memory_space<vmem>>[vector<16xi32>, vector<16xi32>, vector<16xi32>], vector<16xf32>,
        %mul3A_818 = arith.mulf %gather3A_724, %mul3A_800 : vector<16xf32>
        tpu.vector_store_idx %arg10[%broadcast_in_dim3A, %and3A_587, %iota3A], %mul3A_818 : memref<50x32x16xf32, #tpu.memory_space<vmem>>[vector<16xi32>, vector<16xi32>, vector<16xi32>], vector<16xf32>,
        %mul3A_819 = arith.mulf %gather3A_727, %mul3A_800 : vector<16xf32>
        tpu.vector_store_idx %arg10[%broadcast_in_dim3A, %and3A_593, %iota3A], %mul3A_819 : memref<50x32x16xf32, #tpu.memory_space<vmem>>[vector<16xi32>, vector<16xi32>, vector<16xi32>], vector<16xf32>,
        %mul3A_820 = arith.mulf %gather3A_730, %mul3A_800 : vector<16xf32>
        tpu.vector_store_idx %arg10[%broadcast_in_dim3A, %and3A_599, %iota3A], %mul3A_820 : memref<50x32x16xf32, #tpu.memory_space<vmem>>[vector<16xi32>, vector<16xi32>, vector<16xi32>], vector<16xf32>,
        %mul3A_821 = arith.mulf %gather3A_733, %mul3A_800 : vector<16xf32>
        tpu.vector_store_idx %arg10[%broadcast_in_dim3A, %and3A_605, %iota3A], %mul3A_821 : memref<50x32x16xf32, #tpu.memory_space<vmem>>[vector<16xi32>, vector<16xi32>, vector<16xi32>], vector<16xf32>,
        %mul3A_822 = arith.mulf %gather3A_736, %mul3A_800 : vector<16xf32>
        tpu.vector_store_idx %arg10[%broadcast_in_dim3A, %and3A_611, %iota3A], %mul3A_822 : memref<50x32x16xf32, #tpu.memory_space<vmem>>[vector<16xi32>, vector<16xi32>, vector<16xi32>], vector<16xf32>,
        %mul3A_823 = arith.mulf %gather3A_739, %mul3A_800 : vector<16xf32>
        tpu.vector_store_idx %arg10[%broadcast_in_dim3A, %and3A_617, %iota3A], %mul3A_823 : memref<50x32x16xf32, #tpu.memory_space<vmem>>[vector<16xi32>, vector<16xi32>, vector<16xi32>], vector<16xf32>,
        %mul3A_824 = arith.mulf %gather3A_742, %mul3A_800 : vector<16xf32>
        tpu.vector_store_idx %arg10[%broadcast_in_dim3A, %and3A_623, %iota3A], %mul3A_824 : memref<50x32x16xf32, #tpu.memory_space<vmem>>[vector<16xi32>, vector<16xi32>, vector<16xi32>], vector<16xf32>,
        %mul3A_825 = arith.mulf %gather3A_745, %mul3A_800 : vector<16xf32>
        tpu.vector_store_idx %arg10[%broadcast_in_dim3A, %and3A_629, %iota3A], %mul3A_825 : memref<50x32x16xf32, #tpu.memory_space<vmem>>[vector<16xi32>, vector<16xi32>, vector<16xi32>], vector<16xf32>,
        %mul3A_826 = arith.mulf %gather3A_748, %mul3A_800 : vector<16xf32>
        tpu.vector_store_idx %arg10[%broadcast_in_dim3A, %and3A_635, %iota3A], %mul3A_826 : memref<50x32x16xf32, #tpu.memory_space<vmem>>[vector<16xi32>, vector<16xi32>, vector<16xi32>], vector<16xf32>,
        %mul3A_827 = arith.mulf %gather3A_751, %mul3A_800 : vector<16xf32>
        tpu.vector_store_idx %arg10[%broadcast_in_dim3A, %and3A_641, %iota3A], %mul3A_827 : memref<50x32x16xf32, #tpu.memory_space<vmem>>[vector<16xi32>, vector<16xi32>, vector<16xi32>], vector<16xf32>,
        %mul3A_828 = arith.mulf %gather3A_754, %mul3A_800 : vector<16xf32>
        tpu.vector_store_idx %arg10[%broadcast_in_dim3A, %and3A_647, %iota3A], %mul3A_828 : memref<50x32x16xf32, #tpu.memory_space<vmem>>[vector<16xi32>, vector<16xi32>, vector<16xi32>], vector<16xf32>,
        %mul3A_829 = arith.mulf %gather3A_757, %mul3A_800 : vector<16xf32>
        tpu.vector_store_idx %arg10[%broadcast_in_dim3A, %and3A_653, %iota3A], %mul3A_829 : memref<50x32x16xf32, #tpu.memory_space<vmem>>[vector<16xi32>, vector<16xi32>, vector<16xi32>], vector<16xf32>,
        %mul3A_830 = arith.mulf %gather3A_760, %mul3A_800 : vector<16xf32>
        tpu.vector_store_idx %arg10[%broadcast_in_dim3A, %and3A_659, %iota3A], %mul3A_830 : memref<50x32x16xf32, #tpu.memory_space<vmem>>[vector<16xi32>, vector<16xi32>, vector<16xi32>], vector<16xf32>,
        %mul3A_831 = arith.mulf %gather3A_763, %mul3A_800 : vector<16xf32>
        tpu.vector_store_idx %arg10[%broadcast_in_dim3A, %and3A_665, %iota3A], %mul3A_831 : memref<50x32x16xf32, #tpu.memory_space<vmem>>[vector<16xi32>, vector<16xi32>, vector<16xi32>], vector<16xf32>,
        %mul3A_832 = arith.mulf %gather3A_766, %mul3A_800 : vector<16xf32>
        tpu.vector_store_idx %arg10[%broadcast_in_dim3A, %and3A_671, %iota3A], %mul3A_832 : memref<50x32x16xf32, #tpu.memory_space<vmem>>[vector<16xi32>, vector<16xi32>, vector<16xi32>], vector<16xf32>,
      }
      %scan3A_461 = arith.constant 50 : i32
      %mul3A_462 = arith.constant 16 : i32
      %mul3A_463 = arith.muli %add3A_133, %mul3A_462 : i32
      %add3A_464 = arith.addi %mul3A_2, %mul3A_463 : i32
      %dma_start3A_465 = arith.constant 0 : i32
      %dma_start3A_466 = arith.constant 0 : i32
      %dma_start3A_467 = tpu.memref_slice %arg4[%dma_start3A_465, %dma_start3A_466, %add3A_464] : memref<50x32x16384xf32, #tpu.memory_space<hbm>> -> memref<50x32x16xf32, #tpu.memory_space<hbm>>
      %dma_start3A_468 = arith.constant 0 : i32
      %dma_start3A_469 = arith.constant 0 : i32
      %dma_start3A_470 = tpu.memref_slice %arg4[%dma_start3A_468, %dma_start3A_469, %add3A_464] : memref<50x32x16384xf32, #tpu.memory_space<hbm>> -> memref<50x32x16xf32, #tpu.memory_space<hbm>>
      tpu.enqueue_dma source(%arg10 : memref<50x32x16xf32, #tpu.memory_space<vmem>>) target(%dma_start3A_470 : memref<50x32x16xf32, #tpu.memory_space<hbm>>) target_semaphore(%arg14 : memref<!tpu.dma_semaphore, #tpu.memory_space<semaphore_mem>>)
    }
    %scan3A_109 = arith.constant 16 : i32
    %add3A_110 = arith.constant 480 : i32
    %add3A_111 = arith.addi %mul3A_2, %add3A_110 : i32
    %dma_wait3A = arith.constant 0 : i32
    %dma_wait3A_112 = arith.constant 0 : i32
    %dma_wait3A_113 = tpu.memref_slice %arg4[%dma_wait3A, %dma_wait3A_112, %add3A_111] : memref<50x32x16384xf32, #tpu.memory_space<hbm>> -> memref<50x32x16xf32, #tpu.memory_space<hbm>>
    %dma_wait3A_114 = arith.constant 0 : i32
    %dma_wait3A_115 = arith.constant 0 : i32
    %dma_wait3A_116 = tpu.memref_slice %arg4[%dma_wait3A_114, %dma_wait3A_115, %add3A_111] : memref<50x32x16384xf32, #tpu.memory_space<hbm>> -> memref<50x32x16xf32, #tpu.memory_space<hbm>>
    tpu.wait_dma2 semaphore(%arg13 : memref<!tpu.dma_semaphore, #tpu.memory_space<semaphore_mem>>) src(%arg9 : memref<50x32x16xf32, #tpu.memory_space<vmem>>) dst(%dma_wait3A_116 : memref<50x32x16xf32, #tpu.memory_space<hbm>>)
    %add3A_117 = arith.constant 496 : i32
    %add3A_118 = arith.addi %mul3A_2, %add3A_117 : i32
    %dma_wait3A_119 = arith.constant 0 : i32
    %dma_wait3A_120 = arith.constant 0 : i32
    %dma_wait3A_121 = tpu.memref_slice %arg4[%dma_wait3A_119, %dma_wait3A_120, %add3A_118] : memref<50x32x16384xf32, #tpu.memory_space<hbm>> -> memref<50x32x16xf32, #tpu.memory_space<hbm>>
    %dma_wait3A_122 = arith.constant 0 : i32
    %dma_wait3A_123 = arith.constant 0 : i32
    %dma_wait3A_124 = tpu.memref_slice %arg4[%dma_wait3A_122, %dma_wait3A_123, %add3A_118] : memref<50x32x16384xf32, #tpu.memory_space<hbm>> -> memref<50x32x16xf32, #tpu.memory_space<hbm>>
    tpu.wait_dma2 semaphore(%arg14 : memref<!tpu.dma_semaphore, #tpu.memory_space<semaphore_mem>>) src(%arg10 : memref<50x32x16xf32, #tpu.memory_space<vmem>>) dst(%dma_wait3A_124 : memref<50x32x16xf32, #tpu.memory_space<hbm>>)
    return
  }
}

</mosaic_0001>

<sc_bundles>
// kernel: kernel.3.cloned.1.call-start
scs
__scs_entry_jumppad:
0x0: {  	(pc) =	sbr.rel $0x88, $3  }
0x1: {  	(tag) =	ssettag $0x0;
	lr =	simm.s32 $0x1  }
0x2: {  	[smem:$0x3F9F] =	sst lr;
	_ =	strace $0xD0000000  }
0x3: {  	_ = 	snop  }
0x4: {  	_ = 	snop  }
0x5: {  	_ = 	snop  }
0x6: {  	_ = 	snop  }
0x7: {  	_ = 	snop  }
__scs_overlays_trampoline_lowered:
0x8: {  	[smem:$0x3FAE] =	sst s0  }
0x9: {  	[smem:$0x3FAF] =	sst s1  }
0xa: {  	[smem:$0x3FB0] =	sst s2  }
0xb: {  	[smem:$0x3FB1] =	sst s3  }
0xc: {  	[smem:$0x3FB2] =	sst s4  }
0xd: {  	[smem:$0x3FB3] =	sst s5  }
0xe: {  	[smem:$0x3FB4] =	sst s6  }
0xf: {  	[smem:$0x3FB5] =	sst s7  }
0x10: {  	[smem:$0x3FB6] =	sst s8  }
0x11: {  	[smem:$0x3FB7] =	sst s9;
	s0 =	simm.s32 @!p0 $0x0  }
0x12: {  	s1 =	sld [smem:$0x3F9D];
	s0 =	simm.s32 @p0 $0x1  }
0x13: {  	[smem:$0x3FB8] =	sst s0;
	s0 =	simm.s32 @!p1 $0x0  }
0x14: {  	s2 =	sld [smem:$0x3F9C];
	s0 =	simm.s32 @p1 $0x1  }
0x15: {  	[smem:$0x3FB9] =	sst s0;
	s0 =	simm.s32 @!p2 $0x0  }
0x16: {  	s3 =	sld [smem:$0x3FDB];
	s0 =	simm.s32 @p2 $0x1  }
0x17: {  	s4 =	simm.s32 $0x1BF5;
	[smem:$0x3FBB] =	sst s0  }
0x18: {  	s0 =	sld [smem:$0x3F9E];
	_ =	swait.ge [sflag:s4], $0x0  }
0x19: {  	s7 =	sld [smem:$0x3F9F]  }
0x1a: {  	s8 =	sadd.s32 $0xFFFFE003, lr  }
0x1b: {  	s9 =	sadd.s32 $0xFFFFFEF7, lr;
	s5 =	simm.s32 $0xFFFFFFFF;
	p2 =	slt.u32 s8, $0xFFFFF086  }
0x1c: {  	p1 =	slt.u32 s9, $0xF7A;
	s5 =	simm.s32 @!p2 $0x0  }
0x1d: {  	s5 =	simm.s32 @p1 $0x1;
	p0 =	seq.s32 s7, s2  }
0x1e: {  	s7 =	smul.u32 @!p0 $0xF7A, s2;
	p2 =	seq.s32 @!p0 s5, $0x0  }
0x1f: {  	s9 =	smul.u32 $0xF7A, s1;
	s8 =	simm.s32 @!p0 $0x1BF5;
	p2 =	por !p2, p0  }
0x20: {  	[sflag:s8] =	ssyncset.s32 @!p0 $0xFFFFF086;
	s6 =	sadd.s32 @!p0 s3, s7;
	s7 =	simm.s32 @!p0 $0x108  }
0x21: {  	s3 =	sadd.s32 s3, s9;
	s6 =	sadd.s32 @!p0 $0x88, s6;
	s7 =	simm.s32 @p2 $0x1082  }
0x22: {  	[simem:s7], [sflag:s8] =	dma.local @!p0 [hbm:s6], $0xF7A  }
0x23: {  	s9 =	sor.u32 $0xD0000000, s2;
	s6 =	simm.s32 $0x108;
	_ =	swait.ge @!p0 [sflag:s8], $0x0  }
0x24: {  	s3 =	sadd.s32 $0x88, s3;
	s6 =	simm.s32 @!p1 $0x1082;
	[sflag:s4] =	ssyncset.s32 $0xFFFFF086  }
0x25: {  	[simem:s6], [sflag:s4] =	dma.local [hbm:s3], $0xF7A  }
0x26: {  	[smem:$0x3F9F] =	sst s1;
	(tag) =	ssettag s2;
	_ =	strace s9  }
0x27: {  	s1 =	sld [smem:$0x3FAF]  }
0x28: {  	s2 =	sld [smem:$0x3FB0]  }
0x29: {  	s4 =	sld [smem:$0x3FB2]  }
0x2a: {  	p0 =	seq.s32 s5, $0x0;
	s5 =	sld [smem:$0x3FB3]  }
0x2b: {  	s6 =	sld [smem:$0x3FB4]  }
0x2c: {  	s7 =	sld [smem:$0x3FB5]  }
0x2d: {  	s3 =	simm.s32 $0x108;
	s8 =	sld [smem:$0x3FB6]  }
0x2e: {  	s3 =	simm.s32 @!p0 $0x1082;
	s9 =	sld [smem:$0x3FB7]  }
0x2f: {  	lr =	sadd.s32 s0, s3;
	s0 =	sld [smem:$0x3FAE]  }
0x30: {  	s3 =	sld [smem:$0x3FB1]  }
0x31: {  	[smem:$0x3FBA] =	sst s10  }
0x32: {  	s10 =	sld [smem:$0x3FB8];
	_ =	sdelay $0x3  }
0x33: {  	p0 =	seq.s32 s10, $0x1;
	s10 =	sld [smem:$0x3FBA];
	_ =	sdelay $0x3  }
0x34: {  	[smem:$0x3FBA] =	sst s10  }
0x35: {  	s10 =	sld [smem:$0x3FB9];
	_ =	sdelay $0x3  }
0x36: {  	p1 =	seq.s32 s10, $0x1;
	s10 =	sld [smem:$0x3FBA];
	_ =	sdelay $0x3  }
0x37: {  	[smem:$0x3FBA] =	sst s10  }
0x38: {  	s10 =	sld [smem:$0x3FBB]  }
0x39: {  	_ = 	snop;
	(pc) =	sbr.ind lr, $3  }
0x3a: {  	_ = 	snop  }
0x3b: {  	_ = 	snop  }
0x3c: {  	p2 =	seq.s32 s10, $0x1;
	s10 =	sld [smem:$0x3FBA]  }
0x3d: {  	_ =	shalt  }
0x3e: {  	_ =	shalt  }
0x3f: {  	_ =	shalt  }
0x40: {  	_ =	shalt  }
0x41: {  	_ =	shalt  }
0x42: {  	_ =	shalt  }
0x43: {  	_ =	shalt  }
0x44: {  	_ =	shalt  }
0x45: {  	_ =	shalt  }
0x46: {  	_ =	shalt  }
0x47: {  	_ =	shalt  }
0x48: {  	_ =	shalt  }
0x49: {  	_ =	shalt  }
0x4a: {  	_ =	shalt  }
0x4b: {  	_ =	shalt  }
0x4c: {  	_ =	shalt  }
0x4d: {  	_ =	shalt  }
0x4e: {  	_ =	shalt  }
0x4f: {  	_ =	shalt  }
0x50: {  	_ =	shalt  }
0x51: {  	_ =	shalt  }
0x52: {  	_ =	shalt  }
0x53: {  	_ =	shalt  }
0x54: {  	_ =	shalt  }
0x55: {  	_ =	shalt  }
0x56: {  	_ =	shalt  }
0x57: {  	_ =	shalt  }
0x58: {  	_ =	shalt  }
0x59: {  	_ =	shalt  }
0x5a: {  	_ =	shalt  }
0x5b: {  	_ =	shalt  }
0x5c: {  	_ =	shalt  }
0x5d: {  	_ =	shalt  }
0x5e: {  	_ =	shalt  }
0x5f: {  	_ =	shalt  }
0x60: {  	_ =	shalt  }
0x61: {  	_ =	shalt  }
0x62: {  	_ =	shalt  }
0x63: {  	_ =	shalt  }
0x64: {  	_ =	shalt  }
0x65: {  	_ =	shalt  }
0x66: {  	_ =	shalt  }
0x67: {  	_ =	shalt  }
0x68: {  	_ =	shalt  }
0x69: {  	_ =	shalt  }
0x6a: {  	_ =	shalt  }
0x6b: {  	_ =	shalt  }
0x6c: {  	_ =	shalt  }
0x6d: {  	_ =	shalt  }
0x6e: {  	_ =	shalt  }
0x6f: {  	_ =	shalt  }
0x70: {  	_ =	shalt  }
0x71: {  	_ =	shalt  }
0x72: {  	_ =	shalt  }
0x73: {  	_ =	shalt  }
0x74: {  	_ =	shalt  }
0x75: {  	_ =	shalt  }
0x76: {  	_ =	shalt  }
0x77: {  	_ =	shalt  }
0x78: {  	_ =	shalt  }
0x79: {  	_ =	shalt  }
0x7a: {  	_ =	shalt  }
0x7b: {  	_ =	shalt  }
0x7c: {  	_ =	shalt  }
0x7d: {  	_ =	shalt  }
0x7e: {  	_ =	shalt  }
0x7f: {  	_ =	shalt  }
0x80: {  	_ =	shalt  }
0x81: {  	_ =	shalt  }
0x82: {  	_ =	shalt  }
0x83: {  	_ =	shalt  }
0x84: {  	_ =	shalt  }
0x85: {  	_ =	shalt  }
0x86: {  	_ =	shalt  }
0x87: {  	_ =	shalt  }
.Lfunc_end0:
.L_simem_size_0:
called_computation_lowered:
.L_overlay_start_0:
0x88: {  	s2 =	sld [smem:$0x3FD9]  }
0x89: {  	s3 =	sld [smem:$0x3FFE];
	_ =	sdelay $0x1  }
0x8a: {  	s1 =	srdreg.scid  }
0x8b: {  	s0 =	sand.u32 $0x1, s1  }
0x8c: {  	s17 =	sshll.u32 s0, $0xA;
	s2 =	sadd.s32 s3, s2  }
0x8d: {  	s2 =	sadd.s32 s2, s17  }
0x8e: {  	[smem:$0x3FC6] =	sst s2  }
0x8f: {  	_ = 	snop  }
0x90: {  	s2 =	sld [smem:$0x3FD0];
	(tm) =	ssettm $0x1  }
0x91: {  	s18 =	sld [smem:$0x3FFB];
	_ =	sdelay $0x3  }
0x92: {  	_ =	strace s18  }
0x93: {  	s3 =	sld [smem:$0x3FFC];
	_ =	sdelay $0x3  }
0x94: {  	_ =	strace s3  }
0x95: {  	s3 =	sld [smem:$0x3FFD];
	_ =	sdelay $0x3  }
0x96: {  	_ =	strace s3  }
0x97: {  	_ =	strace $0x8FFFFFFF  }
0x98: {  	s19 =	sld [smem:$0x3FDB];
	_ =	sdelay $0x1  }
0x99: {  	s4 =	simm.s32 $_scs_section_size  }
0x9a: {  	s5 =	simm.s32 $_size__tile_overlayer_lowered;
	s6 =	simm.s32 $_tile_overlayer_lowered  }
0x9b: {  	s22 =	simm.s32 $0x1BFF;
	s21 =	sshll.u32 s6, $0x1;
	s3 =	sadd.s32 s4, s19  }
0x9c: {  	s7 =	simm.s32 $0x0;
	s20 =	sshll.u32 s5, $0x1;
	s5 =	sadd.s32 s21, s3  }
0x9d: {  	[timem:s7], [sflag:s22] =	dma.local [hbm:s5], s20  }
0x9e: {  	_ =	swait.ge [sflag:s22], s20  }
0x9f: {  	s4 =	ssub.s32 $0x0, s20;
	[sflag:s22] =	ssyncset.done $0x0  }
0xa0: {  	[sflag:s22] =	ssyncadd.s32 s4;
	_ =	sdelay $0x1  }
0xa1: {  	s23 =	simm.s32 $0x1B8B  }
0xa2: {  	_ =	swait.ge [sflag:s23], $0x1  }
0xa3: {  	[sflag:s23] =	ssyncset.done $0x0  }
0xa4: {  	s25 =	simm.s32 $0x1B8E;
	s24 =	sld [smem:$0x3FFE];
	[sflag:s23] =	ssyncadd.s32 $0xFFFFFFFF  }
0xa5: {  	s26 =	simm.s32 $execute0_lowered;
	[smem:$0x3FD2] =	sst s25  }
0xa6: {  	s5 =	sshll.u32 s26, $0x1;
	_ =	strace $0x80000046;
	[dreg:$0x1] =	wrdreg $0xFFFFFFFF  }
0xa7: {  	s28 =	simm.s32 $_size_execute0_lowered;
	s3 =	sadd.s32 s3, s5;
	[dreg:$0x0] =	wrdreg $0x0  }
0xa8: {  	s5 =	sshll.u32 s28, $0x1;
	[dreg:$0x2] =	wrdreg s3  }
0xa9: {  	[dreg:$0x3] =	wrdreg s5  }
0xaa: {  	[dreg:$0x4] =	wrdreg $0xC0  }
0xab: {  	_ =	task [dreg:s7], $0x5FFFF  }
0xac: {  	[dreg:$0x1] =	wrdreg $0xFFFFFFFF  }
0xad: {  	[dreg:$0x0] =	wrdreg $0x60  }
0xae: {  	[dreg:$0x2] =	wrdreg s24  }
0xaf: {  	[dreg:$0x3] =	wrdreg s2  }
0xb0: {  	[dreg:$0x4] =	wrdreg $0x9  }
0xb1: {  	_ =	task.clear_ibuf [dreg:s7], $0x5FFFF;
	_ =	strace $0x90000046  }
0xb2: {  	s29 =	simm.s32 $0x9;
	_ =	strace $0x80000048  }
0xb3: {  	_ =	swait.ge [sflag:s29], $0x1  }
0xb4: {  	[sflag:s29] =	ssyncadd.s32 $0xFFFFFFFF  }
0xb5: {  	_ =	strace $0x90000048  }
0xb6: {  	_ =	sfence  }
0xb7: {  	s30 =	sld [smem:$0x0];
	_ =	sdelay $0x2  }
0xb8: {  	s31 =	sshll.u32 s1, $0xD;
	s1 =	sshrl.u32 s1, $0x2  }
0xb9: {  	s3 =	sand.u32 $0x4000, s31;
	s1 =	sadd.s32 s1, s30  }
0xba: {  	s0 =	sor.u32 s3, s0;
	s1 =	sshll.u32 s1, $0x11  }
0xbb: {  	s0 =	sor.u32 s1, s0  }
0xbc: {  	s0 =	sadd.s32 $0x8F2B, s0  }
0xbd: {  	[sflag:s0] =	ssyncadd.remote.s32 $0x1  }
0xbe: {  	_ =	sfence.sel $0xFFFF  }
0xbf: {  	[dreg:$0x0] =	wrdreg $0xFFFFFFFF;
	(pc) =	sbr.abs _section_cstart, $3  }
0xc0: {  	[dreg:$0x1] =	wrdreg $0xFFFFFFFF  }
0xc1: {  	_ =	task.clear_ibuf [dreg:s7], $0x2FFFF;
	_ =	strace $0x9FFFFFFF  }
0xc2: {  	(tm) =	ssettm $0x7FFFFFFF  }
0xc3: {  	_ =	shalt  }
tec
execute0_lowered:
.L_overlay_start_1:
0x0: {  	(tag) =	ssettag $0x1  }
0x1: {  	v40 =	vlaneseq.u32;
	v1 =	vimm.s32 $0x18171615  }
0x2: {  	vm0 =	vcmask $0x1F10;
	v2 =	vimm.s32 $0x1C1B1A19;
	v3 =	vimm.s32 $0x1F1E1D  }
0x3: {  	v4 =	vimm.s32 $0x15141312;
	v5 =	vimm.s32 $0x19181716;
	v6 =	vimm.s32 $0x1D1C1B1A  }
0x4: {  	v7 =	vimm.s32 $0x1001F1E;
	v9 =	vimm.s32 $0x16151413;
	v11 =	vimm.s32 $0x1A191817  }
0x5: {  	v12 =	vimm.s32 $0x1E1D1C1B;
	v13 =	vimm.s32 $0x201001F;
	v14 =	vimm.s32 $0x17161514  }
0x6: {  	v15 =	vimm.s32 $0x1B1A1918;
	v16 =	vimm.s32 $0x4030201;
	v17 =	vimm.s32 $0x5040302  }
0x7: {  	v18 =	vimm.s32 $0x6050403;
	v50 =	vimm.s32 $0x76543210;
	v51 =	vimm.s32 $0x87654321  }
0x8: {  	vm1 =	vcmask $0x2F10;
	v53 =	vimm.s32 $0xB0A0908;
	vm2 =	vcmask $0x3F30  }
0x9: {  	v54 =	vimm.s32 $0x54329876;
	v56 =	vimm.s32 $0xD0C0B0A;
	v58 =	vimm.s32 $0xE0D0C0B  }
0xa: {  	vm7 =	vcmask $0x300;
	vm10 =	vcmask $0x704;
	vm11 =	vcmask $0xB08  }
0xb: {  	vm9 =	vcmask $0xF0C;
	vm8 =	vcmask $0x1310;
	vm6 =	vcmask $0x1714  }
0xc: {  	vm5 =	vcmask $0x1B18;
	vm3 =	vcmask $0x1F1C;
	vm15 =	vcmask $0x1F14  }
0xd: {  	vm4 =	vcmask $0x2B28;
	v61 =	vimm.s32 $0x5F;
	v63 =	vimm.s32 $0xB3E2D1C  }
0xe: {  	vm14 =	vcmask $0x3B2C;
	vm13 =	vcmask $0x3728;
	v0 =	vadd.s32 $0x6, v40  }
0xf: {  	v1 =	vunpack.c.0.s8.s32 v1;
	v2 =	vunpack.c.0.s8.s32 v2;
	v3 =	vunpack.c.0.s8.s32 v3  }
0x10: {  	v4 =	vunpack.c.0.s8.s32 v4;
	v5 =	vunpack.c.0.s8.s32 v5;
	[tilespmem:$0x1FC20] =	vst v0;
	v0 =	vadd.s32 $0x7, v40  }
0x11: {  	v6 =	vunpack.c.0.s8.s32 v6;
	v7 =	vunpack.c.0.s8.s32 v7;
	[tilespmem:$0x1FC30] =	vst v0;
	v0 =	vadd.s32 $0x8, v40  }
0x12: {  	v9 =	vunpack.c.0.s8.s32 v9;
	v11 =	vunpack.c.0.s8.s32 v11;
	[tilespmem:$0x1FC40] =	vst v0;
	v0 =	vadd.s32 $0x9, v40  }
0x13: {  	v12 =	vunpack.c.0.s8.s32 v12;
	v13 =	vunpack.c.0.s8.s32 v13;
	[tilespmem:$0x1FC50] =	vst v0;
	v0 =	vadd.s32 $0xA, v40  }
0x14: {  	v14 =	vunpack.c.0.s8.s32 v14;
	v15 =	vunpack.c.0.s8.s32 v15;
	[tilespmem:$0x1FC60] =	vst v0;
	v0 =	vadd.s32 $0xB, v40  }
0x15: {  	v17 =	vunpack.c.0.s8.s32 v17;
	v8 =	vsel vm0, v3, v2;
	[tilespmem:$0x1FC70] =	vst v0;
	v0 =	vimm.s32 $0x14131211  }
0x16: {  	v4 =	vsel vm0, v5, v4;
	v10 =	vsel vm0, v7, v6;
	v0 =	vunpack.c.0.s8.s32 v0  }
0x17: {  	v59 =	vsel vm0, v13, v12;
	v5 =	vsel vm0, v6, v5;
	v6 =	vunpack.c.l.s4.s8 v51  }
0x18: {  	v0 =	vsel vm0, v1, v0;
	v1 =	vsel vm0, v2, v1;
	v2 =	vsel vm0, v17, v7  }
0x19: {  	v60 =	vcombine.low v0, v8;
	v0 =	vsel vm0, v11, v9;
	v9 =	vimm.s32 $0x3020100  }
0x1a: {  	v62 =	vcombine.low v0, v59;
	v0 =	vunpack.c.0.s8.s32 v9;
	v9 =	vimm.s32 $0x1F1E1D1C  }
0x1b: {  	v39 =	vcombine.low v5, v2;
	v5 =	vunpack.c.l.s4.s8 v50;
	v9 =	vunpack.c.0.s8.s32 v9  }
0x1c: {  	v35 =	vimm.s32 $0x2B1A093C;
	v16 =	vunpack.c.0.s8.s32 v16;
	v14 =	vsel vm0, v15, v14  }
0x1d: {  	v6 =	vunpack.c.0.s8.s32 v6;
	v5 =	vunpack.c.0.s8.s32 v5;
	v0 =	vsel vm0, v0, v9  }
0x1e: {  	v33 =	vcombine.low v14, v0;
	v0 =	vsel vm0, v16, v3;
	v14 =	vunpack.c.0.s8.s32 v18  }
0x1f: {  	v0 =	vcombine.low v1, v0;
	v1 =	vsel vm0, v12, v11;
	v11 =	vimm.s32 $0x98765432  }
0x20: {  	v2 =	vsel vm0, v9, v15;
	v12 =	vimm.s32 $0xA9876543;
	v11 =	vunpack.c.l.s4.s8 v11  }
0x21: {  	v12 =	vunpack.c.l.s4.s8 v12;
	[tilespmem:$0x1FC80] =	vst v0;
	v0 =	vsel vm0, v14, v13;
	v14 =	vimm.s32 $0x32107654  }
0x22: {  	v48 =	vcombine.low v2, v5;
	v11 =	vunpack.c.0.s8.s32 v11;
	v14 =	vunpack.c.l.s4.s8 v14  }
0x23: {  	v49 =	vcombine.low v1, v0;
	v0 =	vunpack.c.0.s8.s32 v12;
	v1 =	vand.u32 $0xF, v6  }
0x24: {  	v36 =	vcombine.low v8, v1;
	v8 =	vimm.s32 $0x6543A987;
	v2 =	vand.u32 $0xF, v11  }
0x25: {  	v52 =	vunpack.c.0.s8.s32 v14;
	v0 =	vand.u32 $0xF, v0;
	v44 =	vcombine.low v10, v2  }
0x26: {  	v2 =	vimm.s32 $0x43218765;
	v32 =	vcombine.low v59, v0;
	v0 =	vunpack.c.l.s4.s8 v8  }
0x27: {  	v46 =	vimm.s32 $0x6F5E4D00;
	vm12 =	vcmask $0x1304;
	v2 =	vunpack.c.l.s4.s8 v2  }
0x28: {  	v5 =	vunpack.c.0.s8.s32 v53;
	v1 =	vand.u32 $0xF, v52;
	v0 =	vunpack.c.0.s8.s32 v0  }
0x29: {  	v45 =	vmul.u32 $0x11, v40;
	v1 =	vsel vm1, v1, v9;
	v2 =	vunpack.c.0.s8.s32 v2  }
0x2a: {  	v34 =	vsel vm2, v5, v1;
	v5 =	vunpack.c.0.s8.s32 v58;
	v0 =	vand.u32 $0xF, v0  }
0x2b: {  	v1 =	vand.u32 $0xF, v2;
	v2 =	vimm.s32 $0xC0B0A09;
	v0 =	vsel vm1, v0, v13  }
0x2c: {  	v47 =	vimm.s32 $0x180;
	v2 =	vunpack.c.0.s8.s32 v2;
	v0 =	vsel vm2, v5, v0  }
0x2d: {  	v51 =	vimm.s32 $0x3B2A1908;
	v1 =	vsel vm1, v1, v3;
	[tilespmem:$0x1FCB0] =	vst v0;
	v0 =	vadd.s32 $0x10, v45  }
0x2e: {  	v28 =	vcombine.low v4, v10;
	v4 =	vunpack.c.0.s8.s32 v56;
	v1 =	vsel vm2, v2, v1;
	[tilespmem:$0x1FCC0] =	vst v0  }
0x2f: {  	v56 =	vimm.s32 $0x4B7E6D5C;
	v6 =	vunpack.c.l.s4.s8 v54;
	v0 =	vadd.s32 $0x20, v45;
	[tilespmem:$0x1FC90] =	vst v1  }
0x30: {  	v50 =	vimm.s32 $0x8F;
	v54 =	vimm.s32 $0x73A2918;
	[tilespmem:$0x1FCD0] =	vst v0;
	v0 =	vadd.s32 $0x30, v45  }
0x31: {  	v55 =	vunpack.c.0.s8.s32 v6;
	v6 =	vunpack.c.0.s8.s32 v51;
	[tilespmem:$0x1FCE0] =	vst v0;
	v0 =	vadd.s32 $0x40, v45  }
0x32: {  	v51 =	vimm.s32 $0x37261504;
	v59 =	vimm.s32 $0x140;
	[tilespmem:$0x1FCF0] =	vst v0;
	v0 =	vadd.s32 $0x50, v45  }
0x33: {  	v8 =	vimm.s32 $0xBFAE9D8C;
	v52 =	vimm.s32 $0x7F6E5D4C;
	[tilespmem:$0x1FD00] =	vst v0;
	v0 =	vadd.s32 $0x60, v45  }
0x34: {  	v8 =	vunpack.c.0.s8.s32 v8;
	v58 =	vimm.s32 $0x9F;
	[tilespmem:$0x1FD10] =	vst v0;
	v0 =	vadd.s32 $0x70, v45  }
0x35: {  	v3 =	vand.u32 $0xF, v55;
	v5 =	vunpack.c.0.s8.s32 v63;
	[tilespmem:$0x1FD20] =	vst v0;
	v0 =	vadd.s32 $0x80, v45  }
0x36: {  	v63 =	vimm.s32 $0x7B6A5948;
	v3 =	vsel vm1, v3, v7;
	[tilespmem:$0x1FD30] =	vst v0;
	v0 =	vadd.s32 $0x90, v45  }
0x37: {  	vm1 =	vcmask $0x2724;
	v7 =	vunpack.c.0.s8.s32 v52;
	[tilespmem:$0x1FD40] =	vst v0;
	v0 =	vadd.s32 $0xA0, v45  }
0x38: {  	v52 =	vimm.s32 $0xCF;
	v1 =	vsel vm2, v4, v3;
	[tilespmem:$0x1FD50] =	vst v0;
	v0 =	vimm.s32 $0xF  }
0x39: {  	v2 =	vimm.s32 $0x1B8;
	[tilespmem:$0x1FCA0] =	vst v1;
	v1 =	vsel vm7, $0x110, v0;
	v0 =	vimm.s32 $0x130  }
0x3a: {  	vm2 =	vcmask $0x2320;
	v2 =	vsel vm10, $0x1C9, v2;
	v0 =	vsel vm10, $0x141, v0  }
0x3b: {  	v3 =	vimm.s32 $0x2F1E0D00;
	v4 =	vsel vm10, $0x151, v59;
	v0 =	vsel vm11, $0x152, v0  }
0x3c: {  	v53 =	vsel vm0, v7, v6;
	v6 =	vunpack.c.0.s8.s32 v56;
	v0 =	vsel vm9, $0x163, v0  }
0x3d: {  	v7 =	vsel vm7, $0x1A0, v58;
	v2 =	vsel vm11, $0x1DA, v2;
	v0 =	vsel vm8, $0x174, v0  }
0x3e: {  	v3 =	vunpack.c.0.s8.s32 v3;
	v2 =	vsel vm9, $0x1EB, v2;
	v0 =	vsel vm6, $0x185, v0  }
0x3f: {  	v7 =	vsel vm10, $0x1B1, v7;
	v2 =	vsel vm8, $0x1FC, v2;
	v0 =	vsel vm5, $0x196, v0  }
0x40: {  	v2 =	vsel vm15, v3, v2;
	v3 =	vimm.s32 $0x1C8;
	v0 =	vsel vm3, $0x1A7, v0  }
0x41: {  	v13 =	vcombine.low v0, v2;
	v0 =	vsel vm10, $0x1D9, v3;
	v2 =	vimm.s32 $0x3F2E1D0C  }
0x42: {  	v3 =	vimm.s32 $0x4F;
	v0 =	vsel vm11, $0x1EA, v0;
	v2 =	vunpack.c.0.s8.s32 v2  }
0x43: {  	v59 =	vand.u32 $0xFF, v6;
	v3 =	vsel vm7, $0x150, v3;
	v0 =	vsel vm9, $0x1FB, v0  }
0x44: {  	v3 =	vsel vm10, $0x161, v3;
	v0 =	vsel vm0, v2, v0;
	v2 =	vsel vm11, $0x162, v4  }
0x45: {  	v3 =	vsel vm11, $0x172, v3;
	v4 =	vsel vm7, $0x160, v61;
	v61 =	vsel vm11, $0x1C2, v7  }
0x46: {  	v7 =	vunpack.c.0.s8.s32 v63;
	v3 =	vsel vm9, $0x183, v3;
	v4 =	vsel vm10, $0x171, v4  }
0x47: {  	v2 =	vsel vm9, $0x173, v2;
	v3 =	vsel vm8, $0x194, v3;
	v4 =	vsel vm11, $0x182, v4  }
0x48: {  	v2 =	vsel vm8, $0x184, v2;
	v3 =	vsel vm6, $0x1A5, v3;
	v4 =	vsel vm9, $0x193, v4  }
0x49: {  	v2 =	vsel vm6, $0x195, v2;
	v3 =	vsel vm5, $0x1B6, v3;
	v4 =	vsel vm8, $0x1A4, v4  }
0x4a: {  	v2 =	vsel vm5, $0x1A6, v2;
	v3 =	vsel vm3, $0x1C7, v3;
	v4 =	vsel vm6, $0x1B5, v4  }
0x4b: {  	v2 =	vsel vm3, $0x1B7, v2;
	v3 =	vsel vm2, $0x1D8, v3;
	v4 =	vsel vm5, $0x1C6, v4  }
0x4c: {  	v14 =	vcombine.low v2, v0;
	v2 =	vimm.s32 $0x1B0A3D2C;
	v3 =	vsel vm1, $0x1E9, v3  }
0x4d: {  	v0 =	vsel vm3, $0x1D7, v4;
	v2 =	vunpack.c.0.s8.s32 v2;
	v4 =	vunpack.c.0.s8.s32 v35  }
0x4e: {  	v35 =	vand.u32 $0xFF, v8;
	v8 =	vimm.s32 $0x3362514;
	v3 =	vsel vm4, $0x1FA, v3  }
0x4f: {  	v0 =	vsel vm2, $0x1E8, v0;
	v8 =	vunpack.c.0.s8.s32 v8;
	v21 =	vsel vm14, v5, v3  }
0x50: {  	v3 =	vimm.s32 $0x170;
	v0 =	vsel vm1, $0x1F9, v0;
	v5 =	vunpack.c.0.s8.s32 v46  }
0x51: {  	v46 =	vimm.s32 $0x1C0;
	v3 =	vsel vm10, $0x181, v3;
	v0 =	vsel vm13, v2, v0  }
0x52: {  	v2 =	vnsel vm12, $0x1F8, v4;
	v4 =	vsel vm10, $0x191, v47;
	v3 =	vsel vm11, $0x192, v3  }
0x53: {  	v2 =	vsel vm15, v5, v2;
	v4 =	vsel vm11, $0x1A2, v4;
	v3 =	vsel vm9, $0x1A3, v3  }
0x54: {  	v5 =	vsel vm7, $0x190, v50;
	vm15 =	vcmask $0x2B1C;
	v3 =	vsel vm8, $0x1B4, v3  }
0x55: {  	v50 =	vsel vm10, $0x1D1, v46;
	v5 =	vsel vm10, $0x1A1, v5;
	v3 =	vsel vm6, $0x1C5, v3  }
0x56: {  	v4 =	vsel vm9, $0x1B3, v4;
	v5 =	vsel vm11, $0x1B2, v5;
	v3 =	vsel vm5, $0x1D6, v3  }
0x57: {  	v4 =	vsel vm8, $0x1C4, v4;
	v5 =	vsel vm9, $0x1C3, v5;
	v3 =	vsel vm3, $0x1E7, v3  }
0x58: {  	v4 =	vsel vm6, $0x1D5, v4;
	v55 =	vcombine.low v3, v2;
	v3 =	vsel vm8, $0x1D4, v5  }
0x59: {  	v2 =	vsel vm5, $0x1E6, v4;
	v5 =	vunpack.c.0.s8.s32 v54;
	v3 =	vsel vm6, $0x1E5, v3  }
0x5a: {  	v4 =	vsel vm11, $0x1E2, v50;
	v2 =	vsel vm3, $0x1F7, v2;
	v3 =	vsel vm5, $0x1F6, v3  }
0x5b: {  	v54 =	vcombine.low v2, v53;
	v3 =	vsel vm15, v5, v3;
	v5 =	vunpack.c.0.s8.s32 v51  }
0x5c: {  	v53 =	vsel vm14, v59, v3;
	v3 =	vand.u32 $0xFF, v7;
	v7 =	vsel vm7, $0x1D0, v52  }
0x5d: {  	v4 =	vsel vm9, $0x1F3, v4;
	v3 =	vsel vm0, v35, v3;
	v7 =	vsel vm10, $0x1E1, v7  }
0x5e: {  	v4 =	vsel vm0, v5, v4;
	vm0 =	vcmask $0x1B0C;
	v56 =	vsel vm11, $0x1F2, v7  }
0x5f: {  	v5 =	vsel vm0, v8, v56;
	v8 =	vimm.s32 $0x477A6958  }
0x60: {  	s0 =	rddreg [dreg:$0x0];
	s4 =	simm.s32 $0x0;
	v59 =	vunpack.c.0.s8.s32 v8;
	v8 =	vadd.s32 $0xD0, v45  }
0x61: {  	v24 =	vadd.s32 $0x2, v40;
	v25 =	vadd.s32 $0x3, v40;
	v26 =	vadd.s32 $0x4, v40;
	[smem:$0x7FF] =	sst s4;
	[tilespmem:$0x1FD60] =	vst v8  }
0x62: {  	s1 =	rddreg [dreg:$0x1];
	v27 =	vadd.s32 $0x5, v40;
	v37 =	vadd.s32 $0xC, v40;
	v38 =	vadd.s32 $0xD, v40;
	_ =	strace $0x80000047;
	[tilespmem:$0x1FDB0] =	vst v54  }
0x63: {  	v57 =	vadd.s32 $0xE, v40;
	v29 =	vadd.s32 $0xF, v40;
	v30 =	vor.u32 $0x10, v40;
	[tilespmem:$0x1FDF0] =	vst v55  }
0x64: {  	v43 =	vadd.s32 $0xB0, v45;
	v10 =	vor.u32 $0x100, v45;
	v9 =	vimm.s32 $0x27160538;
	[tilespmem:$0x1FE00] =	vst v53  }
0x65: {  	v12 =	vadd.s32 $0xC0, v45;
	v9 =	vunpack.c.0.s8.s32 v9;
	v58 =	vimm.s32 $0x5B4A7D6C;
	[tilespmem:$0x1FE30] =	vst v10  }
0x66: {  	v1 =	vsel vm10, $0x121, v1;
	v63 =	vimm.s32 $0x8BBEAD9C;
	v6 =	vsel vm9, $0x1D3, v61;
	[tilespmem:$0x1FE40] =	vst v43  }
0x67: {  	v61 =	vimm.s32 $0xAF;
	v6 =	vsel vm8, $0x1E4, v6;
	v47 =	vimm.s32 $0x17063928;
	[tilespmem:$0x1FE50] =	vst v12  }
0x68: {  	v46 =	vimm.s32 $0x13023524;
	v50 =	vimm.s32 $0x9B8ABDAC;
	v2 =	vsel vm6, $0x1F5, v6;
	[tilespmem:$0x1FE60] =	vst v13  }
0x69: {  	v6 =	vunpack.c.0.s8.s32 v47;
	v47 =	vimm.s32 $0x57467968;
	v51 =	vimm.s32 $0x23120134;
	[tilespmem:$0x1FE70] =	vst v14  }
0x6a: {  	v52 =	vimm.s32 $0xEF;
	v7 =	vunpack.c.0.s8.s32 v58;
	vm0 =	vcmask $0x2718;
	[tilespmem:$0x1FE80] =	vst v21  }
0x6b: {  	v35 =	vimm.s32 $0xDF;
	v58 =	vimm.s32 $0x67564578;
	v2 =	vsel vm0, v6, v2;
	[tilespmem:$0x1FE90] =	vst v34  }
0x6c: {  	v8 =	vsel vm11, $0x132, v1;
	v1 =	vand.u32 $0xFF, v7;
	v7 =	vunpack.c.0.s8.s32 v63;
	[tilespmem:$0x1FEA0] =	vst v24  }
0x6d: {  	v1 =	vsel vm13, v1, v2;
	v2 =	vimm.s32 $0x1F;
	v6 =	vand.u32 $0xFF, v59;
	[tilespmem:$0x1FEB0] =	vst v25  }
0x6e: {  	v8 =	vsel vm9, $0x143, v8;
	[tilespmem:$0x1FEC0] =	vst v26;
	v5 =	vsel vm15, v6, v5;
	v2 =	vsel vm7, $0x120, v2  }
0x6f: {  	[tilespmem:$0x1FED0] =	vst v27;
	v6 =	vsel vm7, $0x1B0, v61;
	v7 =	vand.u32 $0xFF, v7;
	vm15 =	vcmask $0x2314  }
0x70: {  	[tilespmem:$0x1FF00] =	vst v45;
	v8 =	vsel vm8, $0x154, v8;
	v61 =	vadd.s32 $0xF0, v45;
	v2 =	vsel vm10, $0x131, v2  }
0x71: {  	[tilespmem:$0x1FF10] =	vst v32;
	v6 =	vsel vm10, $0x1C1, v6;
	v18 =	vsel vm14, v7, v5;
	v5 =	vsel vm7, $0x1E0, v35  }
0x72: {  	[tilespmem:$0x1FF20] =	vst v44;
	v7 =	vunpack.c.0.s8.s32 v46;
	vm14 =	vcmask $0x1708;
	v8 =	vsel vm6, $0x165, v8  }
0x73: {  	[tilespmem:$0x1FF30] =	vst v37;
	v2 =	vsel vm11, $0x142, v2;
	v6 =	vsel vm11, $0x1D2, v6;
	v5 =	vsel vm10, $0x1F1, v5  }
0x74: {  	[tilespmem:$0x1FF40] =	vst v38;
	v8 =	vsel vm5, $0x176, v8;
	vm11 =	vcmask $0x3324;
	v6 =	vsel vm9, $0x1E3, v6  }
0x75: {  	[tilespmem:$0x1FF50] =	vst v57;
	v5 =	vsel vm14, v7, v5;
	v7 =	vunpack.c.0.s8.s32 v47;
	v8 =	vsel vm3, $0x187, v8  }
0x76: {  	[tilespmem:$0x1FF60] =	vst v29;
	v2 =	vsel vm9, $0x153, v2;
	vm14 =	vcmask $0x3734;
	v6 =	vsel vm8, $0x1F4, v6  }
0x77: {  	[tilespmem:$0x1FF70] =	vst v30;
	v2 =	vsel vm8, $0x164, v2;
	v6 =	vsel vm15, v9, v6;
	v9 =	vimm.s32 $0x6B5A497C  }
0x78: {  	[tilespmem:$0x1FF80] =	vst v60;
	v7 =	vand.u32 $0xFF, v7;
	v2 =	vsel vm6, $0x175, v2;
	v9 =	vunpack.c.0.s8.s32 v9  }
0x79: {  	[tilespmem:$0x1FF90] =	vst v28;
	v56 =	vsel vm2, $0x198, v8;
	v5 =	vsel vm0, v7, v5;
	v2 =	vsel vm5, $0x186, v2  }
0x7a: {  	[tilespmem:$0x1FFA0] =	vst v62;
	v7 =	vunpack.c.0.s8.s32 v50;
	v2 =	vsel vm3, $0x197, v2;
	v9 =	vand.u32 $0xFF, v9  }
0x7b: {  	[tilespmem:$0x1FFB0] =	vst v33;
	v2 =	vsel vm2, $0x1A8, v2;
	v6 =	vsel vm11, v9, v6;
	v9 =	vadd.s32 $0xE0, v45  }
0x7c: {  	v2 =	vsel vm1, $0x1B9, v2;
	[tilespmem:$0x1FD70] =	vst v9;
	v9 =	vcombine.low v4, v3;
	v3 =	vand.u32 $0xFF, v7  }
0x7d: {  	[tilespmem:$0x1FFC0] =	vst v39;
	v4 =	vunpack.c.0.s8.s32 v51;
	v7 =	vsel vm1, $0x1A9, v56;
	v2 =	vsel vm4, $0x1CA, v2  }
0x7e: {  	s2 =	srdreg.scid;
	s12 =	simm.s32 $0x50;
	s13 =	simm.s32 $0x640;
	[tilespmem:$0x1FFD0] =	vst v49;
	v3 =	vsel vm13, v3, v5;
	v5 =	vsel vm7, $0x1F0, v52;
	v7 =	vsel vm4, $0x1BA, v7  }
0x7f: {  	s23 =	simm.s32 $0x9C40;
	s24 =	simm.s32 $0x500;
	s28 =	simm.s32 $0xB040;
	[tilespmem:$0x1FFE0] =	vst v48;
	v4 =	vsel vm12, v4, v5;
	v5 =	vunpack.c.0.s8.s32 v58;
	vm12 =	vcmask $0x2F2C  }
0x80: {  	s3 =	stileid.u32;
	s29 =	simm.s32 $0x5A0;
	s30 =	simm.s32 $0xBA40;
	[tilespmem:$0x1FFF0] =	vst v36;
	vm13 =	vcmask $0x3330;
	v7 =	vsel vm12, $0x1CB, v7;
	v2 =	vsel vm12, $0x1DB, v2  }
0x81: {  	s11 =	simm.s32 $0x5;
	s31 =	simm.s32 $0x5F0;
	s10 =	simm.s32 $0xCE40;
	[tilespmem:$0x1FD80] =	vst v61;
	v5 =	vand.u32 $0xFF, v5;
	v7 =	vsel vm13, $0x1DC, v7;
	v2 =	vsel vm13, $0x1EC, v2  }
0x82: {  	s14 =	simm.s32 $0x10;
	s15 =	simm.s32 $0x4000;
	s16 =	simm.s32 $0x2;
	[tilespmem:$0x1FDC0] =	vst v18;
	v4 =	vsel vm15, v5, v4;
	v7 =	vsel vm14, $0x1ED, v7;
	vm15 =	vcmask $0x3B38  }
0x83: {  	s17 =	simm.s32 $0x13240;
	s2 =	sand.u32 $0x1, s2;
	s3 =	sshll.u32 s3, $0x1;
	v59 =	vimm.s32 $0xAB9A89BC;
	[tilespmem:$0x1FE10] =	vst v9;
	v2 =	vsel vm14, $0x1FD, v2;
	v63 =	vsel vm15, $0x1FE, v7  }
0x84: {  	s20 =	simm.s32 $0x0;
	s4 =	sadd.s32 $0xF42A00, s0;
	s3 =	sor.u32 s2, s3;
	v5 =	vunpack.c.0.s8.s32 v59;
	v2 =	vsel vm15, $0xE, v2;
	[tilespmem:$0x1FD90] =	vst v63  }
0x85: {  	s5 =	sadd.s32 $0x600, s0;
	s2 =	ssub.s32 $0x2, s2;
	s8 =	smul.u32 $0xC80, s3;
	v56 =	vsel vm15, $0x4E, v0;
	[tilespmem:$0x1FDA0] =	vst v2  }
0x86: {  	s25 =	sshrl.u32 s2, $0x1;
	s6 =	smul.u32 $0x140, s3;
	s7 =	sshll.u32 s3, $0x9;
	v1 =	vsel vm15, $0x8E, v1;
	v5 =	vand.u32 $0xFF, v5;
	[tilespmem:$0x1FDD0] =	vst v56  }
0x87: {  	s3 =	simm.s32 $0xC440;
	s0 =	ssub.s32 s2, s25;
	s2 =	simm.s32 $0x6A40;
	v0 =	vsel vm14, $0x8D, v6;
	v19 =	vsel vm15, $0xCE, v3;
	[tilespmem:$0x1FE20] =	vst v1;
	v4 =	vsel vm11, v5, v4  }
0x88: {  	s25 =	simm.s32 $0xA640;
	s26 =	sadd.s32 s1, s8;
	s9 =	sor.u32 $0x14, s6;
	v63 =	vsel vm15, $0x9E, v0;
	[tilespmem:$0x1FEF0] =	vst v19;
	v0 =	vsel vm14, $0xCD, v4  }
0x89: {  	s0 =	smax.u32 s0, $0x1;
	s8 =	simm.s32 $0x1;
	[dreg:$0x3] =	wrdreg s26;
	[tilespmem:$0x1FDE0] =	vst v63;
	v20 =	vsel vm15, $0xDE, v0  }
0x8a: {  	v41 =	vmul.u32 $0x640, v40;
	v42 =	vadd.s32 $0x1, v40;
	[dreg:$0x4] =	wrdreg s0;
	s0 =	simm.s32 $0x320;
	s26 =	simm.s32 $0x550;
	[tilespmem:$0x1FEE0] =	vst v20  }
.LBB2_1:
0x8b: {  	[dreg:$0x5] =	wrdreg s20  }
0x8c: {  	s18 =	simm.s32 $0x0;
	s19 =	rddreg [dreg:$0x3]  }
0x8d: {  	[tilespmem:s18], [sflag:$0x5] =	stream.linear.gather [hbm4b:s19+s18], $0x320, $0x38;
	[tilespmem:$0x19640] =	vst v63  }
0x8e: {  	_ =	swait.ge [sflag:s11], $0x320  }
0x8f: {  	[sflag:s11] =	ssyncset.done $0x0  }
0x90: {  	[sflag:s11] =	ssyncadd.s32 $0xFFFFFCE0  }
0x91: {  	[tilespmem:s13], [sflag:$0x1] =	stream.indirect.gather [hbm4b:s4+s12], $0x20, s18, s12, $0xb8;
	[tilespmem:$0x19640] =	vst v63  }
0x92: {  	s22 =	simm.s32 $0x1040  }
0x93: {  	[tilespmem:s22], [sflag:$0x1] =	stream.indirect.gather [hbm4b:s4+s12], $0x20, s12, s12, $0xb8;
	[tilespmem:$0x19640] =	vst v63  }
0x94: {  	s20 =	simm.s32 $0x1A40;
	s19 =	simm.s32 $0xA0  }
0x95: {  	[tilespmem:s20], [sflag:$0x1] =	stream.indirect.gather [hbm4b:s4+s12], $0x20, s19, s12, $0xb8;
	[tilespmem:$0x19640] =	vst v63  }
0x96: {  	s21 =	simm.s32 $0xF0;
	s22 =	simm.s32 $0x2440  }
0x97: {  	[tilespmem:s22], [sflag:$0x1] =	stream.indirect.gather [hbm4b:s4+s12], $0x20, s21, s12, $0xb8;
	[tilespmem:$0x19640] =	vst v63  }
0x98: {  	s19 =	simm.s32 $0x140;
	s20 =	simm.s32 $0x2E40  }
0x99: {  	[tilespmem:s20], [sflag:$0x1] =	stream.indirect.gather [hbm4b:s4+s12], $0x20, s19, s12, $0xb8;
	[tilespmem:$0x19640] =	vst v63  }
0x9a: {  	s21 =	simm.s32 $0x190;
	s22 =	simm.s32 $0x3840  }
0x9b: {  	[tilespmem:s22], [sflag:$0x1] =	stream.indirect.gather [hbm4b:s4+s12], $0x20, s21, s12, $0xb8;
	[tilespmem:$0x19640] =	vst v63  }
0x9c: {  	s19 =	simm.s32 $0x1E0;
	s20 =	simm.s32 $0x4240  }
0x9d: {  	[tilespmem:s20], [sflag:$0x1] =	stream.indirect.gather [hbm4b:s4+s12], $0x20, s19, s12, $0xb8;
	[tilespmem:$0x19640] =	vst v63  }
0x9e: {  	s21 =	simm.s32 $0x230;
	s22 =	simm.s32 $0x4C40  }
0x9f: {  	[tilespmem:s22], [sflag:$0x1] =	stream.indirect.gather [hbm4b:s4+s12], $0x20, s21, s12, $0xb8;
	[tilespmem:$0x19640] =	vst v63  }
0xa0: {  	s19 =	simm.s32 $0x280;
	s20 =	simm.s32 $0x5640  }
0xa1: {  	[tilespmem:s20], [sflag:$0x1] =	stream.indirect.gather [hbm4b:s4+s12], $0x20, s19, s12, $0xb8;
	[tilespmem:$0x19640] =	vst v63  }
0xa2: {  	s18 =	simm.s32 $0x0;
	s21 =	simm.s32 $0x2D0;
	s22 =	simm.s32 $0x6040  }
0xa3: {  	[tilespmem:s22], [sflag:$0x1] =	stream.indirect.gather [hbm4b:s4+s12], $0x20, s21, s12, $0xb8;
	[tilespmem:$0x19640] =	vst v63  }
.LBB2_2:
0xa4: {  	s19 =	sshllo.u32 s18, $0x1  }
0xa5: {  	s20 =	smul.u32 $0xA, s19  }
0xa6: {  	p0 =	seq.s32 s18, $0x0  }
0xa7: {  	s21 =	simm.s32 @!p0 $0x4;
	s20 =	sadd.s32 s6, s20  }
0xa8: {  	_ =	swait.ge @!p0 [sflag:s21], $0x6400;
	s20 =	smul.u32 $0xA, s20  }
0xa9: {  	[sflag:s21] =	ssyncset.done @!p0 $0x0  }
0xaa: {  	[sflag:s21] =	ssyncadd.s32 @!p0 $0xFFFF9C00;
	s21 =	simm.s32 $0x0;
	s20 =	sadd.s32 s1, s20  }
0xab: {  	[tilespmem:s0], [sflag:$0x5] =	stream.linear.gather [hbm4b:s20+s21], $0x320, $0x38;
	[tilespmem:$0x19640] =	vst v63  }
0xac: {  	_ =	swait.ge [sflag:s11], $0x320  }
0xad: {  	[sflag:s11] =	ssyncset.done $0x0  }
0xae: {  	[sflag:s11] =	ssyncadd.s32 $0xFFFFFCE0  }
0xaf: {  	[tilespmem:s2], [sflag:$0x2] =	stream.indirect.gather [hbm4b:s4+s12], $0x20, s0, s12, $0xb8;
	[tilespmem:$0x19640] =	vst v63  }
0xb0: {  	s22 =	simm.s32 $0x7440;
	s20 =	simm.s32 $0x370  }
0xb1: {  	[tilespmem:s22], [sflag:$0x2] =	stream.indirect.gather [hbm4b:s4+s12], $0x20, s20, s12, $0xb8;
	[tilespmem:$0x19640] =	vst v63  }
0xb2: {  	s20 =	simm.s32 $0x3C0;
	s22 =	simm.s32 $0x7E40  }
0xb3: {  	[tilespmem:s22], [sflag:$0x2] =	stream.indirect.gather [hbm4b:s4+s12], $0x20, s20, s12, $0xb8;
	[tilespmem:$0x19640] =	vst v63  }
0xb4: {  	s20 =	simm.s32 $0x410;
	s22 =	simm.s32 $0x8840  }
0xb5: {  	[tilespmem:s22], [sflag:$0x2] =	stream.indirect.gather [hbm4b:s4+s12], $0x20, s20, s12, $0xb8;
	[tilespmem:$0x19640] =	vst v63  }
0xb6: {  	s20 =	simm.s32 $0x460;
	s22 =	simm.s32 $0x9240  }
0xb7: {  	[tilespmem:s22], [sflag:$0x2] =	stream.indirect.gather [hbm4b:s4+s12], $0x20, s20, s12, $0xb8;
	[tilespmem:$0x19640] =	vst v63  }
0xb8: {  	s22 =	simm.s32 $0x4B0  }
0xb9: {  	[tilespmem:s23], [sflag:$0x2] =	stream.indirect.gather [hbm4b:s4+s12], $0x20, s22, s12, $0xb8;
	[tilespmem:$0x19640] =	vst v63  }
0xba: {  	_ = 	snop  }
0xbb: {  	[tilespmem:s25], [sflag:$0x2] =	stream.indirect.gather [hbm4b:s4+s12], $0x20, s24, s12, $0xb8;
	[tilespmem:$0x19640] =	vst v63  }
0xbc: {  	_ = 	snop  }
0xbd: {  	[tilespmem:s28], [sflag:$0x2] =	stream.indirect.gather [hbm4b:s4+s12], $0x20, s26, s12, $0xb8;
	[tilespmem:$0x19640] =	vst v63  }
0xbe: {  	_ = 	snop  }
0xbf: {  	[tilespmem:s30], [sflag:$0x2] =	stream.indirect.gather [hbm4b:s4+s12], $0x20, s29, s12, $0xb8;
	[tilespmem:$0x19640] =	vst v63  }
0xc0: {  	_ = 	snop  }
0xc1: {  	[tilespmem:s3], [sflag:$0x2] =	stream.indirect.gather [hbm4b:s4+s12], $0x20, s31, s12, $0xb8;
	[tilespmem:$0x19640] =	vst v63  }
0xc2: {  	_ =	swait.ge [sflag:s8], $0xA00  }
0xc3: {  	[sflag:s8] =	ssyncset.done $0x0  }
0xc4: {  	[sflag:s8] =	ssyncadd.s32 $0xFFFFF600  }
0xc5: {  	_ =	swait.ge [sflag:s8], $0xA00  }
0xc6: {  	[sflag:s8] =	ssyncset.done $0x0  }
0xc7: {  	[sflag:s8] =	ssyncadd.s32 $0xFFFFF600  }
0xc8: {  	_ =	swait.ge [sflag:s8], $0xA00  }
0xc9: {  	[sflag:s8] =	ssyncset.done $0x0  }
0xca: {  	[sflag:s8] =	ssyncadd.s32 $0xFFFFF600  }
0xcb: {  	_ =	swait.ge [sflag:s8], $0xA00  }
0xcc: {  	[sflag:s8] =	ssyncset.done $0x0  }
0xcd: {  	[sflag:s8] =	ssyncadd.s32 $0xFFFFF600  }
0xce: {  	_ =	swait.ge [sflag:s8], $0xA00  }
0xcf: {  	[sflag:s8] =	ssyncset.done $0x0  }
0xd0: {  	[sflag:s8] =	ssyncadd.s32 $0xFFFFF600  }
0xd1: {  	_ =	swait.ge [sflag:s8], $0xA00  }
0xd2: {  	[sflag:s8] =	ssyncset.done $0x0  }
0xd3: {  	[sflag:s8] =	ssyncadd.s32 $0xFFFFF600  }
0xd4: {  	_ =	swait.ge [sflag:s8], $0xA00  }
0xd5: {  	[sflag:s8] =	ssyncset.done $0x0  }
0xd6: {  	[sflag:s8] =	ssyncadd.s32 $0xFFFFF600  }
0xd7: {  	_ =	swait.ge [sflag:s8], $0xA00  }
0xd8: {  	v0 =	vmov s21;
	[sflag:s8] =	ssyncset.done $0x0  }
0xd9: {  	v2 =	vshll.u32 v0, $0x5;
	[tilespmem:$0x1FC10] =	vst v0;
	[sflag:s8] =	ssyncadd.s32 $0xFFFFF600  }
0xda: {  	v22 =	vadd.s32 v41, v2;
	_ =	swait.ge [sflag:s8], $0xA00  }
0xdb: {  	v2 =	vor.u32 v40, v22;
	[sflag:s8] =	ssyncset.done $0x0  }
0xdc: {  	v3 =	vor.u32 v42, v22;
	[sflag:s8] =	ssyncadd.s32 $0xFFFFF600  }
0xdd: {  	_ =	swait.ge [sflag:s8], $0xA00  }
0xde: {  	v4 =	vor.u32 v24, v22;
	[sflag:s8] =	ssyncset.done $0x0  }
0xdf: {  	[sflag:s8] =	ssyncadd.s32 $0xFFFFF600  }
0xe0: {  	v52 =	vld.idx.msk [tilespmem:v2+s13+$0x0], $0xffff  }
0xe1: {  	v7 =	vor.u32 v25, v22;
	v6 =	vld.idx.msk [tilespmem:v3+s13+$0x0], $0xffff;
	_ =	sdelay $0x1  }
0xe2: {  	v8 =	vor.u32 v26, v22;
	v51 =	vld.idx.msk [tilespmem:v4+s13+$0x0], $0xffff  }
0xe3: {  	v59 =	vld [tilespmem:$0x1FC20]  }
0xe4: {  	v58 =	vld [tilespmem:$0x1FC30]  }
0xe5: {  	v9 =	vor.u32 v27, v22;
	v50 =	vld.idx.msk [tilespmem:v7+s13+$0x0], $0xffff;
	v7 =	vmul.f32 v52, v52;
	v11 =	vmul.f32 v6, v6  }
0xe6: {  	v61 =	vld [tilespmem:$0x1FC40]  }
0xe7: {  	v23 =	vmovc v57;
	v57 =	vmov v1;
	v1 =	vld.idx.msk [tilespmem:v8+s13+$0x0], $0xffff;
	v8 =	vmul.f32 v51, v51;
	v11 =	vadd.f32 v11, v7  }
0xe8: {  	v0 =	vmov v10;
	v10 =	vor.u32 v59, v22  }
0xe9: {  	v11 =	vadd.f32 v8, v11;
	v8 =	vld [tilespmem:$0x1FC50]  }
0xea: {  	v47 =	vld.idx.msk [tilespmem:v9+s13+$0x0], $0xffff;
	v18 =	vor.u32 v58, v22  }
0xeb: {  	v7 =	vld [tilespmem:$0x1FC60]  }
0xec: {  	v3 =	vld [tilespmem:$0x1FC70];
	v24 =	vor.u32 v61, v22;
	v9 =	vmul.f32 v50, v50  }
0xed: {  	v46 =	vld.idx.msk [tilespmem:v10+s13+$0x0], $0xffff  }
0xee: {  	v10 =	vmul.f32 v1, v1;
	v11 =	vadd.f32 v9, v11;
	v25 =	vor.u32 v8, v22  }
0xef: {  	v9 =	vld.idx.msk [tilespmem:v18+s13+$0x0], $0xffff  }
0xf0: {  	v15 =	vmul.f32 v47, v47;
	v26 =	vor.u32 v7, v22;
	v11 =	vadd.f32 v10, v11  }
0xf1: {  	v10 =	vld.idx.msk [tilespmem:v24+s13+$0x0], $0xffff  }
0xf2: {  	v27 =	vor.u32 v3, v22;
	v16 =	vmul.f32 v46, v46;
	v15 =	vadd.f32 v15, v11  }
0xf3: {  	v11 =	vld.idx.msk [tilespmem:v25+s13+$0x0], $0xffff  }
0xf4: {  	v24 =	vor.u32 v37, v22;
	v17 =	vmul.f32 v9, v9;
	v15 =	vadd.f32 v16, v15  }
0xf5: {  	v2 =	vmov v32;
	v32 =	vmov v39;
	v39 =	vmov v12;
	v12 =	vld.idx.msk [tilespmem:v26+s13+$0x0], $0xffff  }
0xf6: {  	v18 =	vmul.f32 v10, v10;
	v25 =	vor.u32 v38, v22;
	v15 =	vadd.f32 v17, v15  }
0xf7: {  	v35 =	vmov v13;
	v13 =	vld.idx.msk [tilespmem:v27+s13+$0x0], $0xffff  }
0xf8: {  	v26 =	vor.u32 v23, v22;
	v15 =	vadd.f32 v18, v15;
	v27 =	vmul.f32 v11, v11  }
0xf9: {  	v4 =	vmov v36;
	v36 =	vmov v14;
	v14 =	vld.idx.msk [tilespmem:v24+s13+$0x0], $0xffff  }
0xfa: {  	v37 =	vmovc v19;
	v18 =	vor.u32 v29, v22;
	v29 =	vmul.f32 v12, v12;
	v19 =	vadd.f32 v27, v15  }
0xfb: {  	v5 =	vmov v48;
	v48 =	vmov v1;
	v1 =	vmov v44;
	v15 =	vld.idx.msk [tilespmem:v25+s13+$0x0], $0xffff  }
0xfc: {  	v44 =	vmovc v21;
	v21 =	vor.u32 v30, v22;
	v30 =	vmul.f32 v13, v13;
	v19 =	vadd.f32 v29, v19  }
0xfd: {  	v16 =	vld.idx.msk [tilespmem:v26+s13+$0x0], $0xffff  }
0xfe: {  	v38 =	vmovc v20;
	v20 =	vor.u32 v60, v22;
	v29 =	vmul.f32 v14, v14;
	v19 =	vadd.f32 v30, v19  }
0xff: {  	v17 =	vld.idx.msk [tilespmem:v18+s13+$0x0], $0xffff  }
0x100: {  	v31 =	vld [tilespmem:$0x1FC80];
	v23 =	vor.u32 v28, v22;
	v30 =	vmul.f32 v15, v15;
	v19 =	vadd.f32 v29, v19  }
0x101: {  	v18 =	vld.idx.msk [tilespmem:v21+s13+$0x0], $0xffff  }
0x102: {  	v60 =	vor.u32 v62, v22;
	v62 =	vmul.f32 v16, v16;
	v25 =	vadd.f32 v30, v19  }
0x103: {  	v19 =	vld.idx.msk [tilespmem:v20+s13+$0x0], $0xffff  }
0x104: {  	v26 =	vor.u32 v33, v22;
	v30 =	vmul.f32 v17, v17;
	v24 =	vadd.f32 v62, v25  }
0x105: {  	v20 =	vld.idx.msk [tilespmem:v23+s13+$0x0], $0xffff  }
0x106: {  	v23 =	vor.u32 v31, v22;
	v25 =	vmul.f32 v18, v18;
	v24 =	vadd.f32 v30, v24  }
0x107: {  	v21 =	vld.idx.msk [tilespmem:v60+s13+$0x0], $0xffff  }
0x108: {  	v27 =	vor.u32 v32, v22;
	v33 =	vmul.f32 v19, v19;
	v24 =	vadd.f32 v25, v24  }
0x109: {  	v25 =	vld.idx.msk [tilespmem:v26+s13+$0x0], $0xffff  }
0x10a: {  	v62 =	vmul.f32 v20, v20;
	v26 =	vor.u32 v49, v22;
	v24 =	vadd.f32 v33, v24  }
0x10b: {  	v28 =	vor.u32 v5, v22;
	v23 =	vld.idx.msk [tilespmem:v23+s13+$0x0], $0xffff  }
0x10c: {  	v33 =	vmul.f32 v21, v21;
	v24 =	vadd.f32 v62, v24  }
0x10d: {  	v27 =	vld.idx.msk [tilespmem:v27+s13+$0x0], $0xffff  }
0x10e: {  	v29 =	vor.u32 v4, v22;
	v49 =	vmul.f32 v25, v25;
	v24 =	vadd.f32 v33, v24  }
0x10f: {  	v30 =	vor.u32 v1, v22;
	v26 =	vld.idx.msk [tilespmem:v26+s13+$0x0], $0xffff  }
0x110: {  	v28 =	vld.idx.msk [tilespmem:v28+s13+$0x0], $0xffff;
	v32 =	vmul.f32 v23, v23;
	v24 =	vadd.f32 v49, v24  }
0x111: {  	v1 =	vld [tilespmem:$0x1FC90]  }
0x112: {  	v31 =	vor.u32 v2, v22;
	v2 =	vld [tilespmem:$0x1FCA0];
	v33 =	vmul.f32 v27, v27;
	v24 =	vadd.f32 v32, v24  }
0x113: {  	v29 =	vld.idx.msk [tilespmem:v29+s13+$0x0], $0xffff  }
0x114: {  	v30 =	vld.idx.msk [tilespmem:v30+s13+$0x0], $0xffff;
	v32 =	vor.u32 v34, v22;
	v34 =	vmul.f32 v26, v26;
	v24 =	vadd.f32 v33, v24  }
0x115: {  	v49 =	vmov v3;
	v3 =	vld [tilespmem:$0x1FCB0]  }
0x116: {  	v33 =	vor.u32 v1, v22;
	v1 =	vmul.f32 v28, v28;
	v24 =	vadd.f32 v34, v24  }
0x117: {  	v31 =	vld.idx.msk [tilespmem:v31+s13+$0x0], $0xffff  }
0x118: {  	v34 =	vor.u32 v2, v22;
	v2 =	vmul.f32 v29, v29;
	v1 =	vadd.f32 v1, v24  }
0x119: {  	v24 =	vld.idx.msk [tilespmem:v32+s13+$0x0], $0xffff  }
0x11a: {  	v22 =	vor.u32 v3, v22;
	v32 =	vmul.f32 v30, v30;
	v1 =	vadd.f32 v2, v1  }
0x11b: {  	v60 =	vmov v59;
	v59 =	vmov v58;
	v58 =	vmov v8;
	v8 =	vld.idx.msk [tilespmem:v33+s13+$0x0], $0xffff  }
0x11c: {  	v33 =	vmul.f32 v31, v31;
	v1 =	vadd.f32 v32, v1  }
0x11d: {  	v32 =	vld.idx.msk [tilespmem:v34+s13+$0x0], $0xffff  }
0x11e: {  	v34 =	vmul.f32 v24, v24;
	v1 =	vadd.f32 v33, v1  }
0x11f: {  	v22 =	vld.idx.msk [tilespmem:v22+s13+$0x0], $0xffff  }
0x120: {  	v33 =	vmul.f32 v8, v8;
	v1 =	vadd.f32 v34, v1;
	_ =	sdelay $0x1  }
0x121: {  	v34 =	vmul.f32 v32, v32;
	v1 =	vadd.f32 v33, v1;
	_ =	sdelay $0x1  }
0x122: {  	v33 =	vmul.f32 v22, v22;
	v1 =	vadd.f32 v34, v1;
	_ =	sdelay $0x1  }
0x123: {  	v1 =	vadd.f32 v33, v1;
	_ =	sdelay $0x1  }
0x124: {  	v33 =	vshra.s32 v1, $0x1;
	v1 =	vmul.f32 $5.000000000e-01, v1  }
0x125: {  	v33 =	vsub.s32 $0x5F3759DF, v33  }
0x126: {  	v34 =	vmul.f32 v33, v1;
	_ =	sdelay $0x1  }
0x127: {  	v34 =	vmul.f32 v33, v34;
	_ =	sdelay $0x1  }
0x128: {  	v34 =	vsub.f32 $1.500000000e+00, v34;
	_ =	sdelay $0x1  }
0x129: {  	v33 =	vmul.f32 v33, v34;
	_ =	sdelay $0x1  }
0x12a: {  	v34 =	vmul.f32 v33, v1;
	_ =	sdelay $0x1  }
0x12b: {  	v34 =	vmul.f32 v34, v33;
	_ =	sdelay $0x1  }
0x12c: {  	v34 =	vsub.f32 $1.500000000e+00, v34;
	_ =	sdelay $0x1  }
0x12d: {  	v33 =	vmul.f32 v34, v33;
	_ =	sdelay $0x1  }
0x12e: {  	v1 =	vmul.f32 v33, v1;
	_ =	sdelay $0x1  }
0x12f: {  	v34 =	vmul.f32 v1, v33;
	v1 =	vld [tilespmem:$0x1FC10]  }
0x130: {  	v2 =	vld [tilespmem:$0x1FCC0];
	_ =	sdelay $0x3  }
0x131: {  	v1 =	vshll.u32 v1, $0x9  }
0x132: {  	v4 =	vor.u32 v2, v1;
	v2 =	vld [tilespmem:$0x1FCD0];
	_ =	sdelay $0x4  }
0x133: {  	v3 =	vor.u32 v45, v1;
	v45 =	vor.u32 v2, v1;
	v2 =	vld [tilespmem:$0x1FCE0]  }
0x134: {  	v34 =	vsub.f32 $1.500000000e+00, v34;
	_ =	sdelay $0x1  }
0x135: {  	v33 =	vmul.f32 v34, v33;
	_ =	sdelay $0x1  }
0x136: {  	v5 =	vor.u32 v2, v1;
	v2 =	vmul.f32 v33, v52  }
0x137: {  	v62 =	vmov v7;
	v7 =	vld [tilespmem:$0x1FCF0];
	v6 =	vmul.f32 v33, v6  }
0x138: {  	[tilespmem:v3+s10+$0x0] =	vst.idx.msk $0xffff, v2;
	v2 =	vmul.f32 v33, v51;
	v3 =	vld [tilespmem:$0x1FD00]  }
0x139: {  	[tilespmem:v4+s10+$0x0] =	vst.idx.msk $0xffff, v6;
	v4 =	vmul.f32 v33, v50;
	v6 =	vld [tilespmem:$0x1FD10]  }
0x13a: {  	v52 =	vld [tilespmem:$0x1FD20];
	[tilespmem:v45+s10+$0x0] =	vst.idx.msk $0xffff, v2  }
0x13b: {  	[tilespmem:v5+s10+$0x0] =	vst.idx.msk $0xffff, v4;
	v5 =	vld [tilespmem:$0x1FD30]  }
0x13c: {  	v7 =	vor.u32 v7, v1  }
0x13d: {  	v3 =	vor.u32 v3, v1  }
0x13e: {  	v6 =	vor.u32 v6, v1  }
0x13f: {  	v2 =	vmul.f32 v33, v48;
	v34 =	vor.u32 v52, v1  }
0x140: {  	v4 =	vmul.f32 v33, v47;
	v5 =	vor.u32 v5, v1  }
0x141: {  	[tilespmem:v7+s10+$0x0] =	vst.idx.msk $0xffff, v2;
	v2 =	vmul.f32 v33, v46;
	v7 =	vld [tilespmem:$0x1FD40]  }
0x142: {  	[tilespmem:v3+s10+$0x0] =	vst.idx.msk $0xffff, v4;
	v3 =	vmul.f32 v33, v9;
	v4 =	vld [tilespmem:$0x1FD50]  }
0x143: {  	[tilespmem:v6+s10+$0x0] =	vst.idx.msk $0xffff, v2;
	v2 =	vmul.f32 v33, v10  }
0x144: {  	[tilespmem:v34+s10+$0x0] =	vst.idx.msk $0xffff, v3  }
0x145: {  	[tilespmem:v5+s10+$0x0] =	vst.idx.msk $0xffff, v2;
	v5 =	vld [tilespmem:$0x1FD60]  }
0x146: {  	v7 =	vor.u32 v7, v1  }
0x147: {  	v4 =	vor.u32 v4, v1  }
0x148: {  	v6 =	vor.u32 v43, v1  }
0x149: {  	v9 =	vor.u32 v39, v1;
	v3 =	vmul.f32 v33, v11  }
0x14a: {  	v2 =	vmul.f32 v33, v12;
	v5 =	vor.u32 v5, v1  }
0x14b: {  	[tilespmem:v7+s10+$0x0] =	vst.idx.msk $0xffff, v3;
	v3 =	vmul.f32 v33, v13;
	v7 =	vld [tilespmem:$0x1FD70]  }
0x14c: {  	[tilespmem:v4+s10+$0x0] =	vst.idx.msk $0xffff, v2;
	v2 =	vmul.f32 v33, v14;
	v4 =	vld [tilespmem:$0x1FD80]  }
0x14d: {  	[tilespmem:v6+s10+$0x0] =	vst.idx.msk $0xffff, v3;
	v3 =	vmul.f32 v33, v15  }
0x14e: {  	[tilespmem:v9+s10+$0x0] =	vst.idx.msk $0xffff, v2;
	v9 =	vld [tilespmem:$0x1FD90]  }
0x14f: {  	[tilespmem:v5+s10+$0x0] =	vst.idx.msk $0xffff, v3;
	v5 =	vld [tilespmem:$0x1FDA0]  }
0x150: {  	v7 =	vor.u32 v7, v1  }
0x151: {  	v4 =	vor.u32 v4, v1  }
0x152: {  	v6 =	vor.u32 v0, v1  }
0x153: {  	v2 =	vmul.f32 v33, v16;
	v9 =	vor.u32 v9, v1  }
0x154: {  	v3 =	vmul.f32 v33, v17;
	v5 =	vor.u32 v5, v1  }
0x155: {  	[tilespmem:v7+s10+$0x0] =	vst.idx.msk $0xffff, v2;
	v2 =	vmul.f32 v33, v18;
	v7 =	vor.u32 v35, v1  }
0x156: {  	[tilespmem:v4+s10+$0x0] =	vst.idx.msk $0xffff, v3;
	v3 =	vmul.f32 v33, v19;
	v4 =	vor.u32 v36, v1  }
0x157: {  	[tilespmem:v6+s10+$0x0] =	vst.idx.msk $0xffff, v2;
	v2 =	vmul.f32 v33, v20;
	v6 =	vor.u32 v44, v1  }
0x158: {  	v0 =	vld [tilespmem:$0x1FE10];
	[tilespmem:v9+s10+$0x0] =	vst.idx.msk $0xffff, v3;
	v3 =	vmul.f32 v33, v21;
	v9 =	vor.u32 v56, v1  }
0x159: {  	[tilespmem:v5+s10+$0x0] =	vst.idx.msk $0xffff, v2;
	v2 =	vmul.f32 v33, v25  }
0x15a: {  	[tilespmem:v7+s10+$0x0] =	vst.idx.msk $0xffff, v3;
	v3 =	vmul.f32 v33, v23  }
0x15b: {  	[tilespmem:v4+s10+$0x0] =	vst.idx.msk $0xffff, v2;
	v2 =	vmul.f32 v33, v27  }
0x15c: {  	[tilespmem:v6+s10+$0x0] =	vst.idx.msk $0xffff, v3  }
0x15d: {  	v5 =	vor.u32 v55, v1;
	[tilespmem:v9+s10+$0x0] =	vst.idx.msk $0xffff, v2;
	v9 =	vor.u32 v0, v1;
	v0 =	vld [tilespmem:$0x1FDC0];
	_ =	sdelay $0x1  }
0x15e: {  	v7 =	vor.u32 v54, v1  }
0x15f: {  	v4 =	vmul.f32 v33, v26;
	v3 =	vor.u32 v53, v1  }
0x160: {  	v6 =	vmul.f32 v33, v28;
	v2 =	vor.u32 v57, v1  }
0x161: {  	[tilespmem:v5+s10+$0x0] =	vst.idx.msk $0xffff, v4;
	v4 =	vor.u32 v63, v1;
	v10 =	vor.u32 v0, v1;
	v0 =	vld [tilespmem:$0x1FEA0]  }
0x162: {  	s22 =	simm.s32 $0x1;
	v5 =	vmul.f32 v33, v29  }
0x163: {  	v57 =	vmov s22;
	[tilespmem:v7+s10+$0x0] =	vst.idx.msk $0xffff, v6;
	v6 =	vmul.f32 v33, v30  }
0x164: {  	v11 =	vmul.f32 v33, v31;
	v7 =	vshll.u32 v57, $0x5;
	[tilespmem:v3+s10+$0x0] =	vst.idx.msk $0xffff, v5  }
0x165: {  	v51 =	vmov v59;
	v59 =	vld [tilespmem:$0x1FF70];
	v7 =	vadd.s32 v41, v7;
	[tilespmem:v2+s10+$0x0] =	vst.idx.msk $0xffff, v6  }
0x166: {  	[tilespmem:v4+s10+$0x0] =	vst.idx.msk $0xffff, v11;
	v4 =	vor.u32 v0, v7;
	v0 =	vld [tilespmem:$0x1FEB0]  }
0x167: {  	v50 =	vmov v60;
	v60 =	vld [tilespmem:$0x1FF80]  }
0x168: {  	v48 =	vld [tilespmem:$0x1FC80]  }
0x169: {  	v45 =	vld [tilespmem:$0x1FFE0];
	v5 =	vmul.f32 v33, v24  }
0x16a: {  	v52 =	vmov v61;
	v61 =	vld [tilespmem:$0x1FF90]  }
0x16b: {  	[tilespmem:v9+s10+$0x0] =	vst.idx.msk $0xffff, v5;
	v5 =	vor.u32 v0, v7;
	v0 =	vld [tilespmem:$0x1FEC0]  }
0x16c: {  	v47 =	vld [tilespmem:$0x1FFD0]  }
0x16d: {  	v46 =	vld [tilespmem:$0x1FFF0]  }
0x16e: {  	v56 =	vld [tilespmem:$0x1FF30];
	v63 =	vmul.f32 v33, v8  }
0x16f: {  	v55 =	vmov v49;
	v49 =	vld [tilespmem:$0x1FF40]  }
0x170: {  	[tilespmem:v10+s10+$0x0] =	vst.idx.msk $0xffff, v63;
	v10 =	vor.u32 v0, v7;
	v0 =	vld [tilespmem:$0x1FED0]  }
0x171: {  	v54 =	vmov v62;
	v62 =	vld [tilespmem:$0x1FFA0];
	v2 =	vor.u32 v37, v1  }
0x172: {  	v53 =	vmov v58;
	v58 =	vld [tilespmem:$0x1FF60]  }
0x173: {  	v34 =	vor.u32 v38, v1;
	v1 =	vshll.u32 v57, $0x9;
	v57 =	vld [tilespmem:$0x1FF50]  }
0x174: {  	v3 =	vmul.f32 v33, v22;
	v6 =	vmul.f32 v33, v32;
	v63 =	vld [tilespmem:$0x1FFB0]  }
0x175: {  	s20 =	simm.s32 $0x2;
	v8 =	vor.u32 v42, v7;
	v11 =	vor.u32 v40, v7;
	v9 =	vor.u32 v0, v7;
	v0 =	vld [tilespmem:$0x1FFC0]  }
.LBB2_3:
0x176: {  	[tilespmem:v2+s10+$0x0] =	vst.idx.msk $0xffff, v6;
	v6 =	vld [tilespmem:$0x1FF20];
	_ =	sdelay $0x4  }
0x177: {  	[tilespmem:v34+s10+$0x0] =	vst.idx.msk $0xffff, v3;
	v34 =	vor.u32 v6, v7;
	v6 =	vld [tilespmem:$0x1FF10];
	_ =	sdelay $0x4  }
0x178: {  	v35 =	vor.u32 v6, v7;
	v6 =	vld.idx.msk [tilespmem:v10+s13+$0x0], $0xffff  }
0x179: {  	v10 =	vld [tilespmem:$0x1FE90]  }
0x17a: {  	v2 =	vld.idx.msk [tilespmem:v11+s13+$0x0], $0xffff  }
0x17b: {  	v11 =	vld [tilespmem:$0x1FCA0]  }
0x17c: {  	v12 =	vor.u32 v50, v7  }
0x17d: {  	v13 =	vor.u32 v51, v7;
	v14 =	vor.u32 v52, v7;
	v15 =	vor.u32 v53, v7;
	v3 =	vld.idx.msk [tilespmem:v8+s13+$0x0], $0xffff  }
0x17e: {  	v16 =	vor.u32 v54, v7;
	v17 =	vor.u32 v55, v7;
	v36 =	vor.u32 v10, v7;
	v10 =	vld [tilespmem:$0x1FC90]  }
0x17f: {  	v18 =	vor.u32 v56, v7;
	v19 =	vor.u32 v49, v7;
	v20 =	vor.u32 v57, v7;
	v4 =	vld.idx.msk [tilespmem:v4+s13+$0x0], $0xffff  }
0x180: {  	v21 =	vor.u32 v58, v7;
	v22 =	vor.u32 v59, v7;
	v32 =	vor.u32 v11, v7;
	v11 =	vld [tilespmem:$0x1FCB0]  }
0x181: {  	v23 =	vor.u32 v60, v7;
	v24 =	vor.u32 v61, v7;
	v25 =	vor.u32 v62, v7  }
0x182: {  	v26 =	vor.u32 v63, v7;
	v27 =	vor.u32 v48, v7;
	v28 =	vor.u32 v0, v7;
	v5 =	vld.idx.msk [tilespmem:v5+s13+$0x0], $0xffff  }
0x183: {  	v8 =	vmul.f32 v2, v2;
	v37 =	vor.u32 v10, v7;
	v10 =	vmul.f32 v3, v3  }
0x184: {  	v29 =	vor.u32 v47, v7;
	v30 =	vor.u32 v45, v7;
	v31 =	vor.u32 v46, v7  }
0x185: {  	v33 =	vor.u32 v11, v7;
	v11 =	vmul.f32 v4, v4;
	v7 =	vld.idx.msk [tilespmem:v9+s13+$0x0], $0xffff;
	v9 =	vadd.f32 v10, v8;
	_ =	sdelay $0x1  }
0x186: {  	v10 =	vmul.f32 v5, v5;
	v11 =	vadd.f32 v11, v9  }
0x187: {  	v8 =	vld.idx.msk [tilespmem:v12+s13+$0x0], $0xffff  }
0x188: {  	v39 =	vmul.f32 v6, v6;
	v11 =	vadd.f32 v10, v11  }
0x189: {  	v9 =	vld.idx.msk [tilespmem:v13+s13+$0x0], $0xffff  }
0x18a: {  	v40 =	vmul.f32 v7, v7;
	v12 =	vadd.f32 v39, v11  }
0x18b: {  	v10 =	vld.idx.msk [tilespmem:v14+s13+$0x0], $0xffff  }
0x18c: {  	v43 =	vmul.f32 v8, v8;
	v13 =	vadd.f32 v40, v12  }
0x18d: {  	v11 =	vld.idx.msk [tilespmem:v15+s13+$0x0], $0xffff  }
0x18e: {  	v44 =	vmul.f32 v9, v9;
	v14 =	vadd.f32 v43, v13  }
0x18f: {  	v12 =	vld.idx.msk [tilespmem:v16+s13+$0x0], $0xffff  }
0x190: {  	v38 =	vmul.f32 v10, v10;
	v15 =	vadd.f32 v44, v14  }
0x191: {  	v13 =	vld.idx.msk [tilespmem:v17+s13+$0x0], $0xffff  }
0x192: {  	v39 =	vmul.f32 v11, v11;
	v16 =	vadd.f32 v38, v15  }
0x193: {  	v14 =	vld.idx.msk [tilespmem:v18+s13+$0x0], $0xffff  }
0x194: {  	v40 =	vmul.f32 v12, v12;
	v17 =	vadd.f32 v39, v16  }
0x195: {  	v15 =	vld.idx.msk [tilespmem:v19+s13+$0x0], $0xffff  }
0x196: {  	v43 =	vmul.f32 v13, v13;
	v18 =	vadd.f32 v40, v17  }
0x197: {  	v16 =	vld.idx.msk [tilespmem:v20+s13+$0x0], $0xffff  }
0x198: {  	v44 =	vmul.f32 v14, v14;
	v19 =	vadd.f32 v43, v18  }
0x199: {  	v17 =	vld.idx.msk [tilespmem:v21+s13+$0x0], $0xffff  }
0x19a: {  	v38 =	vmul.f32 v15, v15;
	v20 =	vadd.f32 v44, v19  }
0x19b: {  	v18 =	vld.idx.msk [tilespmem:v22+s13+$0x0], $0xffff  }
0x19c: {  	v39 =	vmul.f32 v16, v16;
	v21 =	vadd.f32 v38, v20  }
0x19d: {  	v19 =	vld.idx.msk [tilespmem:v23+s13+$0x0], $0xffff  }
0x19e: {  	v40 =	vmul.f32 v17, v17;
	v22 =	vadd.f32 v39, v21  }
0x19f: {  	v20 =	vld.idx.msk [tilespmem:v24+s13+$0x0], $0xffff  }
0x1a0: {  	v43 =	vmul.f32 v18, v18;
	v23 =	vadd.f32 v40, v22  }
0x1a1: {  	v21 =	vld.idx.msk [tilespmem:v25+s13+$0x0], $0xffff  }
0x1a2: {  	v44 =	vmul.f32 v19, v19;
	v24 =	vadd.f32 v43, v23  }
0x1a3: {  	v22 =	vld.idx.msk [tilespmem:v26+s13+$0x0], $0xffff  }
0x1a4: {  	v38 =	vmul.f32 v20, v20;
	v25 =	vadd.f32 v44, v24  }
0x1a5: {  	v23 =	vld.idx.msk [tilespmem:v27+s13+$0x0], $0xffff  }
0x1a6: {  	v39 =	vmul.f32 v21, v21;
	v26 =	vadd.f32 v38, v25  }
0x1a7: {  	v24 =	vld.idx.msk [tilespmem:v28+s13+$0x0], $0xffff  }
0x1a8: {  	v40 =	vmul.f32 v22, v22;
	v27 =	vadd.f32 v39, v26  }
0x1a9: {  	v25 =	vld.idx.msk [tilespmem:v29+s13+$0x0], $0xffff  }
0x1aa: {  	v43 =	vmul.f32 v23, v23;
	v28 =	vadd.f32 v40, v27  }
0x1ab: {  	v26 =	vld.idx.msk [tilespmem:v30+s13+$0x0], $0xffff  }
0x1ac: {  	v44 =	vmul.f32 v24, v24;
	v28 =	vadd.f32 v43, v28  }
0x1ad: {  	v27 =	vld.idx.msk [tilespmem:v31+s13+$0x0], $0xffff  }
0x1ae: {  	v38 =	vmul.f32 v25, v25;
	v28 =	vadd.f32 v44, v28  }
0x1af: {  	v29 =	vld.idx.msk [tilespmem:v34+s13+$0x0], $0xffff  }
0x1b0: {  	v39 =	vmul.f32 v26, v26;
	v28 =	vadd.f32 v38, v28  }
0x1b1: {  	v30 =	vld.idx.msk [tilespmem:v35+s13+$0x0], $0xffff  }
0x1b2: {  	v40 =	vmul.f32 v27, v27;
	v34 =	vadd.f32 v39, v28  }
0x1b3: {  	v31 =	vld.idx.msk [tilespmem:v36+s13+$0x0], $0xffff  }
0x1b4: {  	v43 =	vmul.f32 v29, v29;
	v34 =	vadd.f32 v40, v34  }
0x1b5: {  	v28 =	vld.idx.msk [tilespmem:v37+s13+$0x0], $0xffff  }
0x1b6: {  	v44 =	vmul.f32 v30, v30;
	v34 =	vadd.f32 v43, v34  }
0x1b7: {  	v32 =	vld.idx.msk [tilespmem:v32+s13+$0x0], $0xffff  }
0x1b8: {  	v40 =	vmul.f32 v31, v31;
	v34 =	vadd.f32 v44, v34  }
0x1b9: {  	v33 =	vld.idx.msk [tilespmem:v33+s13+$0x0], $0xffff  }
0x1ba: {  	v43 =	vmul.f32 v28, v28;
	v34 =	vadd.f32 v40, v34;
	_ =	sdelay $0x1  }
0x1bb: {  	v44 =	vmul.f32 v32, v32;
	v34 =	vadd.f32 v43, v34;
	_ =	sdelay $0x1  }
0x1bc: {  	v39 =	vmul.f32 v33, v33;
	v34 =	vadd.f32 v44, v34;
	_ =	sdelay $0x1  }
0x1bd: {  	v34 =	vadd.f32 v39, v34;
	_ =	sdelay $0x1  }
0x1be: {  	v35 =	vshra.s32 v34, $0x1;
	v34 =	vmul.f32 $5.000000000e-01, v34  }
0x1bf: {  	v35 =	vsub.s32 $0x5F3759DF, v35  }
0x1c0: {  	v40 =	vmul.f32 v35, v34;
	_ =	sdelay $0x1  }
0x1c1: {  	v36 =	vmul.f32 v35, v40;
	_ =	sdelay $0x1  }
0x1c2: {  	v36 =	vsub.f32 $1.500000000e+00, v36;
	_ =	sdelay $0x1  }
0x1c3: {  	v35 =	vmul.f32 v35, v36;
	_ =	sdelay $0x1  }
0x1c4: {  	v36 =	vmul.f32 v35, v34;
	_ =	sdelay $0x1  }
0x1c5: {  	v36 =	vmul.f32 v36, v35;
	_ =	sdelay $0x1  }
0x1c6: {  	v36 =	vsub.f32 $1.500000000e+00, v36;
	_ =	sdelay $0x1  }
0x1c7: {  	v35 =	vmul.f32 v36, v35;
	_ =	sdelay $0x1  }
0x1c8: {  	v34 =	vmul.f32 v35, v34;
	_ =	sdelay $0x1  }
0x1c9: {  	v43 =	vld [tilespmem:$0x1FF00];
	v34 =	vmul.f32 v34, v35  }
0x1ca: {  	v40 =	vld [tilespmem:$0x1FCD0]  }
0x1cb: {  	v34 =	vsub.f32 $1.500000000e+00, v34  }
0x1cc: {  	v44 =	vld [tilespmem:$0x1FCC0]  }
0x1cd: {  	v35 =	vmul.f32 v34, v35  }
0x1ce: {  	v36 =	vor.u32 v43, v1;
	v43 =	vld [tilespmem:$0x1FCE0]  }
0x1cf: {  	v38 =	vor.u32 v40, v1;
	v40 =	vmul.f32 v35, v2;
	v2 =	vld [tilespmem:$0x1FCF0];
	_ =	sdelay $0x1  }
0x1d0: {  	v37 =	vor.u32 v44, v1;
	_ =	sdelay $0x1  }
0x1d1: {  	v44 =	vld [tilespmem:$0x1FEE0]  }
0x1d2: {  	v39 =	vor.u32 v43, v1;
	v43 =	vmovc v41;
	v3 =	vmul.f32 v35, v3;
	v41 =	vor.u32 v2, v1;
	v2 =	vld [tilespmem:$0x1FD00]  }
0x1d3: {  	v4 =	vmul.f32 v35, v4;
	[tilespmem:v36+s10+$0x0] =	vst.idx.msk $0xffff, v40;
	v36 =	vld [tilespmem:$0x1FD10]  }
0x1d4: {  	[tilespmem:v37+s10+$0x0] =	vst.idx.msk $0xffff, v3;
	v3 =	vmul.f32 v35, v6;
	v6 =	vld [tilespmem:$0x1FD20]  }
0x1d5: {  	[tilespmem:v38+s10+$0x0] =	vst.idx.msk $0xffff, v4;
	v4 =	vmul.f32 v35, v7;
	v7 =	vld [tilespmem:$0x1FD30];
	_ =	sdelay $0x1  }
0x1d6: {  	v34 =	vor.u32 v44, v1;
	v44 =	vmov v42;
	v42 =	vor.u32 v2, v1  }
0x1d7: {  	v5 =	vmul.f32 v35, v5;
	v36 =	vor.u32 v36, v1  }
0x1d8: {  	v6 =	vor.u32 v6, v1  }
0x1d9: {  	[tilespmem:v39+s10+$0x0] =	vst.idx.msk $0xffff, v5;
	v5 =	vmul.f32 v35, v8;
	v8 =	vld [tilespmem:$0x1FD40];
	v7 =	vor.u32 v7, v1  }
0x1da: {  	[tilespmem:v41+s10+$0x0] =	vst.idx.msk $0xffff, v3;
	v3 =	vmul.f32 v35, v9;
	v9 =	vld [tilespmem:$0x1FD50]  }
0x1db: {  	[tilespmem:v42+s10+$0x0] =	vst.idx.msk $0xffff, v4;
	v4 =	vmul.f32 v35, v10;
	v10 =	vld [tilespmem:$0x1FE40]  }
0x1dc: {  	[tilespmem:v36+s10+$0x0] =	vst.idx.msk $0xffff, v5;
	v5 =	vmul.f32 v35, v11;
	v11 =	vld [tilespmem:$0x1FE50]  }
0x1dd: {  	[tilespmem:v6+s10+$0x0] =	vst.idx.msk $0xffff, v3;
	v6 =	vld [tilespmem:$0x1FD60]  }
0x1de: {  	v8 =	vor.u32 v8, v1;
	[tilespmem:v7+s10+$0x0] =	vst.idx.msk $0xffff, v4;
	v7 =	vld [tilespmem:$0x1FD70]  }
0x1df: {  	v9 =	vor.u32 v9, v1  }
0x1e0: {  	v10 =	vor.u32 v10, v1  }
0x1e1: {  	v11 =	vor.u32 v11, v1  }
0x1e2: {  	v3 =	vmul.f32 v35, v12;
	v6 =	vor.u32 v6, v1  }
0x1e3: {  	v4 =	vmul.f32 v35, v13;
	[tilespmem:v8+s10+$0x0] =	vst.idx.msk $0xffff, v5;
	v8 =	vld [tilespmem:$0x1FD80];
	v7 =	vor.u32 v7, v1  }
0x1e4: {  	v5 =	vmul.f32 v35, v14;
	[tilespmem:v9+s10+$0x0] =	vst.idx.msk $0xffff, v3;
	v9 =	vld [tilespmem:$0x1FE30]  }
0x1e5: {  	v3 =	vmul.f32 v35, v15;
	[tilespmem:v10+s10+$0x0] =	vst.idx.msk $0xffff, v4;
	v10 =	vld [tilespmem:$0x1FD90]  }
0x1e6: {  	v4 =	vmul.f32 v35, v16;
	[tilespmem:v11+s10+$0x0] =	vst.idx.msk $0xffff, v5;
	v11 =	vld [tilespmem:$0x1FDA0]  }
0x1e7: {  	[tilespmem:v6+s10+$0x0] =	vst.idx.msk $0xffff, v3;
	v6 =	vld [tilespmem:$0x1FE60]  }
0x1e8: {  	v8 =	vor.u32 v8, v1;
	[tilespmem:v7+s10+$0x0] =	vst.idx.msk $0xffff, v4;
	v7 =	vld [tilespmem:$0x1FE70]  }
0x1e9: {  	v9 =	vor.u32 v9, v1  }
0x1ea: {  	v10 =	vor.u32 v10, v1  }
0x1eb: {  	v5 =	vmul.f32 v35, v17;
	v11 =	vor.u32 v11, v1  }
0x1ec: {  	v3 =	vmul.f32 v35, v18;
	v6 =	vor.u32 v6, v1  }
0x1ed: {  	v4 =	vmul.f32 v35, v19;
	[tilespmem:v8+s10+$0x0] =	vst.idx.msk $0xffff, v5;
	v8 =	vld [tilespmem:$0x1FE80];
	v7 =	vor.u32 v7, v1  }
0x1ee: {  	v5 =	vmul.f32 v35, v20;
	[tilespmem:v9+s10+$0x0] =	vst.idx.msk $0xffff, v3;
	v9 =	vld [tilespmem:$0x1FDD0]  }
0x1ef: {  	v3 =	vmul.f32 v35, v21;
	[tilespmem:v10+s10+$0x0] =	vst.idx.msk $0xffff, v4  }
0x1f0: {  	v4 =	vmul.f32 v35, v22;
	[tilespmem:v11+s10+$0x0] =	vst.idx.msk $0xffff, v5  }
0x1f1: {  	[tilespmem:v6+s10+$0x0] =	vst.idx.msk $0xffff, v3  }
0x1f2: {  	v8 =	vor.u32 v8, v1;
	[tilespmem:v7+s10+$0x0] =	vst.idx.msk $0xffff, v4;
	v7 =	vld [tilespmem:$0x1FE20]  }
0x1f3: {  	v9 =	vor.u32 v9, v1;
	v10 =	vld [tilespmem:$0x1FDF0]  }
0x1f4: {  	v11 =	vld [tilespmem:$0x1FDB0]  }
0x1f5: {  	v5 =	vmul.f32 v35, v23;
	v6 =	vld [tilespmem:$0x1FE00]  }
0x1f6: {  	v3 =	vmul.f32 v35, v24  }
0x1f7: {  	[tilespmem:v8+s10+$0x0] =	vst.idx.msk $0xffff, v5;
	v36 =	vor.u32 v7, v1;
	v7 =	vld [tilespmem:$0x1FDE0]  }
0x1f8: {  	v10 =	vor.u32 v10, v1;
	[tilespmem:v9+s10+$0x0] =	vst.idx.msk $0xffff, v3;
	v3 =	vld [tilespmem:$0x1FE10]  }
0x1f9: {  	v11 =	vor.u32 v11, v1  }
0x1fa: {  	v6 =	vor.u32 v6, v1  }
0x1fb: {  	v4 =	vmul.f32 v35, v25  }
0x1fc: {  	v5 =	vmul.f32 v35, v26;
	v37 =	vor.u32 v7, v1  }
0x1fd: {  	v9 =	vor.u32 v3, v1;
	[tilespmem:v10+s10+$0x0] =	vst.idx.msk $0xffff, v4;
	v7 =	vmul.f32 v35, v27  }
0x1fe: {  	v2 =	vld [tilespmem:$0x1FEF0];
	v4 =	vmul.f32 v35, v29;
	[tilespmem:v11+s10+$0x0] =	vst.idx.msk $0xffff, v5  }
0x1ff: {  	v3 =	vld [tilespmem:$0x1FDC0];
	v5 =	vmul.f32 v35, v30;
	[tilespmem:v6+s10+$0x0] =	vst.idx.msk $0xffff, v7  }
0x200: {  	v10 =	vmul.f32 v35, v31;
	[tilespmem:v36+s10+$0x0] =	vst.idx.msk $0xffff, v4  }
0x201: {  	[tilespmem:v37+s10+$0x0] =	vst.idx.msk $0xffff, v5  }
0x202: {  	[tilespmem:v9+s10+$0x0] =	vst.idx.msk $0xffff, v10;
	v9 =	vld [tilespmem:$0x1FEC0]  }
0x203: {  	s21 =	smov.u32 s20  }
0x204: {  	v2 =	vor.u32 v2, v1;
	v38 =	vor.u32 v3, v1;
	v1 =	vmov s21  }
0x205: {  	v8 =	vshll.u32 v1, $0x5;
	v4 =	vld [tilespmem:$0x1FEA0]  }
0x206: {  	v7 =	vadd.s32 v43, v8;
	v5 =	vld [tilespmem:$0x1FEB0]  }
0x207: {  	p0 =	sne.s32 s20, $0x31;
	v10 =	vor.u32 v9, v7;
	v9 =	vld [tilespmem:$0x1FED0]  }
.Ltmp0:
0x208: {  	_ = 	snop;
	(pc) =	sbr.rel @p0 .LBB2_3-.Ltmp0, $4  }
0x209: {  	v39 =	vmul.f32 v35, v28  }
0x20a: {  	v40 =	vlaneseq.u32;
	v41 =	vmovc v43;
	v3 =	vmul.f32 v35, v33;
	v6 =	vmul.f32 v35, v32  }
0x20b: {  	v1 =	vshll.u32 v1, $0x9;
	v11 =	vor.u32 v40, v7;
	v8 =	vor.u32 v44, v7;
	[tilespmem:v38+s10+$0x0] =	vst.idx.msk $0xffff, v39  }
0x20c: {  	s20 =	sadd.s32 $0x1, s20;
	v42 =	vmovc v44;
	v4 =	vor.u32 v4, v7;
	v5 =	vor.u32 v5, v7;
	v9 =	vor.u32 v9, v7  }
0x20d: {  	_ =	sdelay $0x3  }
0x20e: {  	[tilespmem:v2+s10+$0x0] =	vst.idx.msk $0xffff, v6  }
0x20f: {  	[tilespmem:v34+s10+$0x0] =	vst.idx.msk $0xffff, v3  }
0x210: {  	v6 =	vld.idx.msk [tilespmem:v11+s13+$0x0], $0xffff  }
0x211: {  	v8 =	vld.idx.msk [tilespmem:v8+s13+$0x0], $0xffff;
	_ =	sdelay $0x1  }
0x212: {  	v4 =	vld.idx.msk [tilespmem:v4+s13+$0x0], $0xffff;
	_ =	sdelay $0x1  }
0x213: {  	v2 =	vld.idx.msk [tilespmem:v5+s13+$0x0], $0xffff  }
0x214: {  	v11 =	vor.u32 v50, v7;
	v5 =	vmul.f32 v6, v6;
	v12 =	vmul.f32 v8, v8  }
0x215: {  	v3 =	vld.idx.msk [tilespmem:v10+s13+$0x0], $0xffff  }
0x216: {  	v10 =	vor.u32 v51, v7;
	v13 =	vmul.f32 v4, v4;
	v12 =	vadd.f32 v12, v5  }
0x217: {  	v16 =	vld.idx.msk [tilespmem:v9+s13+$0x0], $0xffff  }
0x218: {  	v14 =	vor.u32 v52, v7;
	v15 =	vmul.f32 v2, v2;
	v12 =	vadd.f32 v13, v12  }
0x219: {  	v9 =	vld.idx.msk [tilespmem:v11+s13+$0x0], $0xffff  }
0x21a: {  	v24 =	vor.u32 v53, v7;
	v11 =	vmul.f32 v3, v3;
	v12 =	vadd.f32 v15, v12  }
0x21b: {  	v10 =	vld.idx.msk [tilespmem:v10+s13+$0x0], $0xffff  }
0x21c: {  	v25 =	vor.u32 v54, v7;
	[tilespmem:$0x1FC00] =	vst v16;
	v16 =	vmul.f32 v16, v16;
	v12 =	vadd.f32 v11, v12  }
0x21d: {  	v11 =	vld.idx.msk [tilespmem:v14+s13+$0x0], $0xffff  }
0x21e: {  	v26 =	vor.u32 v55, v7;
	v17 =	vmul.f32 v9, v9;
	v16 =	vadd.f32 v16, v12  }
0x21f: {  	v12 =	vld.idx.msk [tilespmem:v24+s13+$0x0], $0xffff  }
0x220: {  	v18 =	vor.u32 v56, v7;
	v19 =	vmul.f32 v10, v10;
	v16 =	vadd.f32 v17, v16  }
0x221: {  	v13 =	vld.idx.msk [tilespmem:v25+s13+$0x0], $0xffff  }
0x222: {  	v27 =	vor.u32 v49, v7;
	v28 =	vmul.f32 v11, v11;
	v16 =	vadd.f32 v19, v16  }
0x223: {  	v14 =	vld.idx.msk [tilespmem:v26+s13+$0x0], $0xffff  }
0x224: {  	v29 =	vor.u32 v57, v7;
	v20 =	vmul.f32 v12, v12;
	v16 =	vadd.f32 v28, v16  }
0x225: {  	v15 =	vld.idx.msk [tilespmem:v18+s13+$0x0], $0xffff  }
0x226: {  	v30 =	vor.u32 v58, v7;
	v21 =	vmul.f32 v13, v13;
	v20 =	vadd.f32 v20, v16  }
0x227: {  	v16 =	vld.idx.msk [tilespmem:v27+s13+$0x0], $0xffff  }
0x228: {  	v22 =	vor.u32 v59, v7;
	v23 =	vmul.f32 v14, v14;
	v20 =	vadd.f32 v21, v20  }
0x229: {  	v17 =	vld.idx.msk [tilespmem:v29+s13+$0x0], $0xffff  }
0x22a: {  	v31 =	vor.u32 v60, v7;
	v32 =	vmul.f32 v15, v15;
	v20 =	vadd.f32 v23, v20  }
0x22b: {  	v18 =	vld.idx.msk [tilespmem:v30+s13+$0x0], $0xffff  }
0x22c: {  	v33 =	vor.u32 v61, v7;
	v24 =	vmul.f32 v16, v16;
	v20 =	vadd.f32 v32, v20  }
0x22d: {  	v34 =	vor.u32 v62, v7;
	v19 =	vld.idx.msk [tilespmem:v22+s13+$0x0], $0xffff  }
0x22e: {  	v37 =	vor.u32 v0, v7;
	v5 =	vld [tilespmem:$0x1FF20];
	v25 =	vmul.f32 v17, v17;
	v24 =	vadd.f32 v24, v20  }
0x22f: {  	v20 =	vld.idx.msk [tilespmem:v31+s13+$0x0], $0xffff  }
0x230: {  	v35 =	vor.u32 v63, v7;
	v26 =	vmul.f32 v18, v18;
	v24 =	vadd.f32 v25, v24  }
0x231: {  	v23 =	vld.idx.msk [tilespmem:v33+s13+$0x0], $0xffff  }
0x232: {  	v36 =	vor.u32 v48, v7;
	v22 =	vld.idx.msk [tilespmem:v34+s13+$0x0], $0xffff;
	v27 =	vmul.f32 v19, v19;
	v24 =	vadd.f32 v26, v24  }
0x233: {  	v38 =	vor.u32 v47, v7;
	v26 =	vld.idx.msk [tilespmem:v37+s13+$0x0], $0xffff  }
0x234: {  	v37 =	vor.u32 v5, v7;
	v5 =	vld [tilespmem:$0x1FF10];
	v28 =	vmul.f32 v20, v20;
	v24 =	vadd.f32 v27, v24  }
0x235: {  	v21 =	vld.idx.msk [tilespmem:v35+s13+$0x0], $0xffff  }
0x236: {  	v29 =	vmul.f32 v23, v23;
	v24 =	vadd.f32 v28, v24  }
0x237: {  	v25 =	vld.idx.msk [tilespmem:v36+s13+$0x0], $0xffff  }
0x238: {  	v30 =	vmul.f32 v22, v22;
	v27 =	vld.idx.msk [tilespmem:v38+s13+$0x0], $0xffff;
	v24 =	vadd.f32 v29, v24  }
0x239: {  	v38 =	vor.u32 v5, v7;
	v5 =	vld [tilespmem:$0x1FE90]  }
0x23a: {  	v31 =	vmul.f32 v21, v21;
	v24 =	vadd.f32 v30, v24;
	_ =	sdelay $0x1  }
0x23b: {  	v32 =	vmul.f32 v25, v25;
	v24 =	vadd.f32 v31, v24;
	_ =	sdelay $0x1  }
0x23c: {  	v24 =	vadd.f32 v32, v24;
	v32 =	vor.u32 v5, v7;
	v5 =	vld [tilespmem:$0x1FC90]  }
0x23d: {  	v39 =	vor.u32 v45, v7;
	_ =	sdelay $0x1  }
0x23e: {  	v36 =	vor.u32 v46, v7;
	v33 =	vmul.f32 v26, v26;
	_ =	sdelay $0x1  }
0x23f: {  	v24 =	vadd.f32 v33, v24;
	v33 =	vor.u32 v5, v7;
	v5 =	vld [tilespmem:$0x1FCA0]  }
0x240: {  	v28 =	vld.idx.msk [tilespmem:v39+s13+$0x0], $0xffff;
	_ =	sdelay $0x1  }
0x241: {  	v29 =	vld.idx.msk [tilespmem:v36+s13+$0x0], $0xffff  }
0x242: {  	v39 =	vmul.f32 v27, v27;
	v30 =	vld.idx.msk [tilespmem:v37+s13+$0x0], $0xffff  }
0x243: {  	v34 =	vor.u32 v5, v7;
	v5 =	vld [tilespmem:$0x1FCB0]  }
0x244: {  	v35 =	vmul.f32 v28, v28;
	v24 =	vadd.f32 v39, v24  }
0x245: {  	v31 =	vld.idx.msk [tilespmem:v38+s13+$0x0], $0xffff  }
0x246: {  	v36 =	vmul.f32 v29, v29;
	v24 =	vadd.f32 v35, v24  }
0x247: {  	v32 =	vld.idx.msk [tilespmem:v32+s13+$0x0], $0xffff  }
0x248: {  	v35 =	vmul.f32 v30, v30;
	v24 =	vadd.f32 v36, v24;
	v7 =	vor.u32 v5, v7  }
0x249: {  	v33 =	vld.idx.msk [tilespmem:v33+s13+$0x0], $0xffff  }
0x24a: {  	v36 =	vmul.f32 v31, v31;
	v24 =	vadd.f32 v35, v24  }
0x24b: {  	v34 =	vld.idx.msk [tilespmem:v34+s13+$0x0], $0xffff  }
0x24c: {  	v35 =	vmul.f32 v32, v32;
	v24 =	vadd.f32 v36, v24  }
0x24d: {  	v7 =	vld.idx.msk [tilespmem:v7+s13+$0x0], $0xffff  }
0x24e: {  	v24 =	vadd.f32 v35, v24;
	v36 =	vmul.f32 v33, v33;
	_ =	sdelay $0x1  }
0x24f: {  	v24 =	vadd.f32 v36, v24;
	v35 =	vmul.f32 v34, v34;
	_ =	sdelay $0x1  }
0x250: {  	v24 =	vadd.f32 v35, v24;
	v36 =	vmul.f32 v7, v7;
	_ =	sdelay $0x1  }
0x251: {  	v24 =	vadd.f32 v36, v24;
	_ =	sdelay $0x1  }
0x252: {  	v36 =	vshra.s32 v24, $0x1;
	v24 =	vmul.f32 $5.000000000e-01, v24  }
0x253: {  	v35 =	vsub.s32 $0x5F3759DF, v36  }
0x254: {  	v36 =	vmul.f32 v35, v24;
	_ =	sdelay $0x1  }
0x255: {  	v36 =	vmul.f32 v35, v36;
	_ =	sdelay $0x1  }
0x256: {  	v36 =	vsub.f32 $1.500000000e+00, v36;
	_ =	sdelay $0x1  }
0x257: {  	v35 =	vmul.f32 v35, v36;
	_ =	sdelay $0x1  }
0x258: {  	v36 =	vmul.f32 v35, v24  }
0x259: {  	v5 =	vld [tilespmem:$0x1FF00]  }
0x25a: {  	v36 =	vmul.f32 v36, v35;
	_ =	sdelay $0x1  }
0x25b: {  	v36 =	vsub.f32 $1.500000000e+00, v36;
	_ =	sdelay $0x1  }
0x25c: {  	v35 =	vmul.f32 v36, v35;
	v36 =	vor.u32 v5, v1;
	v5 =	vld [tilespmem:$0x1FCC0];
	_ =	sdelay $0x3  }
0x25d: {  	v24 =	vmul.f32 v35, v24  }
0x25e: {  	v37 =	vor.u32 v5, v1;
	v5 =	vld [tilespmem:$0x1FCD0]  }
0x25f: {  	v24 =	vmul.f32 v24, v35;
	_ =	sdelay $0x1  }
0x260: {  	v24 =	vsub.f32 $1.500000000e+00, v24;
	_ =	sdelay $0x1  }
0x261: {  	v24 =	vmul.f32 v24, v35;
	v35 =	vor.u32 v5, v1;
	v5 =	vld [tilespmem:$0x1FCE0];
	_ =	sdelay $0x4  }
0x262: {  	v38 =	vor.u32 v5, v1;
	v5 =	vld [tilespmem:$0x1FCF0];
	_ =	sdelay $0x4  }
0x263: {  	v39 =	vor.u32 v5, v1;
	v5 =	vld [tilespmem:$0x1FD00];
	_ =	sdelay $0x2  }
0x264: {  	v6 =	vmul.f32 v24, v6;
	_ =	sdelay $0x1  }
0x265: {  	[tilespmem:v36+s10+$0x0] =	vst.idx.msk $0xffff, v6;
	v6 =	vor.u32 v5, v1;
	v5 =	vmul.f32 v24, v2;
	v2 =	vld [tilespmem:$0x1FD10];
	_ =	sdelay $0x4  }
0x266: {  	v36 =	vor.u32 v2, v1;
	v2 =	vld [tilespmem:$0x1FD20];
	_ =	sdelay $0x2  }
0x267: {  	v8 =	vmul.f32 v24, v8;
	_ =	sdelay $0x1  }
0x268: {  	[tilespmem:v37+s10+$0x0] =	vst.idx.msk $0xffff, v8;
	v8 =	vor.u32 v2, v1;
	v2 =	vld [tilespmem:$0x1FC00]  }
0x269: {  	v4 =	vmul.f32 v24, v4;
	_ =	sdelay $0x1  }
0x26a: {  	[tilespmem:v35+s10+$0x0] =	vst.idx.msk $0xffff, v4  }
0x26b: {  	[tilespmem:v38+s10+$0x0] =	vst.idx.msk $0xffff, v5;
	v5 =	vld [tilespmem:$0x1FD40]  }
0x26c: {  	v4 =	vmul.f32 v24, v2;
	v2 =	vld [tilespmem:$0x1FD30];
	_ =	sdelay $0x4  }
0x26d: {  	v37 =	vor.u32 v2, v1;
	v2 =	vmul.f32 v24, v9;
	v9 =	vor.u32 v5, v1;
	v5 =	vld [tilespmem:$0x1FD50];
	_ =	sdelay $0x2  }
0x26e: {  	v3 =	vmul.f32 v24, v3;
	_ =	sdelay $0x1  }
0x26f: {  	[tilespmem:v39+s10+$0x0] =	vst.idx.msk $0xffff, v3;
	v3 =	vmul.f32 v24, v10;
	v10 =	vor.u32 v5, v1;
	v5 =	vld [tilespmem:$0x1FE40];
	_ =	sdelay $0x4  }
0x270: {  	[tilespmem:v6+s10+$0x0] =	vst.idx.msk $0xffff, v4;
	v6 =	vor.u32 v5, v1;
	v5 =	vld [tilespmem:$0x1FE50];
	_ =	sdelay $0x4  }
0x271: {  	v4 =	vmul.f32 v24, v11;
	v11 =	vor.u32 v5, v1;
	v5 =	vld [tilespmem:$0x1FD60];
	_ =	sdelay $0x2  }
0x272: {  	[tilespmem:v36+s10+$0x0] =	vst.idx.msk $0xffff, v2  }
0x273: {  	v2 =	vmul.f32 v24, v12;
	[tilespmem:v8+s10+$0x0] =	vst.idx.msk $0xffff, v3  }
0x274: {  	v3 =	vmul.f32 v24, v13;
	[tilespmem:v37+s10+$0x0] =	vst.idx.msk $0xffff, v4;
	v8 =	vor.u32 v5, v1;
	v5 =	vld [tilespmem:$0x1FD70]  }
0x275: {  	v4 =	vmul.f32 v24, v14;
	[tilespmem:v9+s10+$0x0] =	vst.idx.msk $0xffff, v2;
	v9 =	vld [tilespmem:$0x1FD80]  }
0x276: {  	v2 =	vmul.f32 v24, v15;
	[tilespmem:v10+s10+$0x0] =	vst.idx.msk $0xffff, v3;
	v10 =	vld [tilespmem:$0x1FE30]  }
0x277: {  	v3 =	vmul.f32 v24, v16;
	[tilespmem:v6+s10+$0x0] =	vst.idx.msk $0xffff, v4;
	v6 =	vld [tilespmem:$0x1FD90]  }
0x278: {  	[tilespmem:v11+s10+$0x0] =	vst.idx.msk $0xffff, v2;
	v11 =	vld [tilespmem:$0x1FDA0]  }
0x279: {  	v5 =	vor.u32 v5, v1;
	[tilespmem:v8+s10+$0x0] =	vst.idx.msk $0xffff, v3;
	v8 =	vld [tilespmem:$0x1FE60]  }
0x27a: {  	v9 =	vor.u32 v9, v1  }
0x27b: {  	v10 =	vor.u32 v10, v1  }
0x27c: {  	v4 =	vmul.f32 v24, v17;
	v6 =	vor.u32 v6, v1  }
0x27d: {  	v2 =	vmul.f32 v24, v18;
	v11 =	vor.u32 v11, v1  }
0x27e: {  	v3 =	vmul.f32 v24, v19;
	v8 =	vor.u32 v8, v1;
	[tilespmem:v5+s10+$0x0] =	vst.idx.msk $0xffff, v4;
	v5 =	vld [tilespmem:$0x1FE70]  }
0x27f: {  	v4 =	vmul.f32 v24, v20;
	[tilespmem:v9+s10+$0x0] =	vst.idx.msk $0xffff, v2;
	v9 =	vld [tilespmem:$0x1FE80]  }
0x280: {  	v2 =	vmul.f32 v24, v23;
	[tilespmem:v10+s10+$0x0] =	vst.idx.msk $0xffff, v3;
	v10 =	vld [tilespmem:$0x1FDD0]  }
0x281: {  	v3 =	vmul.f32 v24, v22;
	[tilespmem:v6+s10+$0x0] =	vst.idx.msk $0xffff, v4;
	v6 =	vld [tilespmem:$0x1FDF0]  }
0x282: {  	[tilespmem:v11+s10+$0x0] =	vst.idx.msk $0xffff, v2;
	v11 =	vld [tilespmem:$0x1FDB0]  }
0x283: {  	v5 =	vor.u32 v5, v1;
	[tilespmem:v8+s10+$0x0] =	vst.idx.msk $0xffff, v3;
	v8 =	vld [tilespmem:$0x1FE00]  }
0x284: {  	v9 =	vor.u32 v9, v1  }
0x285: {  	v10 =	vor.u32 v10, v1  }
0x286: {  	v4 =	vmul.f32 v24, v21;
	v6 =	vor.u32 v6, v1  }
0x287: {  	v2 =	vmul.f32 v24, v25;
	v11 =	vor.u32 v11, v1  }
0x288: {  	v3 =	vmul.f32 v24, v26;
	v8 =	vor.u32 v8, v1;
	[tilespmem:v5+s10+$0x0] =	vst.idx.msk $0xffff, v4;
	v5 =	vld [tilespmem:$0x1FE20]  }
0x289: {  	v4 =	vmul.f32 v24, v27;
	[tilespmem:v9+s10+$0x0] =	vst.idx.msk $0xffff, v2;
	v9 =	vld [tilespmem:$0x1FDE0]  }
0x28a: {  	v2 =	vmul.f32 v24, v28;
	[tilespmem:v10+s10+$0x0] =	vst.idx.msk $0xffff, v3;
	v10 =	vld [tilespmem:$0x1FE10]  }
0x28b: {  	v3 =	vmul.f32 v24, v29;
	[tilespmem:v6+s10+$0x0] =	vst.idx.msk $0xffff, v4;
	v6 =	vld [tilespmem:$0x1FDC0]  }
0x28c: {  	[tilespmem:v11+s10+$0x0] =	vst.idx.msk $0xffff, v2;
	v2 =	vld [tilespmem:$0x1FEF0]  }
0x28d: {  	v5 =	vor.u32 v5, v1;
	[tilespmem:v8+s10+$0x0] =	vst.idx.msk $0xffff, v3;
	v3 =	vld [tilespmem:$0x1FEE0]  }
0x28e: {  	v9 =	vor.u32 v9, v1  }
0x28f: {  	v10 =	vor.u32 v10, v1  }
0x290: {  	v4 =	vmul.f32 v24, v30;
	v6 =	vor.u32 v6, v1  }
0x291: {  	v11 =	vmul.f32 v24, v31;
	v2 =	vor.u32 v2, v1  }
0x292: {  	v1 =	vor.u32 v3, v1;
	v3 =	vmul.f32 v24, v32;
	[tilespmem:v5+s10+$0x0] =	vst.idx.msk $0xffff, v4  }
0x293: {  	v4 =	vmul.f32 v24, v33;
	[tilespmem:v9+s10+$0x0] =	vst.idx.msk $0xffff, v11  }
0x294: {  	s20 =	sshll.u32 s18, $0x5;
	v5 =	vmul.f32 v24, v34;
	[tilespmem:v10+s10+$0x0] =	vst.idx.msk $0xffff, v3  }
0x295: {  	s20 =	sadd.s32 s7, s20;
	v3 =	vmul.f32 v24, v7;
	[tilespmem:v6+s10+$0x0] =	vst.idx.msk $0xffff, v4  }
0x296: {  	p0 =	seq.s32 s18, $0xF;
	s20 =	sshrl.u32 s20, $0x3;
	[tilespmem:v2+s10+$0x0] =	vst.idx.msk $0xffff, v5  }
0x297: {  	s21 =	smul.u32 @!p0 $0x14, s18;
	s20 =	sadd.s32 s5, s20;
	[tilespmem:v1+s10+$0x0] =	vst.idx.msk $0xffff, v3  }
0x298: {  	[hbm4b:s20+s14] =	stream.strided.scatter [tilespmem:s10], [sflag:$0x3], $0x6400, s15, s14, $0x38;
	[tilespmem:$0x19640] =	vst v63  }
0x299: {  	s21 =	sadd.s32 @!p0 s21, s9;
	s20 =	simm.s32 @!p0 $0x3  }
0x29a: {  	s21 =	smul.u32 @!p0 $0xA, s21;
	_ =	swait.ge @!p0 [sflag:s20], $0x6400  }
0x29b: {  	[sflag:s20] =	ssyncset.done @!p0 $0x0  }
0x29c: {  	[sflag:s20] =	ssyncadd.s32 @!p0 $0xFFFF9C00;
	s20 =	sadd.s32 @!p0 s1, s21;
	s21 =	simm.s32 @!p0 $0x0  }
0x29d: {  	[tilespmem:s21], [sflag:$0x5] =	stream.linear.gather @!p0 [hbm4b:s20+s21], $0x320, $0x38;
	[tilespmem:$0x19640] =	vst v63  }
0x29e: {  	s20 =	simm.s32 @!p0 $0x5  }
0x29f: {  	_ =	swait.ge @!p0 [sflag:s20], $0x320  }
0x2a0: {  	[sflag:s20] =	ssyncset.done @!p0 $0x0  }
0x2a1: {  	s22 =	simm.s32 @!p0 $0x640;
	[sflag:s20] =	ssyncadd.s32 @!p0 $0xFFFFFCE0;
	s20 =	simm.s32 @!p0 $0x50  }
0x2a2: {  	[tilespmem:s22], [sflag:$0x1] =	stream.indirect.gather @!p0 [hbm4b:s4+s20], $0x20, s21, s20, $0xb8;
	[tilespmem:$0x19640] =	vst v63  }
0x2a3: {  	s21 =	simm.s32 @!p0 $0x1040  }
0x2a4: {  	[tilespmem:s21], [sflag:$0x1] =	stream.indirect.gather @!p0 [hbm4b:s4+s20], $0x20, s20, s20, $0xb8;
	[tilespmem:$0x19640] =	vst v63  }
0x2a5: {  	s22 =	simm.s32 @!p0 $0x1A40;
	s21 =	simm.s32 @!p0 $0xA0  }
0x2a6: {  	[tilespmem:s22], [sflag:$0x1] =	stream.indirect.gather @!p0 [hbm4b:s4+s20], $0x20, s21, s20, $0xb8;
	[tilespmem:$0x19640] =	vst v63  }
0x2a7: {  	s21 =	simm.s32 @!p0 $0xF0;
	s22 =	simm.s32 @!p0 $0x2440  }
0x2a8: {  	[tilespmem:s22], [sflag:$0x1] =	stream.indirect.gather @!p0 [hbm4b:s4+s20], $0x20, s21, s20, $0xb8;
	[tilespmem:$0x19640] =	vst v63  }
0x2a9: {  	s21 =	simm.s32 @!p0 $0x140;
	s22 =	simm.s32 @!p0 $0x2E40  }
0x2aa: {  	[tilespmem:s22], [sflag:$0x1] =	stream.indirect.gather @!p0 [hbm4b:s4+s20], $0x20, s21, s20, $0xb8;
	[tilespmem:$0x19640] =	vst v63  }
0x2ab: {  	s21 =	simm.s32 @!p0 $0x190;
	s22 =	simm.s32 @!p0 $0x3840  }
0x2ac: {  	[tilespmem:s22], [sflag:$0x1] =	stream.indirect.gather @!p0 [hbm4b:s4+s20], $0x20, s21, s20, $0xb8;
	[tilespmem:$0x19640] =	vst v63  }
0x2ad: {  	s21 =	simm.s32 @!p0 $0x1E0;
	s22 =	simm.s32 @!p0 $0x4240  }
0x2ae: {  	[tilespmem:s22], [sflag:$0x1] =	stream.indirect.gather @!p0 [hbm4b:s4+s20], $0x20, s21, s20, $0xb8;
	[tilespmem:$0x19640] =	vst v63  }
0x2af: {  	s21 =	simm.s32 @!p0 $0x230;
	s22 =	simm.s32 @!p0 $0x4C40  }
0x2b0: {  	[tilespmem:s22], [sflag:$0x1] =	stream.indirect.gather @!p0 [hbm4b:s4+s20], $0x20, s21, s20, $0xb8;
	[tilespmem:$0x19640] =	vst v63  }
0x2b1: {  	s21 =	simm.s32 @!p0 $0x280;
	s22 =	simm.s32 @!p0 $0x5640  }
0x2b2: {  	[tilespmem:s22], [sflag:$0x1] =	stream.indirect.gather @!p0 [hbm4b:s4+s20], $0x20, s21, s20, $0xb8;
	[tilespmem:$0x19640] =	vst v63  }
0x2b3: {  	s21 =	simm.s32 @!p0 $0x2D0;
	s22 =	simm.s32 @!p0 $0x6040  }
0x2b4: {  	[tilespmem:s22], [sflag:$0x1] =	stream.indirect.gather @!p0 [hbm4b:s4+s20], $0x20, s21, s20, $0xb8;
	[tilespmem:$0x19640] =	vst v63  }
0x2b5: {  	_ =	swait.ge [sflag:s16], $0xA00  }
0x2b6: {  	[sflag:s16] =	ssyncset.done $0x0  }
0x2b7: {  	[sflag:s16] =	ssyncadd.s32 $0xFFFFF600  }
0x2b8: {  	_ =	swait.ge [sflag:s16], $0xA00  }
0x2b9: {  	[sflag:s16] =	ssyncset.done $0x0  }
0x2ba: {  	[sflag:s16] =	ssyncadd.s32 $0xFFFFF600  }
0x2bb: {  	_ =	swait.ge [sflag:s16], $0xA00  }
0x2bc: {  	[sflag:s16] =	ssyncset.done $0x0  }
0x2bd: {  	[sflag:s16] =	ssyncadd.s32 $0xFFFFF600  }
0x2be: {  	_ =	swait.ge [sflag:s16], $0xA00  }
0x2bf: {  	[sflag:s16] =	ssyncset.done $0x0  }
0x2c0: {  	[sflag:s16] =	ssyncadd.s32 $0xFFFFF600  }
0x2c1: {  	_ =	swait.ge [sflag:s16], $0xA00  }
0x2c2: {  	[sflag:s16] =	ssyncset.done $0x0  }
0x2c3: {  	[sflag:s16] =	ssyncadd.s32 $0xFFFFF600  }
0x2c4: {  	_ =	swait.ge [sflag:s16], $0xA00  }
0x2c5: {  	[sflag:s16] =	ssyncset.done $0x0  }
0x2c6: {  	[sflag:s16] =	ssyncadd.s32 $0xFFFFF600  }
0x2c7: {  	_ =	swait.ge [sflag:s16], $0xA00  }
0x2c8: {  	[sflag:s16] =	ssyncset.done $0x0  }
0x2c9: {  	[sflag:s16] =	ssyncadd.s32 $0xFFFFF600  }
0x2ca: {  	_ =	swait.ge [sflag:s16], $0xA00  }
0x2cb: {  	[sflag:s16] =	ssyncset.done $0x0  }
0x2cc: {  	[sflag:s16] =	ssyncadd.s32 $0xFFFFF600  }
0x2cd: {  	_ =	swait.ge [sflag:s16], $0xA00  }
0x2ce: {  	s21 =	simm.s32 $0x0;
	[sflag:s16] =	ssyncset.done $0x0  }
0x2cf: {  	v1 =	vmov s21;
	[sflag:s16] =	ssyncadd.s32 $0xFFFFF600  }
0x2d0: {  	v2 =	vshll.u32 v1, $0x5;
	_ =	swait.ge [sflag:s16], $0xA00  }
0x2d1: {  	v22 =	vadd.s32 v41, v2;
	v4 =	vld [tilespmem:$0x1FEA0]  }
0x2d2: {  	v2 =	vor.u32 v40, v22;
	v5 =	vld [tilespmem:$0x1FEB0];
	_ =	sdelay $0x2  }
0x2d3: {  	[sflag:s16] =	ssyncset.done $0x0  }
0x2d4: {  	v3 =	vor.u32 v42, v22;
	[sflag:s16] =	ssyncadd.s32 $0xFFFFF600  }
0x2d5: {  	v4 =	vor.u32 v4, v22;
	v7 =	vor.u32 v5, v22;
	v5 =	vld.idx.msk [tilespmem:v2+s2+$0x0], $0xffff  }
0x2d6: {  	v2 =	vld [tilespmem:$0x1FEC0];
	_ =	sdelay $0x2  }
0x2d7: {  	v6 =	vld.idx.msk [tilespmem:v3+s2+$0x0], $0xffff  }
0x2d8: {  	v3 =	vld.idx.msk [tilespmem:v4+s2+$0x0], $0xffff  }
0x2d9: {  	v8 =	vor.u32 v2, v22;
	v4 =	vld [tilespmem:$0x1FC20]  }
0x2da: {  	v2 =	vld [tilespmem:$0x1FED0];
	_ =	sdelay $0x3  }
0x2db: {  	v10 =	vor.u32 v4, v22;
	v4 =	vld.idx.msk [tilespmem:v8+s2+$0x0], $0xffff  }
0x2dc: {  	v9 =	vor.u32 v2, v22;
	v8 =	vld [tilespmem:$0x1FC30];
	_ =	sdelay $0x2  }
0x2dd: {  	v11 =	vmul.f32 v6, v6;
	v2 =	vld.idx.msk [tilespmem:v7+s2+$0x0], $0xffff;
	v7 =	vmul.f32 v5, v5;
	_ =	sdelay $0x1  }
0x2de: {  	v11 =	vadd.f32 v11, v7;
	v37 =	vor.u32 v8, v22;
	v8 =	vmul.f32 v3, v3;
	v7 =	vld.idx.msk [tilespmem:v9+s2+$0x0], $0xffff  }
0x2df: {  	v9 =	vld [tilespmem:$0x1FC40]  }
0x2e0: {  	v11 =	vadd.f32 v8, v11;
	v8 =	vld.idx.msk [tilespmem:v10+s2+$0x0], $0xffff  }
0x2e1: {  	v10 =	vld [tilespmem:$0x1FC50]  }
0x2e2: {  	v19 =	vld [tilespmem:$0x1FC60]  }
0x2e3: {  	v21 =	vld [tilespmem:$0x1FC70]  }
0x2e4: {  	v24 =	vld [tilespmem:$0x1FF30];
	v38 =	vor.u32 v9, v22;
	v9 =	vmul.f32 v2, v2  }
0x2e5: {  	v26 =	vld [tilespmem:$0x1FF40]  }
0x2e6: {  	v28 =	vld [tilespmem:$0x1FF50];
	v39 =	vor.u32 v10, v22;
	v10 =	vmul.f32 v4, v4;
	v11 =	vadd.f32 v9, v11  }
0x2e7: {  	v9 =	vld.idx.msk [tilespmem:v37+s2+$0x0], $0xffff  }
0x2e8: {  	v30 =	vld [tilespmem:$0x1FF60];
	v20 =	vmul.f32 v7, v7;
	v11 =	vadd.f32 v10, v11  }
0x2e9: {  	v12 =	vor.u32 v19, v22;
	v10 =	vld.idx.msk [tilespmem:v38+s2+$0x0], $0xffff  }
0x2ea: {  	v32 =	vld [tilespmem:$0x1FF70];
	v13 =	vor.u32 v21, v22;
	v23 =	vmul.f32 v8, v8;
	v15 =	vadd.f32 v20, v11  }
0x2eb: {  	v14 =	vor.u32 v24, v22;
	v11 =	vld.idx.msk [tilespmem:v39+s2+$0x0], $0xffff  }
0x2ec: {  	v25 =	vmul.f32 v9, v9;
	v15 =	vadd.f32 v23, v15  }
0x2ed: {  	v35 =	vld [tilespmem:$0x1FF80];
	v16 =	vor.u32 v26, v22  }
0x2ee: {  	v17 =	vor.u32 v28, v22;
	v12 =	vld.idx.msk [tilespmem:v12+s2+$0x0], $0xffff;
	v27 =	vmul.f32 v10, v10;
	v15 =	vadd.f32 v25, v15  }
0x2ef: {  	v18 =	vor.u32 v30, v22;
	v13 =	vld.idx.msk [tilespmem:v13+s2+$0x0], $0xffff  }
0x2f0: {  	v33 =	vor.u32 v32, v22;
	v14 =	vld.idx.msk [tilespmem:v14+s2+$0x0], $0xffff;
	v29 =	vmul.f32 v11, v11;
	v15 =	vadd.f32 v27, v15  }
0x2f1: {  	v38 =	vld [tilespmem:$0x1FF90]  }
0x2f2: {  	v19 =	vadd.f32 v29, v15;
	v15 =	vld.idx.msk [tilespmem:v16+s2+$0x0], $0xffff  }
0x2f3: {  	v16 =	vld.idx.msk [tilespmem:v17+s2+$0x0], $0xffff  }
0x2f4: {  	v31 =	vmul.f32 v12, v12;
	v17 =	vld.idx.msk [tilespmem:v18+s2+$0x0], $0xffff  }
0x2f5: {  	v18 =	vld.idx.msk [tilespmem:v33+s2+$0x0], $0xffff  }
0x2f6: {  	v34 =	vmul.f32 v13, v13;
	v33 =	vld [tilespmem:$0x1FFB0];
	v19 =	vadd.f32 v31, v19  }
0x2f7: {  	v36 =	vor.u32 v35, v22  }
0x2f8: {  	v37 =	vmul.f32 v14, v14;
	v19 =	vadd.f32 v34, v19  }
0x2f9: {  	v31 =	vld [tilespmem:$0x1FFA0]  }
0x2fa: {  	v39 =	vor.u32 v38, v22;
	v30 =	vmul.f32 v15, v15;
	v19 =	vadd.f32 v37, v19  }
0x2fb: {  	v34 =	vor.u32 v33, v22  }
0x2fc: {  	v25 =	vadd.f32 v30, v19;
	v19 =	vld.idx.msk [tilespmem:v36+s2+$0x0], $0xffff  }
0x2fd: {  	v36 =	vld [tilespmem:$0x1FC80]  }
0x2fe: {  	v38 =	vld [tilespmem:$0x1FFC0];
	v32 =	vmul.f32 v16, v16;
	v21 =	vor.u32 v31, v22  }
0x2ff: {  	v20 =	vld.idx.msk [tilespmem:v39+s2+$0x0], $0xffff  }
0x300: {  	v35 =	vmul.f32 v17, v17;
	v24 =	vadd.f32 v32, v25;
	v25 =	vld.idx.msk [tilespmem:v34+s2+$0x0], $0xffff  }
0x301: {  	v32 =	vld [tilespmem:$0x1FFD0]  }
0x302: {  	v37 =	vmul.f32 v18, v18;
	v34 =	vld [tilespmem:$0x1FFE0];
	v24 =	vadd.f32 v35, v24;
	v23 =	vor.u32 v36, v22  }
0x303: {  	v21 =	vld.idx.msk [tilespmem:v21+s2+$0x0], $0xffff  }
0x304: {  	v27 =	vor.u32 v38, v22;
	v39 =	vmul.f32 v19, v19;
	v24 =	vadd.f32 v37, v24  }
0x305: {  	v36 =	vld [tilespmem:$0x1FFF0]  }
0x306: {  	v38 =	vld [tilespmem:$0x1FF20];
	v33 =	vmul.f32 v20, v20;
	v26 =	vor.u32 v32, v22;
	v24 =	vadd.f32 v39, v24  }
0x307: {  	v23 =	vld.idx.msk [tilespmem:v23+s2+$0x0], $0xffff  }
0x308: {  	v28 =	vor.u32 v34, v22;
	v35 =	vmul.f32 v21, v21;
	v24 =	vadd.f32 v33, v24  }
0x309: {  	v27 =	vld.idx.msk [tilespmem:v27+s2+$0x0], $0xffff  }
0x30a: {  	v37 =	vmul.f32 v25, v25;
	v29 =	vor.u32 v36, v22;
	v24 =	vadd.f32 v35, v24;
	v35 =	vld [tilespmem:$0x1FF10]  }
0x30b: {  	v26 =	vld.idx.msk [tilespmem:v26+s2+$0x0], $0xffff  }
0x30c: {  	v30 =	vor.u32 v38, v22;
	v24 =	vadd.f32 v37, v24;
	v37 =	vld [tilespmem:$0x1FE90];
	v39 =	vmul.f32 v23, v23  }
0x30d: {  	v28 =	vld.idx.msk [tilespmem:v28+s2+$0x0], $0xffff  }
0x30e: {  	v36 =	vmul.f32 v27, v27;
	v24 =	vadd.f32 v39, v24;
	v39 =	vld [tilespmem:$0x1FC90]  }
0x30f: {  	v29 =	vld.idx.msk [tilespmem:v29+s2+$0x0], $0xffff;
	v31 =	vor.u32 v35, v22  }
0x310: {  	v24 =	vadd.f32 v36, v24;
	v36 =	vld [tilespmem:$0x1FCA0]  }
0x311: {  	v30 =	vld.idx.msk [tilespmem:v30+s2+$0x0], $0xffff;
	v38 =	vmul.f32 v26, v26;
	v32 =	vor.u32 v37, v22  }
0x312: {  	v37 =	vld [tilespmem:$0x1FCB0]  }
0x313: {  	v35 =	vmul.f32 v28, v28;
	v24 =	vadd.f32 v38, v24;
	v33 =	vor.u32 v39, v22  }
0x314: {  	v31 =	vld.idx.msk [tilespmem:v31+s2+$0x0], $0xffff  }
0x315: {  	v24 =	vadd.f32 v35, v24;
	v34 =	vor.u32 v36, v22;
	v36 =	vmul.f32 v29, v29  }
0x316: {  	v32 =	vld.idx.msk [tilespmem:v32+s2+$0x0], $0xffff  }
0x317: {  	v35 =	vmul.f32 v30, v30;
	v22 =	vor.u32 v37, v22;
	v24 =	vadd.f32 v36, v24  }
0x318: {  	v33 =	vld.idx.msk [tilespmem:v33+s2+$0x0], $0xffff  }
0x319: {  	v36 =	vmul.f32 v31, v31;
	v24 =	vadd.f32 v35, v24  }
0x31a: {  	v34 =	vld.idx.msk [tilespmem:v34+s2+$0x0], $0xffff  }
0x31b: {  	v35 =	vmul.f32 v32, v32;
	v24 =	vadd.f32 v36, v24  }
0x31c: {  	v22 =	vld.idx.msk [tilespmem:v22+s2+$0x0], $0xffff  }
0x31d: {  	v36 =	vmul.f32 v33, v33;
	v24 =	vadd.f32 v35, v24;
	_ =	sdelay $0x1  }
0x31e: {  	v35 =	vmul.f32 v34, v34;
	v24 =	vadd.f32 v36, v24;
	_ =	sdelay $0x1  }
0x31f: {  	v36 =	vmul.f32 v22, v22;
	v24 =	vadd.f32 v35, v24;
	_ =	sdelay $0x1  }
0x320: {  	v24 =	vadd.f32 v36, v24;
	_ =	sdelay $0x1  }
0x321: {  	v38 =	vshra.s32 v24, $0x1;
	v24 =	vmul.f32 $5.000000000e-01, v24  }
0x322: {  	v35 =	vsub.s32 $0x5F3759DF, v38  }
0x323: {  	v36 =	vmul.f32 v35, v24;
	_ =	sdelay $0x1  }
0x324: {  	v36 =	vmul.f32 v35, v36;
	_ =	sdelay $0x1  }
0x325: {  	v36 =	vsub.f32 $1.500000000e+00, v36;
	_ =	sdelay $0x1  }
0x326: {  	v35 =	vmul.f32 v35, v36;
	_ =	sdelay $0x1  }
0x327: {  	v36 =	vmul.f32 v35, v24;
	_ =	sdelay $0x1  }
0x328: {  	v36 =	vmul.f32 v36, v35;
	_ =	sdelay $0x1  }
0x329: {  	v36 =	vsub.f32 $1.500000000e+00, v36;
	_ =	sdelay $0x1  }
0x32a: {  	v35 =	vmul.f32 v36, v35;
	_ =	sdelay $0x1  }
0x32b: {  	v36 =	vld [tilespmem:$0x1FF00];
	v24 =	vmul.f32 v35, v24  }
0x32c: {  	v37 =	vld [tilespmem:$0x1FCC0]  }
0x32d: {  	v24 =	vmul.f32 v24, v35  }
0x32e: {  	v39 =	vld [tilespmem:$0x1FCD0]  }
0x32f: {  	v1 =	vshll.u32 v1, $0x9;
	v24 =	vsub.f32 $1.500000000e+00, v24  }
0x330: {  	v36 =	vor.u32 v36, v1  }
0x331: {  	v37 =	vor.u32 v37, v1;
	v24 =	vmul.f32 v24, v35;
	_ =	sdelay $0x1  }
0x332: {  	v38 =	vld [tilespmem:$0x1FCE0];
	v35 =	vor.u32 v39, v1;
	v5 =	vmul.f32 v24, v5  }
0x333: {  	v39 =	vld [tilespmem:$0x1FCF0];
	v6 =	vmul.f32 v24, v6  }
0x334: {  	[tilespmem:v36+s17+$0x0] =	vst.idx.msk $0xffff, v5;
	v5 =	vld [tilespmem:$0x1FD00]  }
0x335: {  	v3 =	vmul.f32 v24, v3;
	[tilespmem:v37+s17+$0x0] =	vst.idx.msk $0xffff, v6;
	v6 =	vld [tilespmem:$0x1FD10];
	_ =	sdelay $0x1  }
0x336: {  	v38 =	vor.u32 v38, v1;
	[tilespmem:v35+s17+$0x0] =	vst.idx.msk $0xffff, v3;
	v3 =	vmul.f32 v24, v4;
	v4 =	vld [tilespmem:$0x1FD20]  }
0x337: {  	v39 =	vor.u32 v39, v1  }
0x338: {  	v5 =	vor.u32 v5, v1  }
0x339: {  	v2 =	vmul.f32 v24, v2;
	v6 =	vor.u32 v6, v1;
	_ =	sdelay $0x1  }
0x33a: {  	[tilespmem:v38+s17+$0x0] =	vst.idx.msk $0xffff, v2;
	v2 =	vmul.f32 v24, v7;
	v7 =	vld [tilespmem:$0x1FD30];
	v4 =	vor.u32 v4, v1  }
0x33b: {  	[tilespmem:v39+s17+$0x0] =	vst.idx.msk $0xffff, v3;
	v3 =	vmul.f32 v24, v8;
	v8 =	vld [tilespmem:$0x1FD40]  }
0x33c: {  	[tilespmem:v5+s17+$0x0] =	vst.idx.msk $0xffff, v2;
	v5 =	vld [tilespmem:$0x1FD50]  }
0x33d: {  	v2 =	vmul.f32 v24, v9;
	[tilespmem:v6+s17+$0x0] =	vst.idx.msk $0xffff, v3;
	v6 =	vld [tilespmem:$0x1FE40];
	_ =	sdelay $0x1  }
0x33e: {  	v7 =	vor.u32 v7, v1;
	[tilespmem:v4+s17+$0x0] =	vst.idx.msk $0xffff, v2;
	v4 =	vld [tilespmem:$0x1FE50]  }
0x33f: {  	v8 =	vor.u32 v8, v1  }
0x340: {  	v5 =	vor.u32 v5, v1  }
0x341: {  	v3 =	vmul.f32 v24, v10;
	v6 =	vor.u32 v6, v1  }
0x342: {  	v2 =	vmul.f32 v24, v11  }
0x343: {  	[tilespmem:v7+s17+$0x0] =	vst.idx.msk $0xffff, v3;
	v3 =	vmul.f32 v24, v12;
	v7 =	vld [tilespmem:$0x1FD60];
	v4 =	vor.u32 v4, v1  }
0x344: {  	[tilespmem:v8+s17+$0x0] =	vst.idx.msk $0xffff, v2;
	v2 =	vmul.f32 v24, v13;
	v8 =	vld [tilespmem:$0x1FD70]  }
0x345: {  	[tilespmem:v5+s17+$0x0] =	vst.idx.msk $0xffff, v3;
	v5 =	vld [tilespmem:$0x1FD80]  }
0x346: {  	v3 =	vmul.f32 v24, v14;
	[tilespmem:v6+s17+$0x0] =	vst.idx.msk $0xffff, v2;
	v6 =	vld [tilespmem:$0x1FE30];
	_ =	sdelay $0x1  }
0x347: {  	v7 =	vor.u32 v7, v1;
	[tilespmem:v4+s17+$0x0] =	vst.idx.msk $0xffff, v3;
	v4 =	vld [tilespmem:$0x1FD90]  }
0x348: {  	v8 =	vor.u32 v8, v1  }
0x349: {  	v5 =	vor.u32 v5, v1  }
0x34a: {  	v2 =	vmul.f32 v24, v15;
	v6 =	vor.u32 v6, v1  }
0x34b: {  	v3 =	vmul.f32 v24, v16  }
0x34c: {  	[tilespmem:v7+s17+$0x0] =	vst.idx.msk $0xffff, v2;
	v2 =	vmul.f32 v24, v17;
	v7 =	vld [tilespmem:$0x1FDA0];
	v4 =	vor.u32 v4, v1  }
0x34d: {  	[tilespmem:v8+s17+$0x0] =	vst.idx.msk $0xffff, v3;
	v3 =	vmul.f32 v24, v18;
	v8 =	vld [tilespmem:$0x1FE60]  }
0x34e: {  	[tilespmem:v5+s17+$0x0] =	vst.idx.msk $0xffff, v2;
	v5 =	vld [tilespmem:$0x1FE70]  }
0x34f: {  	v2 =	vmul.f32 v24, v19;
	[tilespmem:v6+s17+$0x0] =	vst.idx.msk $0xffff, v3;
	v6 =	vld [tilespmem:$0x1FE80];
	_ =	sdelay $0x1  }
0x350: {  	v7 =	vor.u32 v7, v1;
	[tilespmem:v4+s17+$0x0] =	vst.idx.msk $0xffff, v2;
	v4 =	vld [tilespmem:$0x1FDD0]  }
0x351: {  	v8 =	vor.u32 v8, v1  }
0x352: {  	v5 =	vor.u32 v5, v1  }
0x353: {  	v3 =	vmul.f32 v24, v20;
	v6 =	vor.u32 v6, v1  }
0x354: {  	v2 =	vmul.f32 v24, v21  }
0x355: {  	[tilespmem:v7+s17+$0x0] =	vst.idx.msk $0xffff, v3;
	v3 =	vmul.f32 v24, v25;
	v4 =	vor.u32 v4, v1  }
0x356: {  	v7 =	vld [tilespmem:$0x1FDF0];
	[tilespmem:v8+s17+$0x0] =	vst.idx.msk $0xffff, v2;
	v2 =	vmul.f32 v24, v23  }
0x357: {  	v8 =	vld [tilespmem:$0x1FDB0];
	[tilespmem:v5+s17+$0x0] =	vst.idx.msk $0xffff, v3  }
0x358: {  	v3 =	vmul.f32 v24, v27;
	[tilespmem:v6+s17+$0x0] =	vst.idx.msk $0xffff, v2;
	v2 =	vld [tilespmem:$0x1FE00];
	_ =	sdelay $0x1  }
0x359: {  	[tilespmem:v4+s17+$0x0] =	vst.idx.msk $0xffff, v3;
	v3 =	vld [tilespmem:$0x1FE20]  }
0x35a: {  	v7 =	vor.u32 v7, v1  }
0x35b: {  	v8 =	vor.u32 v8, v1  }
0x35c: {  	v2 =	vor.u32 v2, v1  }
0x35d: {  	v5 =	vmul.f32 v24, v26  }
0x35e: {  	v4 =	vor.u32 v3, v1;
	v3 =	vmul.f32 v24, v28  }
0x35f: {  	v6 =	vmul.f32 v24, v29;
	[tilespmem:v7+s17+$0x0] =	vst.idx.msk $0xffff, v5  }
0x360: {  	[tilespmem:v8+s17+$0x0] =	vst.idx.msk $0xffff, v3;
	v3 =	vld [tilespmem:$0x1FE10]  }
0x361: {  	[tilespmem:v2+s17+$0x0] =	vst.idx.msk $0xffff, v6;
	v2 =	vld [tilespmem:$0x1FEE0];
	_ =	sdelay $0x2  }
0x362: {  	v5 =	vld [tilespmem:$0x1FDE0]  }
0x363: {  	v10 =	vor.u32 v3, v1;
	v3 =	vld [tilespmem:$0x1FDC0]  }
0x364: {  	v8 =	vmul.f32 v24, v34;
	v34 =	vor.u32 v2, v1;
	v2 =	vld [tilespmem:$0x1FEF0];
	_ =	sdelay $0x4  }
0x365: {  	v5 =	vor.u32 v5, v1;
	v37 =	vor.u32 v3, v1;
	v2 =	vor.u32 v2, v1;
	v1 =	vld [tilespmem:$0x1FEA0]  }
0x366: {  	s22 =	simm.s32 $0x1;
	v7 =	vmul.f32 v24, v30  }
0x367: {  	v6 =	vmov s22  }
0x368: {  	[tilespmem:v4+s17+$0x0] =	vst.idx.msk $0xffff, v7;
	v4 =	vshll.u32 v6, $0x5  }
0x369: {  	v7 =	vadd.s32 v41, v4  }
0x36a: {  	v4 =	vor.u32 v1, v7;
	v1 =	vld [tilespmem:$0x1FEB0]  }
0x36b: {  	v9 =	vmul.f32 v24, v31  }
0x36c: {  	v38 =	vmul.f32 v24, v32  }
0x36d: {  	[tilespmem:v5+s17+$0x0] =	vst.idx.msk $0xffff, v9  }
0x36e: {  	[tilespmem:v10+s17+$0x0] =	vst.idx.msk $0xffff, v38;
	v10 =	vld [tilespmem:$0x1FED0]  }
0x36f: {  	v5 =	vor.u32 v1, v7;
	v1 =	vshll.u32 v6, $0x9;
	v6 =	vld [tilespmem:$0x1FEC0];
	_ =	sdelay $0x2  }
0x370: {  	v39 =	vmul.f32 v24, v33  }
0x371: {  	v11 =	vor.u32 v40, v7;
	v9 =	vor.u32 v42, v7;
	v3 =	vmul.f32 v24, v22  }
0x372: {  	s20 =	simm.s32 $0x2;
	[tilespmem:v37+s17+$0x0] =	vst.idx.msk $0xffff, v39;
	v10 =	vor.u32 v10, v7;
	v6 =	vor.u32 v6, v7  }
.LBB2_5:
0x373: {  	_ = 	snop  }
0x374: {  	[tilespmem:v2+s17+$0x0] =	vst.idx.msk $0xffff, v8  }
0x375: {  	v8 =	vld [tilespmem:$0x1FF20];
	[tilespmem:v34+s17+$0x0] =	vst.idx.msk $0xffff, v3  }
0x376: {  	v3 =	vld.idx.msk [tilespmem:v9+s2+$0x0], $0xffff  }
0x377: {  	v9 =	vld [tilespmem:$0x1FE90]  }
0x378: {  	v2 =	vld.idx.msk [tilespmem:v11+s2+$0x0], $0xffff  }
0x379: {  	v11 =	vld [tilespmem:$0x1FCA0];
	_ =	sdelay $0x1  }
0x37a: {  	v12 =	vor.u32 v50, v7;
	v13 =	vor.u32 v51, v7;
	v34 =	vor.u32 v8, v7;
	v8 =	vld [tilespmem:$0x1FF10]  }
0x37b: {  	v14 =	vor.u32 v52, v7;
	v15 =	vor.u32 v53, v7;
	v36 =	vor.u32 v9, v7;
	v9 =	vld [tilespmem:$0x1FC90]  }
0x37c: {  	v16 =	vor.u32 v54, v7;
	v17 =	vor.u32 v55, v7;
	v18 =	vor.u32 v56, v7;
	v4 =	vld.idx.msk [tilespmem:v4+s2+$0x0], $0xffff  }
0x37d: {  	v19 =	vor.u32 v49, v7;
	v20 =	vor.u32 v57, v7;
	v32 =	vor.u32 v11, v7;
	v11 =	vld [tilespmem:$0x1FCB0]  }
0x37e: {  	v21 =	vor.u32 v58, v7;
	v22 =	vor.u32 v59, v7;
	v23 =	vor.u32 v60, v7  }
0x37f: {  	v24 =	vor.u32 v61, v7;
	v25 =	vor.u32 v62, v7;
	v5 =	vld.idx.msk [tilespmem:v5+s2+$0x0], $0xffff;
	v35 =	vor.u32 v8, v7  }
0x380: {  	v8 =	vmul.f32 v2, v2;
	v37 =	vor.u32 v9, v7;
	v9 =	vmul.f32 v3, v3  }
0x381: {  	v26 =	vor.u32 v63, v7;
	v27 =	vor.u32 v48, v7;
	v28 =	vor.u32 v0, v7;
	v6 =	vld.idx.msk [tilespmem:v6+s2+$0x0], $0xffff  }
0x382: {  	v33 =	vor.u32 v11, v7;
	v11 =	vmul.f32 v4, v4;
	v9 =	vadd.f32 v9, v8  }
0x383: {  	v29 =	vor.u32 v47, v7;
	v30 =	vor.u32 v45, v7;
	v31 =	vor.u32 v46, v7;
	v7 =	vld.idx.msk [tilespmem:v10+s2+$0x0], $0xffff  }
0x384: {  	v10 =	vmul.f32 v5, v5;
	v11 =	vadd.f32 v11, v9  }
0x385: {  	v8 =	vld.idx.msk [tilespmem:v12+s2+$0x0], $0xffff  }
0x386: {  	v39 =	vmul.f32 v6, v6;
	v11 =	vadd.f32 v10, v11  }
0x387: {  	v9 =	vld.idx.msk [tilespmem:v13+s2+$0x0], $0xffff  }
0x388: {  	v40 =	vmul.f32 v7, v7;
	v12 =	vadd.f32 v39, v11  }
0x389: {  	v10 =	vld.idx.msk [tilespmem:v14+s2+$0x0], $0xffff  }
0x38a: {  	v41 =	vmul.f32 v8, v8;
	v13 =	vadd.f32 v40, v12  }
0x38b: {  	v11 =	vld.idx.msk [tilespmem:v15+s2+$0x0], $0xffff  }
0x38c: {  	v42 =	vmul.f32 v9, v9;
	v14 =	vadd.f32 v41, v13  }
0x38d: {  	v12 =	vld.idx.msk [tilespmem:v16+s2+$0x0], $0xffff  }
0x38e: {  	v38 =	vmul.f32 v10, v10;
	v15 =	vadd.f32 v42, v14  }
0x38f: {  	v13 =	vld.idx.msk [tilespmem:v17+s2+$0x0], $0xffff  }
0x390: {  	v39 =	vmul.f32 v11, v11;
	v16 =	vadd.f32 v38, v15  }
0x391: {  	v14 =	vld.idx.msk [tilespmem:v18+s2+$0x0], $0xffff  }
0x392: {  	v40 =	vmul.f32 v12, v12;
	v17 =	vadd.f32 v39, v16  }
0x393: {  	v15 =	vld.idx.msk [tilespmem:v19+s2+$0x0], $0xffff  }
0x394: {  	v41 =	vmul.f32 v13, v13;
	v18 =	vadd.f32 v40, v17  }
0x395: {  	v16 =	vld.idx.msk [tilespmem:v20+s2+$0x0], $0xffff  }
0x396: {  	v42 =	vmul.f32 v14, v14;
	v19 =	vadd.f32 v41, v18  }
0x397: {  	v17 =	vld.idx.msk [tilespmem:v21+s2+$0x0], $0xffff  }
0x398: {  	v38 =	vmul.f32 v15, v15;
	v20 =	vadd.f32 v42, v19  }
0x399: {  	v18 =	vld.idx.msk [tilespmem:v22+s2+$0x0], $0xffff  }
0x39a: {  	v39 =	vmul.f32 v16, v16;
	v21 =	vadd.f32 v38, v20  }
0x39b: {  	v19 =	vld.idx.msk [tilespmem:v23+s2+$0x0], $0xffff  }
0x39c: {  	v40 =	vmul.f32 v17, v17;
	v22 =	vadd.f32 v39, v21  }
0x39d: {  	v20 =	vld.idx.msk [tilespmem:v24+s2+$0x0], $0xffff  }
0x39e: {  	v41 =	vmul.f32 v18, v18;
	v23 =	vadd.f32 v40, v22  }
0x39f: {  	v21 =	vld.idx.msk [tilespmem:v25+s2+$0x0], $0xffff  }
0x3a0: {  	v42 =	vmul.f32 v19, v19;
	v24 =	vadd.f32 v41, v23  }
0x3a1: {  	v22 =	vld.idx.msk [tilespmem:v26+s2+$0x0], $0xffff  }
0x3a2: {  	v38 =	vmul.f32 v20, v20;
	v25 =	vadd.f32 v42, v24  }
0x3a3: {  	v23 =	vld.idx.msk [tilespmem:v27+s2+$0x0], $0xffff  }
0x3a4: {  	v39 =	vmul.f32 v21, v21;
	v26 =	vadd.f32 v38, v25  }
0x3a5: {  	v24 =	vld.idx.msk [tilespmem:v28+s2+$0x0], $0xffff  }
0x3a6: {  	v40 =	vmul.f32 v22, v22;
	v27 =	vadd.f32 v39, v26  }
0x3a7: {  	v25 =	vld.idx.msk [tilespmem:v29+s2+$0x0], $0xffff  }
0x3a8: {  	v41 =	vmul.f32 v23, v23;
	v28 =	vadd.f32 v40, v27  }
0x3a9: {  	v26 =	vld.idx.msk [tilespmem:v30+s2+$0x0], $0xffff  }
0x3aa: {  	v42 =	vmul.f32 v24, v24;
	v28 =	vadd.f32 v41, v28  }
0x3ab: {  	v27 =	vld.idx.msk [tilespmem:v31+s2+$0x0], $0xffff  }
0x3ac: {  	v38 =	vmul.f32 v25, v25;
	v28 =	vadd.f32 v42, v28  }
0x3ad: {  	v29 =	vld.idx.msk [tilespmem:v34+s2+$0x0], $0xffff  }
0x3ae: {  	v39 =	vmul.f32 v26, v26;
	v28 =	vadd.f32 v38, v28  }
0x3af: {  	v30 =	vld.idx.msk [tilespmem:v35+s2+$0x0], $0xffff  }
0x3b0: {  	v40 =	vmul.f32 v27, v27;
	v34 =	vadd.f32 v39, v28  }
0x3b1: {  	v31 =	vld.idx.msk [tilespmem:v36+s2+$0x0], $0xffff  }
0x3b2: {  	v41 =	vmul.f32 v29, v29;
	v34 =	vadd.f32 v40, v34  }
0x3b3: {  	v28 =	vld.idx.msk [tilespmem:v37+s2+$0x0], $0xffff  }
0x3b4: {  	v42 =	vmul.f32 v30, v30;
	v34 =	vadd.f32 v41, v34  }
0x3b5: {  	v32 =	vld.idx.msk [tilespmem:v32+s2+$0x0], $0xffff  }
0x3b6: {  	v40 =	vmul.f32 v31, v31;
	v34 =	vadd.f32 v42, v34  }
0x3b7: {  	v33 =	vld.idx.msk [tilespmem:v33+s2+$0x0], $0xffff  }
0x3b8: {  	v41 =	vmul.f32 v28, v28;
	v34 =	vadd.f32 v40, v34;
	_ =	sdelay $0x1  }
0x3b9: {  	v42 =	vmul.f32 v32, v32;
	v34 =	vadd.f32 v41, v34;
	_ =	sdelay $0x1  }
0x3ba: {  	v39 =	vmul.f32 v33, v33;
	v34 =	vadd.f32 v42, v34;
	_ =	sdelay $0x1  }
0x3bb: {  	v34 =	vadd.f32 v39, v34;
	_ =	sdelay $0x1  }
0x3bc: {  	v35 =	vshra.s32 v34, $0x1;
	v34 =	vmul.f32 $5.000000000e-01, v34  }
0x3bd: {  	v35 =	vsub.s32 $0x5F3759DF, v35  }
0x3be: {  	v40 =	vmul.f32 v35, v34;
	_ =	sdelay $0x1  }
0x3bf: {  	v36 =	vmul.f32 v35, v40;
	_ =	sdelay $0x1  }
0x3c0: {  	v36 =	vsub.f32 $1.500000000e+00, v36;
	_ =	sdelay $0x1  }
0x3c1: {  	v35 =	vmul.f32 v35, v36;
	_ =	sdelay $0x1  }
0x3c2: {  	v36 =	vmul.f32 v35, v34;
	_ =	sdelay $0x1  }
0x3c3: {  	v36 =	vmul.f32 v36, v35;
	_ =	sdelay $0x1  }
0x3c4: {  	v36 =	vsub.f32 $1.500000000e+00, v36;
	_ =	sdelay $0x1  }
0x3c5: {  	v35 =	vmul.f32 v36, v35;
	_ =	sdelay $0x1  }
0x3c6: {  	v34 =	vmul.f32 v35, v34;
	_ =	sdelay $0x1  }
0x3c7: {  	v41 =	vld [tilespmem:$0x1FF00];
	v34 =	vmul.f32 v34, v35  }
0x3c8: {  	v40 =	vld [tilespmem:$0x1FCD0]  }
0x3c9: {  	v34 =	vsub.f32 $1.500000000e+00, v34  }
0x3ca: {  	v42 =	vld [tilespmem:$0x1FCC0]  }
0x3cb: {  	v35 =	vmul.f32 v34, v35  }
0x3cc: {  	v36 =	vor.u32 v41, v1;
	v41 =	vld [tilespmem:$0x1FCE0]  }
0x3cd: {  	v38 =	vor.u32 v40, v1;
	v40 =	vmul.f32 v35, v2;
	v2 =	vld [tilespmem:$0x1FCF0];
	_ =	sdelay $0x1  }
0x3ce: {  	v37 =	vor.u32 v42, v1;
	_ =	sdelay $0x1  }
0x3cf: {  	v42 =	vld [tilespmem:$0x1FEE0]  }
0x3d0: {  	v39 =	vor.u32 v41, v1;
	v3 =	vmul.f32 v35, v3;
	v41 =	vor.u32 v2, v1;
	v2 =	vld [tilespmem:$0x1FD00]  }
0x3d1: {  	v4 =	vmul.f32 v35, v4;
	[tilespmem:v36+s17+$0x0] =	vst.idx.msk $0xffff, v40;
	v36 =	vld [tilespmem:$0x1FD10]  }
0x3d2: {  	[tilespmem:v37+s17+$0x0] =	vst.idx.msk $0xffff, v3;
	v3 =	vmul.f32 v35, v6;
	v6 =	vld [tilespmem:$0x1FD20]  }
0x3d3: {  	[tilespmem:v38+s17+$0x0] =	vst.idx.msk $0xffff, v4;
	v4 =	vmul.f32 v35, v7;
	v7 =	vld [tilespmem:$0x1FD30]  }
0x3d4: {  	v5 =	vmul.f32 v35, v5  }
0x3d5: {  	v34 =	vor.u32 v42, v1;
	v42 =	vor.u32 v2, v1  }
0x3d6: {  	[tilespmem:v39+s17+$0x0] =	vst.idx.msk $0xffff, v5;
	v5 =	vmul.f32 v35, v8;
	v8 =	vld [tilespmem:$0x1FD40];
	v36 =	vor.u32 v36, v1  }
0x3d7: {  	v6 =	vor.u32 v6, v1;
	[tilespmem:v41+s17+$0x0] =	vst.idx.msk $0xffff, v3;
	v3 =	vmul.f32 v35, v9;
	v9 =	vld [tilespmem:$0x1FD50]  }
0x3d8: {  	v7 =	vor.u32 v7, v1;
	_ =	sdelay $0x1  }
0x3d9: {  	[tilespmem:v42+s17+$0x0] =	vst.idx.msk $0xffff, v4;
	v4 =	vmul.f32 v35, v10;
	v10 =	vld [tilespmem:$0x1FE40]  }
0x3da: {  	v8 =	vor.u32 v8, v1;
	[tilespmem:v36+s17+$0x0] =	vst.idx.msk $0xffff, v5;
	v5 =	vmul.f32 v35, v11;
	v11 =	vld [tilespmem:$0x1FE50]  }
0x3db: {  	v9 =	vor.u32 v9, v1;
	[tilespmem:v6+s17+$0x0] =	vst.idx.msk $0xffff, v3;
	v6 =	vld [tilespmem:$0x1FD60]  }
0x3dc: {  	[tilespmem:v7+s17+$0x0] =	vst.idx.msk $0xffff, v4;
	v7 =	vld [tilespmem:$0x1FD70];
	_ =	sdelay $0x1  }
0x3dd: {  	v3 =	vmul.f32 v35, v12;
	v10 =	vor.u32 v10, v1  }
0x3de: {  	[tilespmem:v8+s17+$0x0] =	vst.idx.msk $0xffff, v5;
	v8 =	vld [tilespmem:$0x1FD80];
	v11 =	vor.u32 v11, v1  }
0x3df: {  	[tilespmem:v9+s17+$0x0] =	vst.idx.msk $0xffff, v3;
	v9 =	vld [tilespmem:$0x1FE30];
	v6 =	vor.u32 v6, v1  }
0x3e0: {  	v4 =	vmul.f32 v35, v13;
	v7 =	vor.u32 v7, v1  }
0x3e1: {  	v5 =	vmul.f32 v35, v14  }
0x3e2: {  	v3 =	vmul.f32 v35, v15;
	[tilespmem:v10+s17+$0x0] =	vst.idx.msk $0xffff, v4;
	v10 =	vld [tilespmem:$0x1FD90]  }
0x3e3: {  	v8 =	vor.u32 v8, v1;
	v4 =	vmul.f32 v35, v16;
	[tilespmem:v11+s17+$0x0] =	vst.idx.msk $0xffff, v5;
	v11 =	vld [tilespmem:$0x1FDA0]  }
0x3e4: {  	v9 =	vor.u32 v9, v1;
	[tilespmem:v6+s17+$0x0] =	vst.idx.msk $0xffff, v3;
	v6 =	vld [tilespmem:$0x1FE60]  }
0x3e5: {  	[tilespmem:v7+s17+$0x0] =	vst.idx.msk $0xffff, v4;
	v7 =	vld [tilespmem:$0x1FE70]  }
0x3e6: {  	v5 =	vmul.f32 v35, v17  }
0x3e7: {  	v3 =	vmul.f32 v35, v18;
	v10 =	vor.u32 v10, v1  }
0x3e8: {  	[tilespmem:v8+s17+$0x0] =	vst.idx.msk $0xffff, v5;
	v8 =	vld [tilespmem:$0x1FE80];
	v11 =	vor.u32 v11, v1  }
0x3e9: {  	[tilespmem:v9+s17+$0x0] =	vst.idx.msk $0xffff, v3;
	v9 =	vld [tilespmem:$0x1FDD0];
	v6 =	vor.u32 v6, v1  }
0x3ea: {  	v4 =	vmul.f32 v35, v19;
	v7 =	vor.u32 v7, v1  }
0x3eb: {  	v5 =	vmul.f32 v35, v20  }
0x3ec: {  	v3 =	vmul.f32 v35, v21;
	[tilespmem:v10+s17+$0x0] =	vst.idx.msk $0xffff, v4  }
0x3ed: {  	v8 =	vor.u32 v8, v1;
	v4 =	vmul.f32 v35, v22;
	[tilespmem:v11+s17+$0x0] =	vst.idx.msk $0xffff, v5  }
0x3ee: {  	v9 =	vor.u32 v9, v1;
	[tilespmem:v6+s17+$0x0] =	vst.idx.msk $0xffff, v3  }
0x3ef: {  	[tilespmem:v7+s17+$0x0] =	vst.idx.msk $0xffff, v4;
	v7 =	vld [tilespmem:$0x1FE20]  }
0x3f0: {  	v10 =	vld [tilespmem:$0x1FDF0];
	v5 =	vmul.f32 v35, v23  }
0x3f1: {  	v11 =	vld [tilespmem:$0x1FDB0];
	v3 =	vmul.f32 v35, v24  }
0x3f2: {  	v6 =	vld [tilespmem:$0x1FE00];
	[tilespmem:v8+s17+$0x0] =	vst.idx.msk $0xffff, v5  }
0x3f3: {  	[tilespmem:v9+s17+$0x0] =	vst.idx.msk $0xffff, v3;
	v3 =	vld [tilespmem:$0x1FE10]  }
0x3f4: {  	v37 =	vor.u32 v7, v1;
	v7 =	vld [tilespmem:$0x1FDE0]  }
0x3f5: {  	v10 =	vor.u32 v10, v1  }
0x3f6: {  	v11 =	vor.u32 v11, v1  }
0x3f7: {  	v6 =	vor.u32 v6, v1  }
0x3f8: {  	v4 =	vmul.f32 v35, v25  }
0x3f9: {  	v5 =	vmul.f32 v35, v26;
	v39 =	vor.u32 v3, v1;
	v3 =	vld [tilespmem:$0x1FDC0];
	v38 =	vor.u32 v7, v1  }
0x3fa: {  	v2 =	vld [tilespmem:$0x1FEF0];
	[tilespmem:v10+s17+$0x0] =	vst.idx.msk $0xffff, v4;
	v7 =	vmul.f32 v35, v27  }
0x3fb: {  	v4 =	vmul.f32 v35, v29;
	[tilespmem:v11+s17+$0x0] =	vst.idx.msk $0xffff, v5  }
0x3fc: {  	v10 =	vld [tilespmem:$0x1FED0];
	v5 =	vmul.f32 v35, v30;
	[tilespmem:v6+s17+$0x0] =	vst.idx.msk $0xffff, v7  }
0x3fd: {  	v6 =	vmul.f32 v35, v31;
	[tilespmem:v37+s17+$0x0] =	vst.idx.msk $0xffff, v4;
	v4 =	vld [tilespmem:$0x1FEA0]  }
0x3fe: {  	s21 =	smov.u32 s20;
	v41 =	vor.u32 v3, v1;
	[tilespmem:v38+s17+$0x0] =	vst.idx.msk $0xffff, v5;
	v5 =	vld [tilespmem:$0x1FEB0]  }
0x3ff: {  	p0 =	sne.s32 s20, $0x31;
	v2 =	vor.u32 v2, v1;
	v1 =	vmov s21;
	[tilespmem:v39+s17+$0x0] =	vst.idx.msk $0xffff, v6;
	v6 =	vld [tilespmem:$0x1FEC0]  }
.Ltmp1:
0x400: {  	v9 =	vshll.u32 v1, $0x5;
	(pc) =	sbr.rel @p0 .LBB2_5-.Ltmp1, $4  }
0x401: {  	v40 =	vlaneseq.u32;
	v42 =	vmul.f32 v35, v28;
	v7 =	vadd.s32 v43, v9  }
0x402: {  	v8 =	vmul.f32 v35, v32;
	v3 =	vmul.f32 v35, v33;
	v11 =	vor.u32 v40, v7  }
0x403: {  	v1 =	vshll.u32 v1, $0x9;
	v9 =	vor.u32 v44, v7;
	v10 =	vor.u32 v10, v7;
	[tilespmem:v41+s17+$0x0] =	vst.idx.msk $0xffff, v42  }
0x404: {  	s20 =	sadd.s32 $0x1, s20;
	v4 =	vor.u32 v4, v7;
	v5 =	vor.u32 v5, v7;
	v6 =	vor.u32 v6, v7  }
0x405: {  	_ =	sdelay $0x3  }
0x406: {  	[tilespmem:v2+s17+$0x0] =	vst.idx.msk $0xffff, v8  }
0x407: {  	[tilespmem:v34+s17+$0x0] =	vst.idx.msk $0xffff, v3  }
0x408: {  	v8 =	vld.idx.msk [tilespmem:v11+s2+$0x0], $0xffff  }
0x409: {  	v9 =	vld.idx.msk [tilespmem:v9+s2+$0x0], $0xffff;
	_ =	sdelay $0x1  }
0x40a: {  	v4 =	vld.idx.msk [tilespmem:v4+s2+$0x0], $0xffff;
	_ =	sdelay $0x1  }
0x40b: {  	v2 =	vld.idx.msk [tilespmem:v5+s2+$0x0], $0xffff  }
0x40c: {  	v11 =	vor.u32 v50, v7;
	v50 =	vmul.f32 v8, v8;
	v12 =	vmul.f32 v9, v9  }
0x40d: {  	v3 =	vld.idx.msk [tilespmem:v6+s2+$0x0], $0xffff  }
0x40e: {  	v13 =	vor.u32 v51, v7;
	v51 =	vmul.f32 v4, v4;
	v12 =	vadd.f32 v12, v50  }
0x40f: {  	v5 =	vld.idx.msk [tilespmem:v10+s2+$0x0], $0xffff  }
0x410: {  	v14 =	vor.u32 v52, v7;
	v10 =	vmul.f32 v2, v2;
	v12 =	vadd.f32 v51, v12  }
0x411: {  	v6 =	vld.idx.msk [tilespmem:v11+s2+$0x0], $0xffff  }
0x412: {  	v15 =	vor.u32 v53, v7;
	v11 =	vmul.f32 v3, v3;
	v12 =	vadd.f32 v10, v12  }
0x413: {  	v10 =	vld.idx.msk [tilespmem:v13+s2+$0x0], $0xffff  }
0x414: {  	v16 =	vmul.f32 v5, v5;
	v13 =	vor.u32 v54, v7;
	v12 =	vadd.f32 v11, v12  }
0x415: {  	v11 =	vld.idx.msk [tilespmem:v14+s2+$0x0], $0xffff  }
0x416: {  	v17 =	vmul.f32 v6, v6;
	v14 =	vor.u32 v55, v7;
	v16 =	vadd.f32 v16, v12  }
0x417: {  	v12 =	vld.idx.msk [tilespmem:v15+s2+$0x0], $0xffff  }
0x418: {  	v15 =	vor.u32 v56, v7;
	v18 =	vmul.f32 v10, v10;
	v16 =	vadd.f32 v17, v16  }
0x419: {  	v13 =	vld.idx.msk [tilespmem:v13+s2+$0x0], $0xffff  }
0x41a: {  	v17 =	vor.u32 v49, v7;
	v19 =	vmul.f32 v11, v11;
	v16 =	vadd.f32 v18, v16  }
0x41b: {  	v14 =	vld.idx.msk [tilespmem:v14+s2+$0x0], $0xffff  }
0x41c: {  	v18 =	vor.u32 v57, v7;
	v20 =	vmul.f32 v12, v12;
	v16 =	vadd.f32 v19, v16  }
0x41d: {  	v15 =	vld.idx.msk [tilespmem:v15+s2+$0x0], $0xffff  }
0x41e: {  	v19 =	vor.u32 v58, v7;
	v21 =	vmul.f32 v13, v13;
	v20 =	vadd.f32 v20, v16  }
0x41f: {  	v16 =	vld.idx.msk [tilespmem:v17+s2+$0x0], $0xffff  }
0x420: {  	v22 =	vor.u32 v59, v7;
	v23 =	vmul.f32 v14, v14;
	v20 =	vadd.f32 v21, v20  }
0x421: {  	v17 =	vld.idx.msk [tilespmem:v18+s2+$0x0], $0xffff  }
0x422: {  	v21 =	vor.u32 v60, v7;
	v24 =	vmul.f32 v15, v15;
	v20 =	vadd.f32 v23, v20  }
0x423: {  	v18 =	vld.idx.msk [tilespmem:v19+s2+$0x0], $0xffff  }
0x424: {  	v23 =	vor.u32 v61, v7;
	v25 =	vmul.f32 v16, v16;
	v20 =	vadd.f32 v24, v20  }
0x425: {  	v19 =	vld.idx.msk [tilespmem:v22+s2+$0x0], $0xffff  }
0x426: {  	v22 =	vor.u32 v62, v7;
	v24 =	vmul.f32 v17, v17;
	v25 =	vadd.f32 v25, v20  }
0x427: {  	v20 =	vld.idx.msk [tilespmem:v21+s2+$0x0], $0xffff  }
0x428: {  	v26 =	vor.u32 v63, v7;
	v27 =	vmul.f32 v18, v18;
	v24 =	vadd.f32 v24, v25  }
0x429: {  	v21 =	vld.idx.msk [tilespmem:v23+s2+$0x0], $0xffff  }
0x42a: {  	v23 =	vor.u32 v48, v7;
	v25 =	vmul.f32 v19, v19;
	v24 =	vadd.f32 v27, v24  }
0x42b: {  	v22 =	vld.idx.msk [tilespmem:v22+s2+$0x0], $0xffff  }
0x42c: {  	v27 =	vor.u32 v0, v7;
	v28 =	vmul.f32 v20, v20;
	v24 =	vadd.f32 v25, v24  }
0x42d: {  	v25 =	vld.idx.msk [tilespmem:v26+s2+$0x0], $0xffff  }
0x42e: {  	v42 =	vmovc v44;
	v44 =	vld [tilespmem:$0x1FF20];
	v26 =	vor.u32 v47, v7;
	v29 =	vmul.f32 v21, v21;
	v24 =	vadd.f32 v28, v24  }
0x42f: {  	v52 =	vmov v49;
	v23 =	vld.idx.msk [tilespmem:v23+s2+$0x0], $0xffff  }
0x430: {  	v49 =	vmovc v47;
	v30 =	vmul.f32 v22, v22;
	v47 =	vld [tilespmem:$0x1FF10];
	v28 =	vor.u32 v45, v7;
	v24 =	vadd.f32 v29, v24  }
0x431: {  	v27 =	vld.idx.msk [tilespmem:v27+s2+$0x0], $0xffff  }
0x432: {  	v41 =	vmovc v43;
	v43 =	vld [tilespmem:$0x1FE90];
	v29 =	vor.u32 v46, v7;
	v31 =	vmul.f32 v25, v25;
	v24 =	vadd.f32 v30, v24  }
0x433: {  	v26 =	vld.idx.msk [tilespmem:v26+s2+$0x0], $0xffff  }
0x434: {  	v39 =	vld [tilespmem:$0x1FC90];
	v32 =	vmul.f32 v23, v23;
	v30 =	vor.u32 v44, v7;
	v24 =	vadd.f32 v31, v24  }
0x435: {  	v28 =	vld.idx.msk [tilespmem:v28+s2+$0x0], $0xffff  }
0x436: {  	v48 =	vmovc v45;
	v45 =	vld [tilespmem:$0x1FCA0];
	v31 =	vor.u32 v47, v7;
	v33 =	vmul.f32 v27, v27;
	v24 =	vadd.f32 v32, v24  }
0x437: {  	v29 =	vld.idx.msk [tilespmem:v29+s2+$0x0], $0xffff  }
0x438: {  	v50 =	vld [tilespmem:$0x1FCB0];
	v55 =	vor.u32 v43, v7;
	v38 =	vmul.f32 v26, v26;
	v24 =	vadd.f32 v33, v24  }
0x439: {  	v30 =	vld.idx.msk [tilespmem:v30+s2+$0x0], $0xffff  }
0x43a: {  	v33 =	vor.u32 v39, v7;
	v35 =	vmul.f32 v28, v28;
	v24 =	vadd.f32 v38, v24  }
0x43b: {  	v31 =	vld.idx.msk [tilespmem:v31+s2+$0x0], $0xffff  }
0x43c: {  	v34 =	vor.u32 v45, v7;
	v36 =	vmul.f32 v29, v29;
	v24 =	vadd.f32 v35, v24  }
0x43d: {  	v32 =	vld.idx.msk [tilespmem:v55+s2+$0x0], $0xffff  }
0x43e: {  	v51 =	vor.u32 v50, v7;
	v53 =	vmul.f32 v30, v30;
	v24 =	vadd.f32 v36, v24  }
0x43f: {  	v33 =	vld.idx.msk [tilespmem:v33+s2+$0x0], $0xffff  }
0x440: {  	v54 =	vmul.f32 v31, v31;
	v24 =	vadd.f32 v53, v24  }
0x441: {  	v34 =	vld.idx.msk [tilespmem:v34+s2+$0x0], $0xffff  }
0x442: {  	v55 =	vmul.f32 v32, v32;
	v24 =	vadd.f32 v54, v24  }
0x443: {  	v7 =	vld.idx.msk [tilespmem:v51+s2+$0x0], $0xffff  }
0x444: {  	v45 =	vmul.f32 v33, v33;
	v24 =	vadd.f32 v55, v24;
	_ =	sdelay $0x1  }
0x445: {  	v50 =	vmul.f32 v34, v34;
	v24 =	vadd.f32 v45, v24;
	_ =	sdelay $0x1  }
0x446: {  	v51 =	vmul.f32 v7, v7;
	v24 =	vadd.f32 v50, v24;
	_ =	sdelay $0x1  }
0x447: {  	v24 =	vadd.f32 v51, v24;
	_ =	sdelay $0x1  }
0x448: {  	v53 =	vshra.s32 v24, $0x1;
	v24 =	vmul.f32 $5.000000000e-01, v24  }
0x449: {  	v35 =	vsub.s32 $0x5F3759DF, v53  }
0x44a: {  	v54 =	vmul.f32 v35, v24;
	_ =	sdelay $0x1  }
0x44b: {  	v36 =	vmul.f32 v35, v54;
	_ =	sdelay $0x1  }
0x44c: {  	v36 =	vsub.f32 $1.500000000e+00, v36;
	_ =	sdelay $0x1  }
0x44d: {  	v35 =	vmul.f32 v35, v36;
	_ =	sdelay $0x1  }
0x44e: {  	v36 =	vmul.f32 v35, v24;
	_ =	sdelay $0x1  }
0x44f: {  	v36 =	vmul.f32 v36, v35;
	_ =	sdelay $0x1  }
0x450: {  	v36 =	vsub.f32 $1.500000000e+00, v36;
	_ =	sdelay $0x1  }
0x451: {  	v35 =	vmul.f32 v36, v35;
	_ =	sdelay $0x1  }
0x452: {  	v45 =	vld [tilespmem:$0x1FF00];
	v24 =	vmul.f32 v35, v24;
	_ =	sdelay $0x1  }
0x453: {  	v24 =	vmul.f32 v24, v35;
	_ =	sdelay $0x1  }
0x454: {  	v39 =	vld [tilespmem:$0x1FCD0];
	v24 =	vsub.f32 $1.500000000e+00, v24  }
0x455: {  	v55 =	vor.u32 v45, v1  }
0x456: {  	v37 =	vld [tilespmem:$0x1FCC0];
	v24 =	vmul.f32 v24, v35;
	_ =	sdelay $0x1  }
0x457: {  	v38 =	vld [tilespmem:$0x1FCE0];
	v8 =	vmul.f32 v24, v8  }
0x458: {  	v35 =	vor.u32 v39, v1;
	v39 =	vld [tilespmem:$0x1FCF0]  }
0x459: {  	[tilespmem:v55+s17+$0x0] =	vst.idx.msk $0xffff, v8;
	v8 =	vld [tilespmem:$0x1FD00]  }
0x45a: {  	v37 =	vor.u32 v37, v1;
	_ =	sdelay $0x1  }
0x45b: {  	v38 =	vor.u32 v38, v1  }
0x45c: {  	v9 =	vmul.f32 v24, v9;
	v39 =	vor.u32 v39, v1  }
0x45d: {  	v4 =	vmul.f32 v24, v4;
	v8 =	vor.u32 v8, v1  }
0x45e: {  	v2 =	vmul.f32 v24, v2;
	[tilespmem:v37+s17+$0x0] =	vst.idx.msk $0xffff, v9;
	v9 =	vld [tilespmem:$0x1FD10]  }
0x45f: {  	v50 =	vld [tilespmem:$0x1FD20];
	v3 =	vmul.f32 v24, v3;
	[tilespmem:v35+s17+$0x0] =	vst.idx.msk $0xffff, v4  }
0x460: {  	v51 =	vld [tilespmem:$0x1FD30];
	[tilespmem:v38+s17+$0x0] =	vst.idx.msk $0xffff, v2;
	v2 =	vmul.f32 v24, v5  }
0x461: {  	v53 =	vld [tilespmem:$0x1FD40];
	[tilespmem:v39+s17+$0x0] =	vst.idx.msk $0xffff, v3  }
0x462: {  	[tilespmem:v8+s17+$0x0] =	vst.idx.msk $0xffff, v2;
	v8 =	vld [tilespmem:$0x1FD50]  }
0x463: {  	v9 =	vor.u32 v9, v1  }
0x464: {  	v4 =	vor.u32 v50, v1  }
0x465: {  	v5 =	vor.u32 v51, v1  }
0x466: {  	v3 =	vmul.f32 v24, v6;
	v6 =	vor.u32 v53, v1  }
0x467: {  	v35 =	vld [tilespmem:$0x1FD70];
	v2 =	vmul.f32 v24, v10;
	v8 =	vor.u32 v8, v1  }
0x468: {  	[tilespmem:v9+s17+$0x0] =	vst.idx.msk $0xffff, v3;
	v3 =	vmul.f32 v24, v11;
	v11 =	vld [tilespmem:$0x1FE40]  }
0x469: {  	[tilespmem:v4+s17+$0x0] =	vst.idx.msk $0xffff, v2;
	v2 =	vmul.f32 v24, v12;
	v12 =	vld [tilespmem:$0x1FE50]  }
0x46a: {  	v55 =	vld [tilespmem:$0x1FD60];
	[tilespmem:v5+s17+$0x0] =	vst.idx.msk $0xffff, v3;
	v3 =	vmul.f32 v24, v13  }
0x46b: {  	[tilespmem:v6+s17+$0x0] =	vst.idx.msk $0xffff, v2  }
0x46c: {  	[tilespmem:v8+s17+$0x0] =	vst.idx.msk $0xffff, v3;
	v8 =	vld [tilespmem:$0x1FD80]  }
0x46d: {  	v6 =	vor.u32 v35, v1;
	v35 =	vld [tilespmem:$0x1FE30];
	v9 =	vor.u32 v11, v1  }
0x46e: {  	v54 =	vor.u32 v12, v1  }
0x46f: {  	v5 =	vor.u32 v55, v1  }
0x470: {  	v2 =	vmul.f32 v24, v14  }
0x471: {  	v3 =	vmul.f32 v24, v15;
	v8 =	vor.u32 v8, v1  }
0x472: {  	v36 =	vld [tilespmem:$0x1FD90];
	[tilespmem:v9+s17+$0x0] =	vst.idx.msk $0xffff, v2;
	v2 =	vmul.f32 v24, v16;
	v9 =	vor.u32 v35, v1  }
0x473: {  	v37 =	vld [tilespmem:$0x1FDA0];
	[tilespmem:v54+s17+$0x0] =	vst.idx.msk $0xffff, v3;
	v3 =	vmul.f32 v24, v17  }
0x474: {  	v13 =	vld [tilespmem:$0x1FE60];
	[tilespmem:v5+s17+$0x0] =	vst.idx.msk $0xffff, v2;
	v2 =	vmul.f32 v24, v18  }
0x475: {  	v14 =	vld [tilespmem:$0x1FE70];
	[tilespmem:v6+s17+$0x0] =	vst.idx.msk $0xffff, v3;
	v3 =	vmul.f32 v24, v19  }
0x476: {  	v53 =	vld [tilespmem:$0x1FE00];
	[tilespmem:v8+s17+$0x0] =	vst.idx.msk $0xffff, v2  }
0x477: {  	v4 =	vor.u32 v36, v1;
	[tilespmem:v9+s17+$0x0] =	vst.idx.msk $0xffff, v3;
	v3 =	vmul.f32 v24, v21;
	v21 =	vld [tilespmem:$0x1FE80]  }
0x478: {  	v10 =	vld [tilespmem:$0x1FDD0];
	v5 =	vor.u32 v37, v1  }
0x479: {  	v55 =	vld [tilespmem:$0x1FDF0];
	v38 =	vor.u32 v13, v1  }
0x47a: {  	v54 =	vld [tilespmem:$0x1FDB0];
	v2 =	vmul.f32 v24, v20;
	v8 =	vor.u32 v14, v1  }
0x47b: {  	v20 =	vld [tilespmem:$0x1FE10]  }
0x47c: {  	[tilespmem:v4+s17+$0x0] =	vst.idx.msk $0xffff, v2;
	v2 =	vmul.f32 v24, v22;
	v22 =	vld [tilespmem:$0x1FE20];
	v9 =	vor.u32 v21, v1  }
0x47d: {  	v39 =	vor.u32 v10, v1;
	v19 =	vld [tilespmem:$0x1FDE0];
	[tilespmem:v5+s17+$0x0] =	vst.idx.msk $0xffff, v3;
	v3 =	vmul.f32 v24, v25  }
0x47e: {  	v50 =	vor.u32 v55, v1;
	[tilespmem:v38+s17+$0x0] =	vst.idx.msk $0xffff, v2  }
0x47f: {  	v18 =	vld [tilespmem:$0x1FDC0];
	v36 =	vor.u32 v54, v1;
	v2 =	vmul.f32 v24, v23;
	[tilespmem:v8+s17+$0x0] =	vst.idx.msk $0xffff, v3  }
0x480: {  	v23 =	vld [tilespmem:$0x1FEF0];
	v3 =	vmul.f32 v24, v27;
	v8 =	vor.u32 v53, v1;
	v38 =	vor.u32 v20, v1  }
0x481: {  	v20 =	vld [tilespmem:$0x1FEE0];
	[tilespmem:v9+s17+$0x0] =	vst.idx.msk $0xffff, v2;
	v2 =	vmul.f32 v24, v26;
	v9 =	vor.u32 v22, v1  }
0x482: {  	v37 =	vor.u32 v19, v1;
	[tilespmem:v39+s17+$0x0] =	vst.idx.msk $0xffff, v3;
	v3 =	vmul.f32 v24, v28  }
0x483: {  	[tilespmem:v50+s17+$0x0] =	vst.idx.msk $0xffff, v2;
	v2 =	vmul.f32 v24, v29  }
0x484: {  	v39 =	vor.u32 v18, v1;
	[tilespmem:v36+s17+$0x0] =	vst.idx.msk $0xffff, v3;
	v3 =	vmul.f32 v24, v30  }
0x485: {  	[tilespmem:v8+s17+$0x0] =	vst.idx.msk $0xffff, v2;
	v2 =	vor.u32 v23, v1;
	v8 =	vmul.f32 v24, v31  }
0x486: {  	s18 =	sadd.s32 $0x1, s18;
	v1 =	vor.u32 v20, v1;
	[tilespmem:v9+s17+$0x0] =	vst.idx.msk $0xffff, v3;
	v3 =	vmul.f32 v24, v32  }
0x487: {  	p0 =	sne.s32 s18, $0x10;
	v50 =	vmul.f32 v24, v33;
	[tilespmem:v37+s17+$0x0] =	vst.idx.msk $0xffff, v8  }
.Ltmp2:
0x488: {  	s19 =	sshll.u32 s19, $0x4;
	[tilespmem:v38+s17+$0x0] =	vst.idx.msk $0xffff, v3;
	v3 =	vmul.f32 v24, v34;
	(pc) =	sbr.rel @p0 .LBB2_2-.Ltmp2, $4  }
0x489: {  	s19 =	sadd.s32 s7, s19;
	v51 =	vmul.f32 v24, v7;
	v25 =	vld [tilespmem:$0x1FEB0];
	v28 =	vmov v61;
	[tilespmem:v39+s17+$0x0] =	vst.idx.msk $0xffff, v50  }
0x48a: {  	s19 =	sshrl.u32 s19, $0x3;
	v27 =	vld [tilespmem:$0x1FED0];
	v29 =	vmovc v58;
	v33 =	vmovc v63;
	v63 =	vmov v19;
	v19 =	vmov v23;
	v30 =	vmov v59;
	[tilespmem:v2+s17+$0x0] =	vst.idx.msk $0xffff, v3  }
0x48b: {  	s19 =	sadd.s32 s5, s19;
	v26 =	vld [tilespmem:$0x1FEC0];
	v36 =	vmovc v46;
	v32 =	vmovc v47;
	v37 =	vmov v56;
	v56 =	vmov v10;
	v10 =	vmov v35;
	[tilespmem:v1+s17+$0x0] =	vst.idx.msk $0xffff, v51  }
0x48c: {  	v24 =	vld [tilespmem:$0x1FEA0];
	v38 =	vmovc v52;
	v34 =	vmovc v43;
	v43 =	vmov v11;
	v39 =	vmov v0;
	v1 =	vmov v22;
	[hbm4b:s19+s14] =	stream.strided.scatter [tilespmem:s17], [sflag:$0x4], $0x6400, s15, s14, $0x38  }
0x48d: {  	s18 =	simm.s32 $0x3  }
0x48e: {  	_ =	swait.ge [sflag:s18], $0x6400  }
0x48f: {  	[sflag:s18] =	ssyncset.done $0x0  }
0x490: {  	s19 =	simm.s32 $0x4;
	[sflag:s18] =	ssyncadd.s32 $0xFFFF9C00  }
0x491: {  	_ =	swait.ge [sflag:s19], $0x6400  }
0x492: {  	s20 =	rddreg [dreg:$0x5]  }
0x493: {  	s22 =	rddreg [dreg:$0x4];
	s20 =	sadd.s32 $0x1, s20  }
0x494: {  	p0 =	sne.s32 s20, s22  }
.Ltmp3:
0x495: {  	_ = 	snop;
	(pc) =	sbr.rel @p0 .LBB2_1-.Ltmp3, $3  }
0x496: {  	_ =	sdelay $0x1  }
0x497: {  	[sflag:s19] =	ssyncset.done $0x0  }
0x498: {  	[sflag:s19] =	ssyncadd.s32 $0xFFFF9C00  }
0x499: {  	_ =	sfence.sel $0x180000  }
0x49a: {  	[bflag:$0x0] =	sbarrier.arrive $0xFFFF  }
0x49b: {  	_ =	strace $0x90000047  }
0x49c: {  	s0 =	stileid.u32;
	[bflag:$0x2] =	sbarrier.arrive $0xFFFF  }
0x49d: {  	p0 =	sne.s32 s0, $0x0;
	s0 =	rddreg [dreg:$0x2]  }
0x49e: {  	s0 =	sadd.s32 @!p0 $0x100000, s0  }
0x49f: {  	[sflag:s0] =	ssyncadd.tile.s32 @!p0 $0x1;
	_ =	shalt  }
.Lfunc_end2:
_tile_overlayer_lowered:
.L_overlay_start_2:
0x4a0: {  	(tag) =	ssettag $0x2  }
0x4a1: {  	s0 =	rddreg [dreg:$0x0];
	s2 =	stileid.u32  }
0x4a2: {  	s1 =	rddreg [dreg:$0x1];
	p0 =	sne.s32 s2, $0x0  }
0x4a3: {  	s3 =	rddreg [dreg:$0x2];
	[bflag:$0x3] =	sbarrier.arrive $0xFFFF;
	s2 =	simm.s32 @!p0 $0x1C05  }
0x4a4: {  	[timem:s3], [sflag:s2] =	dma.local @!p0 [hbm:s0], s1  }
0x4a5: {  	s0 =	simm.s32 @!p0 $0x5  }
0x4a6: {  	_ =	swait.ge @!p0 [sflag:s0], s1  }
0x4a7: {  	s1 =	ssub.s32 @!p0 $0x0, s1;
	[sflag:s0] =	ssyncset.done @!p0 $0x0  }
0x4a8: {  	[sflag:s0] =	ssyncadd.s32 @!p0 s1  }
0x4a9: {  	[bflag:$0x3] =	sbarrier.arrive $0xFFFF  }
0x4aa: {  	_ =	shalt  }

</sc_bundles>
